<compile_context>
chip_gen: v7x
topology: tpu7x:2x2x1
jax: 0.10.2.dev20260603
libtpu: 0.0.44.dev20260713+nightly
codegen_flags: <defaults>
</compile_context>

<pallas_src>
import functools

import jax
import jax.numpy as jnp
from jax import lax
from jax.experimental import pallas as pl
from jax.experimental.pallas import tpu as pltpu
from jax.experimental.pallas import tpu_sc as plsc

N = 10000
E = 320000
FEAT = 128
NCLASS = 40

NC = 2
NS = 16
NLANE = 16
NW = NC * NS
CHUNK = 128
EPT = 10240
NCHF = EPT // CHUNK
NCHL = (E - (NW - 1) * EPT) // CHUNK
N_PAD = 10240
RPT = N_PAD // NS
CROWS = N_PAD // FEAT
NBUF = 2

_mesh = plsc.VectorSubcoreMesh(core_axis_name="c", subcore_axis_name="s")


@functools.partial(
    pl.kernel,
    out_type=jax.ShapeDtypeStruct((NC, N_PAD, FEAT), jnp.float32),
    mesh=_mesh,
    scratch_types=[
        pltpu.VMEM((EPT,), jnp.int32),
        pltpu.VMEM((NBUF, CHUNK), jnp.int32),
        pltpu.VMEM((NBUF, CHUNK, FEAT), jnp.float32),
        pltpu.VMEM_SHARED((N_PAD, FEAT), jnp.float32),
        pltpu.SemaphoreType.DMA,
        pltpu.SemaphoreType.DMA,
        pltpu.SemaphoreType.DMA,
        pltpu.SemaphoreType.DMA,
    ],
)
def _sc_agg(x_hbm, src_hbm, dst_hbm, sums_out,
            src_v, dst_buf, rows_v, acc, gsem0, gsem1, dsem0, dsem1):
    c = lax.axis_index("c")
    s = lax.axis_index("s")
    wid = c * NS + s
    ebase = wid * EPT
    nch = jnp.where(wid == NW - 1, NCHL, NCHF)
    gsems = (gsem0, gsem1)
    dsems = (dsem0, dsem1)

    @pl.when(wid < NW - 1)
    def _():
        pltpu.sync_copy(src_hbm.at[pl.ds(ebase, EPT)], src_v)

    @pl.when(wid == NW - 1)
    def _():
        pltpu.sync_copy(src_hbm.at[pl.ds(ebase, NCHL * CHUNK)],
                        src_v.at[pl.ds(0, NCHL * CHUNK)])

    zeros16 = jnp.zeros((NLANE,), jnp.float32)

    @pl.loop(0, CHUNK)
    def _(i):
        for j in range(FEAT // NLANE):
            rows_v[0, i, pl.ds(j * NLANE, NLANE)] = zeros16

    base = s * RPT
    for k in range(RPT // CHUNK):
        pltpu.sync_copy(rows_v.at[0], acc.at[pl.ds(base + k * CHUNK, CHUNK)])

    for b in range(NBUF):
        pltpu.async_copy(dst_hbm.at[pl.ds(ebase + b * CHUNK, CHUNK)],
                         dst_buf.at[b], dsems[b])
        pltpu.async_copy(x_hbm.at[src_v.at[pl.ds(b * CHUNK, CHUNK)]],
                         rows_v.at[b], gsems[b])

    plsc.subcore_barrier()

    @pl.loop(0, nch, step=NBUF)
    def _(i0):
        for b in range(NBUF):
            i = i0 + b
            off = pl.multiple_of(i * CHUNK, CHUNK)
            pltpu.make_async_copy(
                dst_hbm.at[pl.ds(ebase + off, CHUNK)],
                dst_buf.at[b], dsems[b]).wait()
            pltpu.make_async_copy(
                x_hbm.at[src_v.at[pl.ds(off, CHUNK)]],
                rows_v.at[b], gsems[b]).wait()
            pltpu.sync_copy(rows_v.at[b], acc.at[dst_buf.at[b]], add=True)
            nxt = i + NBUF

            @pl.when(nxt < nch)
            def _():
                noff = pl.multiple_of(nxt * CHUNK, CHUNK)
                pltpu.async_copy(dst_hbm.at[pl.ds(ebase + noff, CHUNK)],
                                 dst_buf.at[b], dsems[b])
                pltpu.async_copy(x_hbm.at[src_v.at[pl.ds(noff, CHUNK)]],
                                 rows_v.at[b], gsems[b])

    plsc.subcore_barrier()
    pltpu.sync_copy(acc.at[pl.ds(base, RPT)], sums_out.at[c, pl.ds(base, RPT)])


@functools.partial(
    pl.kernel,
    out_type=jax.ShapeDtypeStruct((NC, N_PAD, FEAT), jnp.float32),
    mesh=_mesh,
    scratch_types=[
        pltpu.VMEM((NBUF, CHUNK), jnp.int32),
        pltpu.VMEM((CHUNK, FEAT), jnp.float32),
        pltpu.VMEM_SHARED((N_PAD, FEAT), jnp.float32),
        pltpu.SemaphoreType.DMA,
        pltpu.SemaphoreType.DMA,
    ],
)
def _sc_counts(dst_hbm, cnt_out, dst_buf, ones_v, acc, dsem0, dsem1):
    c = lax.axis_index("c")
    s = lax.axis_index("s")
    wid = c * NS + s
    ebase = wid * EPT
    nch = jnp.where(wid == NW - 1, NCHL, NCHF)
    dsems = (dsem0, dsem1)

    for b in range(NBUF):
        pltpu.async_copy(dst_hbm.at[pl.ds(ebase + b * CHUNK, CHUNK)],
                         dst_buf.at[b], dsems[b])

    zeros16 = jnp.zeros((NLANE,), jnp.float32)
    ones16 = jnp.ones((NLANE,), jnp.float32)

    @pl.loop(0, CHUNK)
    def _(i):
        for j in range(FEAT // NLANE):
            ones_v[i, pl.ds(j * NLANE, NLANE)] = zeros16

    base = s * RPT
    for k in range(RPT // CHUNK):
        pltpu.sync_copy(ones_v, acc.at[pl.ds(base + k * CHUNK, CHUNK)])

    @pl.loop(0, CHUNK)
    def _(i):
        for j in range(FEAT // NLANE):
            ones_v[i, pl.ds(j * NLANE, NLANE)] = ones16

    plsc.subcore_barrier()

    @pl.loop(0, nch, step=NBUF)
    def _(i0):
        for b in range(NBUF):
            i = i0 + b
            off = pl.multiple_of(i * CHUNK, CHUNK)
            pltpu.make_async_copy(
                dst_hbm.at[pl.ds(ebase + off, CHUNK)],
                dst_buf.at[b], dsems[b]).wait()
            pltpu.sync_copy(ones_v, acc.at[dst_buf.at[b]], add=True)
            nxt = i + NBUF

            @pl.when(nxt < nch)
            def _():
                noff = pl.multiple_of(nxt * CHUNK, CHUNK)
                pltpu.async_copy(dst_hbm.at[pl.ds(ebase + noff, CHUNK)],
                                 dst_buf.at[b], dsems[b])

    plsc.subcore_barrier()
    pltpu.sync_copy(acc.at[pl.ds(base, RPT)], cnt_out.at[c, pl.ds(base, RPT)])


BLK = 1000


def _mean_agg(sums_ref, cnt_ref):
    cnt = cnt_ref[0] + cnt_ref[1]
    return (sums_ref[0] + sums_ref[1]) / jnp.maximum(cnt, 1.0)


def _l2_normalize(h):
    nrm = jnp.sqrt(jnp.sum(h * h, axis=1, keepdims=True))
    return h / jnp.maximum(nrm, 1e-12)


def _dense1_body(sums_ref, cnt_ref, x_ref, wl_ref, bl_ref, wr_ref, o_ref):
    agg = _mean_agg(sums_ref, cnt_ref)
    h = (jnp.dot(agg, wl_ref[...], preferred_element_type=jnp.float32)
         + jnp.dot(x_ref[...], wr_ref[...], preferred_element_type=jnp.float32)
         + bl_ref[...])
    o_ref[...] = jnp.maximum(_l2_normalize(h), 0.0)


def _dense2_body(sums_ref, cnt_ref, h_ref, wl_ref, bl_ref, wr_ref,
                 wfc_ref, bfc_ref, o_ref):
    agg = _mean_agg(sums_ref, cnt_ref)
    h2 = (jnp.dot(agg, wl_ref[...], preferred_element_type=jnp.float32)
          + jnp.dot(h_ref[...], wr_ref[...], preferred_element_type=jnp.float32)
          + bl_ref[...])
    h2 = _l2_normalize(h2)
    logits = jnp.dot(h2, wfc_ref[...], preferred_element_type=jnp.float32)
    logits = logits + bfc_ref[...]
    m = jnp.max(logits, axis=1, keepdims=True)
    e = jnp.exp(logits - m)
    o_ref[...] = e / jnp.sum(e, axis=1, keepdims=True)


_full = pl.BlockSpec((FEAT, FEAT), lambda i: (0, 0))
_bias = pl.BlockSpec((1, FEAT), lambda i: (0, 0))
_rows = pl.BlockSpec((BLK, FEAT), lambda i: (i, 0))
_sums = pl.BlockSpec((NC, BLK, FEAT), lambda i: (0, i, 0))
_cnts = _sums

_dense1 = pl.pallas_call(
    _dense1_body,
    grid=(N // BLK,),
    in_specs=[_sums, _cnts, _rows, _full, _bias, _full],
    out_specs=_rows,
    out_shape=jax.ShapeDtypeStruct((N, FEAT), jnp.float32),
)

_dense2 = pl.pallas_call(
    _dense2_body,
    grid=(N // BLK,),
    in_specs=[_sums, _cnts, _rows, _full, _bias, _full, _full, _bias],
    out_specs=_rows,
    out_shape=jax.ShapeDtypeStruct((N, FEAT), jnp.float32),
)


@jax.jit
def kernel(x, edge_index, W1l, b1l, W1r, W2l, b2l, W2r, Wfc, bfc):
    src = edge_index[0]
    dst = edge_index[1]

    sums1 = _sc_agg(x, src, dst)
    cnt = _sc_counts(dst)
    h1 = _dense1(sums1, cnt, x, W1l.T, b1l.reshape(1, FEAT), W1r.T)

    sums2 = _sc_agg(h1, src, dst)
    wfc_pad = jnp.zeros((FEAT, FEAT), jnp.float32).at[:, :NCLASS].set(Wfc.T)
    bfc_pad = jnp.full((1, FEAT), -1e30, jnp.float32).at[0, :NCLASS].set(bfc)
    probs = _dense2(sums2, cnt, h1,
                    W2l.T, b2l.reshape(1, FEAT), W2r.T, wfc_pad, bfc_pad)
    return probs[:, :NCLASS]

# --- scband reference (transcript-rebuilt; emitter-appended) ---
"""Pipeline reference for scband-sage-49478023249973 (READ-ONLY COPY).

The authoritative reference and input builder live on the scoring server;
editing this copy changes nothing except your own understanding.
"""

import jax, jax.numpy as jnp
import numpy as np

N = 10000
E = 320000
NFEAT = 128
NHID = 128
NCLASS = 40


def _glorot(key, shape):
    fan_in, fan_out = shape[1], shape[0]
    limit = np.sqrt(6.0 / (fan_in + fan_out))
    return jax.random.uniform(key, shape, dtype=jnp.float32, minval=-limit, maxval=limit)


def setup_inputs(seed: int = 0):
    key = jax.random.key(seed)
    ks = [jax.random.fold_in(key, i) for i in range(12)]
    x = jax.random.normal(ks[0], (N, NFEAT), dtype=jnp.float32)
    edge_index = jax.random.randint(ks[1], (2, E), 0, N, dtype=jnp.int32)
    # SAGEConv params: lin_l (on aggregated neighbors, with bias), lin_r (on root, no bias)
    W1l = _glorot(ks[2], (NHID, NFEAT))
    b1l = jnp.zeros((NHID,), dtype=jnp.float32)
    W1r = _glorot(ks[3], (NHID, NFEAT))
    W2l = _glorot(ks[4], (NHID, NHID))
    b2l = jnp.zeros((NHID,), dtype=jnp.float32)
    W2r = _glorot(ks[5], (NHID, NHID))
    Wfc = _glorot(ks[6], (NCLASS, NHID))
    bfc = jnp.zeros((NCLASS,), dtype=jnp.float32)
    return {"x": x, "edge_index": edge_index, "W1l": W1l, "b1l": b1l, "W1r": W1r,
            "W2l": W2l, "b2l": b2l, "W2r": W2r, "Wfc": Wfc, "bfc": bfc}


def _sage_conv(x, edge_index, Wl, bl, Wr):
    # mean aggregation of source features at destination nodes
    src = edge_index[0]
    dst = edge_index[1]
    msg = jnp.take(x, src, axis=0)                      # gather [E, d]
    summed = jax.ops.segment_sum(msg, dst, num_segments=N)   # scatter-add
    cnt = jax.ops.segment_sum(jnp.ones((E,), dtype=x.dtype), dst, num_segments=N)
    agg = summed / jnp.clip(cnt, 1.0, None)[:, None]
    out = agg @ Wl.T + bl + x @ Wr.T
    # normalize=True -> L2 normalize output rows
    norm = jnp.linalg.norm(out, ord=2, axis=-1, keepdims=True)
    out = out / jnp.clip(norm, 1e-12, None)
    return out


def reference(x, edge_index, W1l, b1l, W1r, W2l, b2l, W2r, Wfc, bfc):
    h = _sage_conv(x, edge_index, W1l, b1l, W1r)
    h = jax.nn.relu(h)  # transition: ReLU + Dropout (dropout = identity in eval)
    h = _sage_conv(h, edge_index, W2l, b2l, W2r)
    logits = h @ Wfc.T + bfc
    return jax.nn.softmax(logits, axis=-1)

if __name__ == "__main__":
    import jax
    _d = setup_inputs()
    print(jax.jit(kernel)(*tuple(_d.values())))

</pallas_src>

<mosaic_0001>
#map = affine_map<(d0, d1) -> (0, 0)>
#map1 = affine_map<(d0, d1) -> (0)>
#map2 = affine_map<(d0, d1) -> (0, 0, 0)>
module attributes {stable_mosaic.version = 14 : i64} {
  func.func @_sc_agg(%arg0: i32, %arg1: i32, %arg2: memref<10000x128xf32, #tpu.memory_space<hbm>>, %arg3: memref<320000xi32, #tpu.memory_space<hbm>>, %arg4: memref<320000xi32, #tpu.memory_space<hbm>>, %arg5: memref<2x10240x128xf32, #tpu.memory_space<hbm>>, %arg6: memref<10240xi32, #tpu.memory_space<vmem>>, %arg7: memref<2x128xi32, #tpu.memory_space<vmem>>, %arg8: memref<2x128x128xf32, #tpu.memory_space<vmem>>, %arg9: memref<10240x128xf32, #tpu.memory_space<vmem_shared>>, %arg10: memref<!tpu.dma_semaphore, #tpu.memory_space<semaphore_mem>>, %arg11: memref<!tpu.dma_semaphore, #tpu.memory_space<semaphore_mem>>, %arg12: memref<!tpu.dma_semaphore, #tpu.memory_space<semaphore_mem>>, %arg13: memref<!tpu.dma_semaphore, #tpu.memory_space<semaphore_mem>>) attributes {dimension_semantics = [#tpu.dimension_semantics<core_parallel>, #tpu.dimension_semantics<subcore_parallel>], iteration_bounds = array<i64: 2, 16>, scalar_prefetch = 0 : i64, scratch_operands = 8 : i64, tpu.core_type = #tpu.core_type<sc_vector_subcore>, window_params = [{transform_indices = #map}, {transform_indices = #map1}, {transform_indices = #map1}, {transform_indices = #map2}]} {
    %mul3A = arith.constant 16 : i32
    %mul3A_0 = arith.muli %arg0, %mul3A : i32
    %add3A = arith.addi %mul3A_0, %arg1 : i32
    %mul3A_1 = arith.constant 10240 : i32
    %mul3A_2 = arith.muli %add3A, %mul3A_1 : i32
    %eq3A = arith.constant 31 : i32
    %eq3A_3 = arith.cmpi eq, %add3A, %eq3A : i32
    %jit3A = arith.constant 20 : i32
    %jit3A_4 = arith.constant 80 : i32
    %select_n3A = arith.select %eq3A_3, %jit3A, %jit3A_4 : i32
    %lt3A = arith.constant 31 : i32
    %lt3A_5 = arith.cmpi slt, %add3A, %lt3A : i32
    %convert_element_type3A = arith.extui %lt3A_5 : i1 to i32
    %cond3A = arith.constant 0 : i32
    %cond3A_6 = arith.cmpi ne, %convert_element_type3A, %cond3A : i32
    scf.if %cond3A_6 {
      "tpu.region"() ({
        %run_scoped3A_91 = tpu.sem_alloc : memref<!tpu.dma_semaphore, #tpu.memory_space<semaphore_mem>>
        %dma_start3A_92 = tpu.memref_slice %arg3[%mul3A_2] : memref<320000xi32, #tpu.memory_space<hbm>> -> memref<10240xi32, #tpu.memory_space<hbm>>
        %dma_start3A_93 = tpu.memref_slice %arg3[%mul3A_2] : memref<320000xi32, #tpu.memory_space<hbm>> -> memref<10240xi32, #tpu.memory_space<hbm>>
        tpu.enqueue_dma source(%dma_start3A_93 : memref<10240xi32, #tpu.memory_space<hbm>>) target(%arg6 : memref<10240xi32, #tpu.memory_space<vmem>>) target_semaphore(%run_scoped3A_91 : memref<!tpu.dma_semaphore, #tpu.memory_space<semaphore_mem>>)
        %dma_wait3A = tpu.memref_slice %arg3[%mul3A_2] : memref<320000xi32, #tpu.memory_space<hbm>> -> memref<10240xi32, #tpu.memory_space<hbm>>
        %dma_wait3A_94 = tpu.memref_slice %arg3[%mul3A_2] : memref<320000xi32, #tpu.memory_space<hbm>> -> memref<10240xi32, #tpu.memory_space<hbm>>
        tpu.wait_dma2 semaphore(%run_scoped3A_91 : memref<!tpu.dma_semaphore, #tpu.memory_space<semaphore_mem>>) src(%dma_wait3A_94 : memref<10240xi32, #tpu.memory_space<hbm>>) dst(%arg6 : memref<10240xi32, #tpu.memory_space<vmem>>)
        tpu.yield
      }) : () -> ()
    } else {
    }
    %eq3A_7 = arith.constant 31 : i32
    %eq3A_8 = arith.cmpi eq, %add3A, %eq3A_7 : i32
    %convert_element_type3A_9 = arith.extui %eq3A_8 : i1 to i32
    %cond3A_10 = arith.constant 0 : i32
    %cond3A_11 = arith.cmpi ne, %convert_element_type3A_9, %cond3A_10 : i32
    scf.if %cond3A_11 {
      "tpu.region"() ({
        %run_scoped3A_91 = tpu.sem_alloc : memref<!tpu.dma_semaphore, #tpu.memory_space<semaphore_mem>>
        %dma_start3A_92 = arith.constant 0 : i32
        %dma_start3A_93 = tpu.memref_slice %arg6[%dma_start3A_92] : memref<10240xi32, #tpu.memory_space<vmem>> -> memref<2560xi32, #tpu.memory_space<vmem>>
        %dma_start3A_94 = tpu.memref_slice %arg3[%mul3A_2] : memref<320000xi32, #tpu.memory_space<hbm>> -> memref<2560xi32, #tpu.memory_space<hbm>>
        %dma_start3A_95 = arith.constant 0 : i32
        %dma_start3A_96 = tpu.memref_slice %arg6[%dma_start3A_95] : memref<10240xi32, #tpu.memory_space<vmem>> -> memref<2560xi32, #tpu.memory_space<vmem>>
        %dma_start3A_97 = tpu.memref_slice %arg3[%mul3A_2] : memref<320000xi32, #tpu.memory_space<hbm>> -> memref<2560xi32, #tpu.memory_space<hbm>>
        tpu.enqueue_dma source(%dma_start3A_97 : memref<2560xi32, #tpu.memory_space<hbm>>) target(%dma_start3A_96 : memref<2560xi32, #tpu.memory_space<vmem>>) target_semaphore(%run_scoped3A_91 : memref<!tpu.dma_semaphore, #tpu.memory_space<semaphore_mem>>)
        %dma_wait3A = arith.constant 0 : i32
        %dma_wait3A_98 = tpu.memref_slice %arg6[%dma_wait3A] : memref<10240xi32, #tpu.memory_space<vmem>> -> memref<2560xi32, #tpu.memory_space<vmem>>
        %dma_wait3A_99 = tpu.memref_slice %arg3[%mul3A_2] : memref<320000xi32, #tpu.memory_space<hbm>> -> memref<2560xi32, #tpu.memory_space<hbm>>
        %dma_wait3A_100 = arith.constant 0 : i32
        %dma_wait3A_101 = tpu.memref_slice %arg6[%dma_wait3A_100] : memref<10240xi32, #tpu.memory_space<vmem>> -> memref<2560xi32, #tpu.memory_space<vmem>>
        %dma_wait3A_102 = tpu.memref_slice %arg3[%mul3A_2] : memref<320000xi32, #tpu.memory_space<hbm>> -> memref<2560xi32, #tpu.memory_space<hbm>>
        tpu.wait_dma2 semaphore(%run_scoped3A_91 : memref<!tpu.dma_semaphore, #tpu.memory_space<semaphore_mem>>) src(%dma_wait3A_102 : memref<2560xi32, #tpu.memory_space<hbm>>) dst(%dma_wait3A_101 : memref<2560xi32, #tpu.memory_space<vmem>>)
        tpu.yield
      }) : () -> ()
    } else {
    }
    %broadcast_in_dim3A = arith.constant 0.000000e+00 : f32
    %broadcast_in_dim3A_12 = vector.broadcast %broadcast_in_dim3A : f32 to vector<16xf32>
    %scan3A = arith.constant 0 : i32
    %scan3A_13 = arith.constant 128 : i32
    %scan3A_14 = arith.addi %scan3A, %scan3A_13 : i32
    %scan3A_15 = arith.constant 1 : i32
    scf.for %scan3A_91 = %scan3A to %scan3A_14 step %scan3A_15  : i32 {
      %mul3A_92 = arith.constant 1 : i32
      %mul3A_93 = arith.muli %scan3A_91, %mul3A_92 : i32
      %add3A_94 = arith.constant 0 : i32
      %add3A_95 = arith.addi %add3A_94, %mul3A_93 : i32
      %swap3A = arith.constant 0 : i32
      %swap3A_96 = arith.index_cast %swap3A : i32 to index
      %swap3A_97 = arith.index_cast %add3A_95 : i32 to index
      %swap3A_98 = arith.constant 0 : index
      %swap3A_99 = tpu.vector_load %arg8[%swap3A_96, %swap3A_97, %swap3A_98] {strides = array<i32>} : memref<2x128x128xf32, #tpu.memory_space<vmem>>, vector<1x1x16xf32>,
      %swap3A_100 = vector.shape_cast %swap3A_99 : vector<1x1x16xf32> to vector<16xf32>
      %swap3A_101 = vector.shape_cast %broadcast_in_dim3A_12 : vector<16xf32> to vector<1x1x16xf32>
      tpu.vector_store %arg8[%swap3A_96, %swap3A_97, %swap3A_98], %swap3A_101 {strides = array<i32>} : memref<2x128x128xf32, #tpu.memory_space<vmem>>, vector<1x1x16xf32>,
      %swap3A_102 = arith.constant 0 : i32
      %swap3A_103 = arith.index_cast %swap3A_102 : i32 to index
      %swap3A_104 = arith.index_cast %add3A_95 : i32 to index
      %swap3A_105 = arith.constant 16 : index
      %swap3A_106 = tpu.vector_load %arg8[%swap3A_103, %swap3A_104, %swap3A_105] {strides = array<i32>} : memref<2x128x128xf32, #tpu.memory_space<vmem>>, vector<1x1x16xf32>,
      %swap3A_107 = vector.shape_cast %swap3A_106 : vector<1x1x16xf32> to vector<16xf32>
      %swap3A_108 = vector.shape_cast %broadcast_in_dim3A_12 : vector<16xf32> to vector<1x1x16xf32>
      tpu.vector_store %arg8[%swap3A_103, %swap3A_104, %swap3A_105], %swap3A_108 {strides = array<i32>} : memref<2x128x128xf32, #tpu.memory_space<vmem>>, vector<1x1x16xf32>,
      %swap3A_109 = arith.constant 0 : i32
      %swap3A_110 = arith.index_cast %swap3A_109 : i32 to index
      %swap3A_111 = arith.index_cast %add3A_95 : i32 to index
      %swap3A_112 = arith.constant 32 : index
      %swap3A_113 = tpu.vector_load %arg8[%swap3A_110, %swap3A_111, %swap3A_112] {strides = array<i32>} : memref<2x128x128xf32, #tpu.memory_space<vmem>>, vector<1x1x16xf32>,
      %swap3A_114 = vector.shape_cast %swap3A_113 : vector<1x1x16xf32> to vector<16xf32>
      %swap3A_115 = vector.shape_cast %broadcast_in_dim3A_12 : vector<16xf32> to vector<1x1x16xf32>
      tpu.vector_store %arg8[%swap3A_110, %swap3A_111, %swap3A_112], %swap3A_115 {strides = array<i32>} : memref<2x128x128xf32, #tpu.memory_space<vmem>>, vector<1x1x16xf32>,
      %swap3A_116 = arith.constant 0 : i32
      %swap3A_117 = arith.index_cast %swap3A_116 : i32 to index
      %swap3A_118 = arith.index_cast %add3A_95 : i32 to index
      %swap3A_119 = arith.constant 48 : index
      %swap3A_120 = tpu.vector_load %arg8[%swap3A_117, %swap3A_118, %swap3A_119] {strides = array<i32>} : memref<2x128x128xf32, #tpu.memory_space<vmem>>, vector<1x1x16xf32>,
      %swap3A_121 = vector.shape_cast %swap3A_120 : vector<1x1x16xf32> to vector<16xf32>
      %swap3A_122 = vector.shape_cast %broadcast_in_dim3A_12 : vector<16xf32> to vector<1x1x16xf32>
      tpu.vector_store %arg8[%swap3A_117, %swap3A_118, %swap3A_119], %swap3A_122 {strides = array<i32>} : memref<2x128x128xf32, #tpu.memory_space<vmem>>, vector<1x1x16xf32>,
      %swap3A_123 = arith.constant 0 : i32
      %swap3A_124 = arith.index_cast %swap3A_123 : i32 to index
      %swap3A_125 = arith.index_cast %add3A_95 : i32 to index
      %swap3A_126 = arith.constant 64 : index
      %swap3A_127 = tpu.vector_load %arg8[%swap3A_124, %swap3A_125, %swap3A_126] {strides = array<i32>} : memref<2x128x128xf32, #tpu.memory_space<vmem>>, vector<1x1x16xf32>,
      %swap3A_128 = vector.shape_cast %swap3A_127 : vector<1x1x16xf32> to vector<16xf32>
      %swap3A_129 = vector.shape_cast %broadcast_in_dim3A_12 : vector<16xf32> to vector<1x1x16xf32>
      tpu.vector_store %arg8[%swap3A_124, %swap3A_125, %swap3A_126], %swap3A_129 {strides = array<i32>} : memref<2x128x128xf32, #tpu.memory_space<vmem>>, vector<1x1x16xf32>,
      %swap3A_130 = arith.constant 0 : i32
      %swap3A_131 = arith.index_cast %swap3A_130 : i32 to index
      %swap3A_132 = arith.index_cast %add3A_95 : i32 to index
      %swap3A_133 = arith.constant 80 : index
      %swap3A_134 = tpu.vector_load %arg8[%swap3A_131, %swap3A_132, %swap3A_133] {strides = array<i32>} : memref<2x128x128xf32, #tpu.memory_space<vmem>>, vector<1x1x16xf32>,
      %swap3A_135 = vector.shape_cast %swap3A_134 : vector<1x1x16xf32> to vector<16xf32>
      %swap3A_136 = vector.shape_cast %broadcast_in_dim3A_12 : vector<16xf32> to vector<1x1x16xf32>
      tpu.vector_store %arg8[%swap3A_131, %swap3A_132, %swap3A_133], %swap3A_136 {strides = array<i32>} : memref<2x128x128xf32, #tpu.memory_space<vmem>>, vector<1x1x16xf32>,
      %swap3A_137 = arith.constant 0 : i32
      %swap3A_138 = arith.index_cast %swap3A_137 : i32 to index
      %swap3A_139 = arith.index_cast %add3A_95 : i32 to index
      %swap3A_140 = arith.constant 96 : index
      %swap3A_141 = tpu.vector_load %arg8[%swap3A_138, %swap3A_139, %swap3A_140] {strides = array<i32>} : memref<2x128x128xf32, #tpu.memory_space<vmem>>, vector<1x1x16xf32>,
      %swap3A_142 = vector.shape_cast %swap3A_141 : vector<1x1x16xf32> to vector<16xf32>
      %swap3A_143 = vector.shape_cast %broadcast_in_dim3A_12 : vector<16xf32> to vector<1x1x16xf32>
      tpu.vector_store %arg8[%swap3A_138, %swap3A_139, %swap3A_140], %swap3A_143 {strides = array<i32>} : memref<2x128x128xf32, #tpu.memory_space<vmem>>, vector<1x1x16xf32>,
      %swap3A_144 = arith.constant 0 : i32
      %swap3A_145 = arith.index_cast %swap3A_144 : i32 to index
      %swap3A_146 = arith.index_cast %add3A_95 : i32 to index
      %swap3A_147 = arith.constant 112 : index
      %swap3A_148 = tpu.vector_load %arg8[%swap3A_145, %swap3A_146, %swap3A_147] {strides = array<i32>} : memref<2x128x128xf32, #tpu.memory_space<vmem>>, vector<1x1x16xf32>,
      %swap3A_149 = vector.shape_cast %swap3A_148 : vector<1x1x16xf32> to vector<16xf32>
      %swap3A_150 = vector.shape_cast %broadcast_in_dim3A_12 : vector<16xf32> to vector<1x1x16xf32>
      tpu.vector_store %arg8[%swap3A_145, %swap3A_146, %swap3A_147], %swap3A_150 {strides = array<i32>} : memref<2x128x128xf32, #tpu.memory_space<vmem>>, vector<1x1x16xf32>,
    }
    %scan3A_16 = arith.constant 128 : i32
    %mul3A_17 = arith.constant 640 : i32
    %mul3A_18 = arith.muli %arg1, %mul3A_17 : i32
    %add3A_19 = arith.constant 0 : i32
    %add3A_20 = arith.addi %mul3A_18, %add3A_19 : i32
    %run_scoped3A = arith.constant 0 : i32
    "tpu.region"() ({
      %run_scoped3A_91 = tpu.sem_alloc : memref<!tpu.dma_semaphore, #tpu.memory_space<semaphore_mem>>
      %dma_start3A_92 = arith.constant 0 : i32
      %dma_start3A_93 = arith.constant 0 : i32
      %dma_start3A_94 = tpu.memref_slice %arg8[%run_scoped3A, %dma_start3A_92, %dma_start3A_93] : memref<2x128x128xf32, #tpu.memory_space<vmem>> -> memref<1x128x128xf32, #tpu.memory_space<vmem>>
      %dma_start3A_95 = tpu.memref_squeeze %dma_start3A_94 : memref<1x128x128xf32, #tpu.memory_space<vmem>> -> memref<128x128xf32, #tpu.memory_space<vmem>>
      %dma_start3A_96 = arith.constant 0 : i32
      %dma_start3A_97 = tpu.memref_slice %arg9[%add3A_20, %dma_start3A_96] : memref<10240x128xf32, #tpu.memory_space<vmem_shared>> -> memref<128x128xf32, #tpu.memory_space<vmem_shared>>
      %dma_start3A_98 = arith.constant 0 : i32
      %dma_start3A_99 = tpu.memref_slice %arg9[%add3A_20, %dma_start3A_98] : memref<10240x128xf32, #tpu.memory_space<vmem_shared>> -> memref<128x128xf32, #tpu.memory_space<vmem_shared>>
      %dma_start3A_100 = arith.constant 0 : i32
      %dma_start3A_101 = arith.constant 0 : i32
      %dma_start3A_102 = tpu.memref_slice %arg8[%run_scoped3A, %dma_start3A_100, %dma_start3A_101] : memref<2x128x128xf32, #tpu.memory_space<vmem>> -> memref<1x128x128xf32, #tpu.memory_space<vmem>>
      %dma_start3A_103 = tpu.memref_squeeze %dma_start3A_102 : memref<1x128x128xf32, #tpu.memory_space<vmem>> -> memref<128x128xf32, #tpu.memory_space<vmem>>
      tpu.enqueue_dma source(%dma_start3A_103 : memref<128x128xf32, #tpu.memory_space<vmem>>) target(%dma_start3A_99 : memref<128x128xf32, #tpu.memory_space<vmem_shared>>) target_semaphore(%run_scoped3A_91 : memref<!tpu.dma_semaphore, #tpu.memory_space<semaphore_mem>>)
      %dma_wait3A = arith.constant 0 : i32
      %dma_wait3A_104 = arith.constant 0 : i32
      %dma_wait3A_105 = tpu.memref_slice %arg8[%run_scoped3A, %dma_wait3A, %dma_wait3A_104] : memref<2x128x128xf32, #tpu.memory_space<vmem>> -> memref<1x128x128xf32, #tpu.memory_space<vmem>>
      %dma_wait3A_106 = tpu.memref_squeeze %dma_wait3A_105 : memref<1x128x128xf32, #tpu.memory_space<vmem>> -> memref<128x128xf32, #tpu.memory_space<vmem>>
      %dma_wait3A_107 = arith.constant 0 : i32
      %dma_wait3A_108 = tpu.memref_slice %arg9[%add3A_20, %dma_wait3A_107] : memref<10240x128xf32, #tpu.memory_space<vmem_shared>> -> memref<128x128xf32, #tpu.memory_space<vmem_shared>>
      %dma_wait3A_109 = arith.constant 0 : i32
      %dma_wait3A_110 = tpu.memref_slice %arg9[%add3A_20, %dma_wait3A_109] : memref<10240x128xf32, #tpu.memory_space<vmem_shared>> -> memref<128x128xf32, #tpu.memory_space<vmem_shared>>
      %dma_wait3A_111 = arith.constant 0 : i32
      %dma_wait3A_112 = arith.constant 0 : i32
      %dma_wait3A_113 = tpu.memref_slice %arg8[%run_scoped3A, %dma_wait3A_111, %dma_wait3A_112] : memref<2x128x128xf32, #tpu.memory_space<vmem>> -> memref<1x128x128xf32, #tpu.memory_space<vmem>>
      %dma_wait3A_114 = tpu.memref_squeeze %dma_wait3A_113 : memref<1x128x128xf32, #tpu.memory_space<vmem>> -> memref<128x128xf32, #tpu.memory_space<vmem>>
      tpu.wait_dma2 semaphore(%run_scoped3A_91 : memref<!tpu.dma_semaphore, #tpu.memory_space<semaphore_mem>>) src(%dma_wait3A_114 : memref<128x128xf32, #tpu.memory_space<vmem>>) dst(%dma_wait3A_110 : memref<128x128xf32, #tpu.memory_space<vmem_shared>>)
      tpu.yield
    }) : () -> ()
    %add3A_21 = arith.constant 128 : i32
    %add3A_22 = arith.addi %mul3A_18, %add3A_21 : i32
    %run_scoped3A_23 = arith.constant 0 : i32
    "tpu.region"() ({
      %run_scoped3A_91 = tpu.sem_alloc : memref<!tpu.dma_semaphore, #tpu.memory_space<semaphore_mem>>
      %dma_start3A_92 = arith.constant 0 : i32
      %dma_start3A_93 = arith.constant 0 : i32
      %dma_start3A_94 = tpu.memref_slice %arg8[%run_scoped3A_23, %dma_start3A_92, %dma_start3A_93] : memref<2x128x128xf32, #tpu.memory_space<vmem>> -> memref<1x128x128xf32, #tpu.memory_space<vmem>>
      %dma_start3A_95 = tpu.memref_squeeze %dma_start3A_94 : memref<1x128x128xf32, #tpu.memory_space<vmem>> -> memref<128x128xf32, #tpu.memory_space<vmem>>
      %dma_start3A_96 = arith.constant 0 : i32
      %dma_start3A_97 = tpu.memref_slice %arg9[%add3A_22, %dma_start3A_96] : memref<10240x128xf32, #tpu.memory_space<vmem_shared>> -> memref<128x128xf32, #tpu.memory_space<vmem_shared>>
      %dma_start3A_98 = arith.constant 0 : i32
      %dma_start3A_99 = tpu.memref_slice %arg9[%add3A_22, %dma_start3A_98] : memref<10240x128xf32, #tpu.memory_space<vmem_shared>> -> memref<128x128xf32, #tpu.memory_space<vmem_shared>>
      %dma_start3A_100 = arith.constant 0 : i32
      %dma_start3A_101 = arith.constant 0 : i32
      %dma_start3A_102 = tpu.memref_slice %arg8[%run_scoped3A_23, %dma_start3A_100, %dma_start3A_101] : memref<2x128x128xf32, #tpu.memory_space<vmem>> -> memref<1x128x128xf32, #tpu.memory_space<vmem>>
      %dma_start3A_103 = tpu.memref_squeeze %dma_start3A_102 : memref<1x128x128xf32, #tpu.memory_space<vmem>> -> memref<128x128xf32, #tpu.memory_space<vmem>>
      tpu.enqueue_dma source(%dma_start3A_103 : memref<128x128xf32, #tpu.memory_space<vmem>>) target(%dma_start3A_99 : memref<128x128xf32, #tpu.memory_space<vmem_shared>>) target_semaphore(%run_scoped3A_91 : memref<!tpu.dma_semaphore, #tpu.memory_space<semaphore_mem>>)
      %dma_wait3A = arith.constant 0 : i32
      %dma_wait3A_104 = arith.constant 0 : i32
      %dma_wait3A_105 = tpu.memref_slice %arg8[%run_scoped3A_23, %dma_wait3A, %dma_wait3A_104] : memref<2x128x128xf32, #tpu.memory_space<vmem>> -> memref<1x128x128xf32, #tpu.memory_space<vmem>>
      %dma_wait3A_106 = tpu.memref_squeeze %dma_wait3A_105 : memref<1x128x128xf32, #tpu.memory_space<vmem>> -> memref<128x128xf32, #tpu.memory_space<vmem>>
      %dma_wait3A_107 = arith.constant 0 : i32
      %dma_wait3A_108 = tpu.memref_slice %arg9[%add3A_22, %dma_wait3A_107] : memref<10240x128xf32, #tpu.memory_space<vmem_shared>> -> memref<128x128xf32, #tpu.memory_space<vmem_shared>>
      %dma_wait3A_109 = arith.constant 0 : i32
      %dma_wait3A_110 = tpu.memref_slice %arg9[%add3A_22, %dma_wait3A_109] : memref<10240x128xf32, #tpu.memory_space<vmem_shared>> -> memref<128x128xf32, #tpu.memory_space<vmem_shared>>
      %dma_wait3A_111 = arith.constant 0 : i32
      %dma_wait3A_112 = arith.constant 0 : i32
      %dma_wait3A_113 = tpu.memref_slice %arg8[%run_scoped3A_23, %dma_wait3A_111, %dma_wait3A_112] : memref<2x128x128xf32, #tpu.memory_space<vmem>> -> memref<1x128x128xf32, #tpu.memory_space<vmem>>
      %dma_wait3A_114 = tpu.memref_squeeze %dma_wait3A_113 : memref<1x128x128xf32, #tpu.memory_space<vmem>> -> memref<128x128xf32, #tpu.memory_space<vmem>>
      tpu.wait_dma2 semaphore(%run_scoped3A_91 : memref<!tpu.dma_semaphore, #tpu.memory_space<semaphore_mem>>) src(%dma_wait3A_114 : memref<128x128xf32, #tpu.memory_space<vmem>>) dst(%dma_wait3A_110 : memref<128x128xf32, #tpu.memory_space<vmem_shared>>)
      tpu.yield
    }) : () -> ()
    %add3A_24 = arith.constant 256 : i32
    %add3A_25 = arith.addi %mul3A_18, %add3A_24 : i32
    %run_scoped3A_26 = arith.constant 0 : i32
    "tpu.region"() ({
      %run_scoped3A_91 = tpu.sem_alloc : memref<!tpu.dma_semaphore, #tpu.memory_space<semaphore_mem>>
      %dma_start3A_92 = arith.constant 0 : i32
      %dma_start3A_93 = arith.constant 0 : i32
      %dma_start3A_94 = tpu.memref_slice %arg8[%run_scoped3A_26, %dma_start3A_92, %dma_start3A_93] : memref<2x128x128xf32, #tpu.memory_space<vmem>> -> memref<1x128x128xf32, #tpu.memory_space<vmem>>
      %dma_start3A_95 = tpu.memref_squeeze %dma_start3A_94 : memref<1x128x128xf32, #tpu.memory_space<vmem>> -> memref<128x128xf32, #tpu.memory_space<vmem>>
      %dma_start3A_96 = arith.constant 0 : i32
      %dma_start3A_97 = tpu.memref_slice %arg9[%add3A_25, %dma_start3A_96] : memref<10240x128xf32, #tpu.memory_space<vmem_shared>> -> memref<128x128xf32, #tpu.memory_space<vmem_shared>>
      %dma_start3A_98 = arith.constant 0 : i32
      %dma_start3A_99 = tpu.memref_slice %arg9[%add3A_25, %dma_start3A_98] : memref<10240x128xf32, #tpu.memory_space<vmem_shared>> -> memref<128x128xf32, #tpu.memory_space<vmem_shared>>
      %dma_start3A_100 = arith.constant 0 : i32
      %dma_start3A_101 = arith.constant 0 : i32
      %dma_start3A_102 = tpu.memref_slice %arg8[%run_scoped3A_26, %dma_start3A_100, %dma_start3A_101] : memref<2x128x128xf32, #tpu.memory_space<vmem>> -> memref<1x128x128xf32, #tpu.memory_space<vmem>>
      %dma_start3A_103 = tpu.memref_squeeze %dma_start3A_102 : memref<1x128x128xf32, #tpu.memory_space<vmem>> -> memref<128x128xf32, #tpu.memory_space<vmem>>
      tpu.enqueue_dma source(%dma_start3A_103 : memref<128x128xf32, #tpu.memory_space<vmem>>) target(%dma_start3A_99 : memref<128x128xf32, #tpu.memory_space<vmem_shared>>) target_semaphore(%run_scoped3A_91 : memref<!tpu.dma_semaphore, #tpu.memory_space<semaphore_mem>>)
      %dma_wait3A = arith.constant 0 : i32
      %dma_wait3A_104 = arith.constant 0 : i32
      %dma_wait3A_105 = tpu.memref_slice %arg8[%run_scoped3A_26, %dma_wait3A, %dma_wait3A_104] : memref<2x128x128xf32, #tpu.memory_space<vmem>> -> memref<1x128x128xf32, #tpu.memory_space<vmem>>
      %dma_wait3A_106 = tpu.memref_squeeze %dma_wait3A_105 : memref<1x128x128xf32, #tpu.memory_space<vmem>> -> memref<128x128xf32, #tpu.memory_space<vmem>>
      %dma_wait3A_107 = arith.constant 0 : i32
      %dma_wait3A_108 = tpu.memref_slice %arg9[%add3A_25, %dma_wait3A_107] : memref<10240x128xf32, #tpu.memory_space<vmem_shared>> -> memref<128x128xf32, #tpu.memory_space<vmem_shared>>
      %dma_wait3A_109 = arith.constant 0 : i32
      %dma_wait3A_110 = tpu.memref_slice %arg9[%add3A_25, %dma_wait3A_109] : memref<10240x128xf32, #tpu.memory_space<vmem_shared>> -> memref<128x128xf32, #tpu.memory_space<vmem_shared>>
      %dma_wait3A_111 = arith.constant 0 : i32
      %dma_wait3A_112 = arith.constant 0 : i32
      %dma_wait3A_113 = tpu.memref_slice %arg8[%run_scoped3A_26, %dma_wait3A_111, %dma_wait3A_112] : memref<2x128x128xf32, #tpu.memory_space<vmem>> -> memref<1x128x128xf32, #tpu.memory_space<vmem>>
      %dma_wait3A_114 = tpu.memref_squeeze %dma_wait3A_113 : memref<1x128x128xf32, #tpu.memory_space<vmem>> -> memref<128x128xf32, #tpu.memory_space<vmem>>
      tpu.wait_dma2 semaphore(%run_scoped3A_91 : memref<!tpu.dma_semaphore, #tpu.memory_space<semaphore_mem>>) src(%dma_wait3A_114 : memref<128x128xf32, #tpu.memory_space<vmem>>) dst(%dma_wait3A_110 : memref<128x128xf32, #tpu.memory_space<vmem_shared>>)
      tpu.yield
    }) : () -> ()
    %add3A_27 = arith.constant 384 : i32
    %add3A_28 = arith.addi %mul3A_18, %add3A_27 : i32
    %run_scoped3A_29 = arith.constant 0 : i32
    "tpu.region"() ({
      %run_scoped3A_91 = tpu.sem_alloc : memref<!tpu.dma_semaphore, #tpu.memory_space<semaphore_mem>>
      %dma_start3A_92 = arith.constant 0 : i32
      %dma_start3A_93 = arith.constant 0 : i32
      %dma_start3A_94 = tpu.memref_slice %arg8[%run_scoped3A_29, %dma_start3A_92, %dma_start3A_93] : memref<2x128x128xf32, #tpu.memory_space<vmem>> -> memref<1x128x128xf32, #tpu.memory_space<vmem>>
      %dma_start3A_95 = tpu.memref_squeeze %dma_start3A_94 : memref<1x128x128xf32, #tpu.memory_space<vmem>> -> memref<128x128xf32, #tpu.memory_space<vmem>>
      %dma_start3A_96 = arith.constant 0 : i32
      %dma_start3A_97 = tpu.memref_slice %arg9[%add3A_28, %dma_start3A_96] : memref<10240x128xf32, #tpu.memory_space<vmem_shared>> -> memref<128x128xf32, #tpu.memory_space<vmem_shared>>
      %dma_start3A_98 = arith.constant 0 : i32
      %dma_start3A_99 = tpu.memref_slice %arg9[%add3A_28, %dma_start3A_98] : memref<10240x128xf32, #tpu.memory_space<vmem_shared>> -> memref<128x128xf32, #tpu.memory_space<vmem_shared>>
      %dma_start3A_100 = arith.constant 0 : i32
      %dma_start3A_101 = arith.constant 0 : i32
      %dma_start3A_102 = tpu.memref_slice %arg8[%run_scoped3A_29, %dma_start3A_100, %dma_start3A_101] : memref<2x128x128xf32, #tpu.memory_space<vmem>> -> memref<1x128x128xf32, #tpu.memory_space<vmem>>
      %dma_start3A_103 = tpu.memref_squeeze %dma_start3A_102 : memref<1x128x128xf32, #tpu.memory_space<vmem>> -> memref<128x128xf32, #tpu.memory_space<vmem>>
      tpu.enqueue_dma source(%dma_start3A_103 : memref<128x128xf32, #tpu.memory_space<vmem>>) target(%dma_start3A_99 : memref<128x128xf32, #tpu.memory_space<vmem_shared>>) target_semaphore(%run_scoped3A_91 : memref<!tpu.dma_semaphore, #tpu.memory_space<semaphore_mem>>)
      %dma_wait3A = arith.constant 0 : i32
      %dma_wait3A_104 = arith.constant 0 : i32
      %dma_wait3A_105 = tpu.memref_slice %arg8[%run_scoped3A_29, %dma_wait3A, %dma_wait3A_104] : memref<2x128x128xf32, #tpu.memory_space<vmem>> -> memref<1x128x128xf32, #tpu.memory_space<vmem>>
      %dma_wait3A_106 = tpu.memref_squeeze %dma_wait3A_105 : memref<1x128x128xf32, #tpu.memory_space<vmem>> -> memref<128x128xf32, #tpu.memory_space<vmem>>
      %dma_wait3A_107 = arith.constant 0 : i32
      %dma_wait3A_108 = tpu.memref_slice %arg9[%add3A_28, %dma_wait3A_107] : memref<10240x128xf32, #tpu.memory_space<vmem_shared>> -> memref<128x128xf32, #tpu.memory_space<vmem_shared>>
      %dma_wait3A_109 = arith.constant 0 : i32
      %dma_wait3A_110 = tpu.memref_slice %arg9[%add3A_28, %dma_wait3A_109] : memref<10240x128xf32, #tpu.memory_space<vmem_shared>> -> memref<128x128xf32, #tpu.memory_space<vmem_shared>>
      %dma_wait3A_111 = arith.constant 0 : i32
      %dma_wait3A_112 = arith.constant 0 : i32
      %dma_wait3A_113 = tpu.memref_slice %arg8[%run_scoped3A_29, %dma_wait3A_111, %dma_wait3A_112] : memref<2x128x128xf32, #tpu.memory_space<vmem>> -> memref<1x128x128xf32, #tpu.memory_space<vmem>>
      %dma_wait3A_114 = tpu.memref_squeeze %dma_wait3A_113 : memref<1x128x128xf32, #tpu.memory_space<vmem>> -> memref<128x128xf32, #tpu.memory_space<vmem>>
      tpu.wait_dma2 semaphore(%run_scoped3A_91 : memref<!tpu.dma_semaphore, #tpu.memory_space<semaphore_mem>>) src(%dma_wait3A_114 : memref<128x128xf32, #tpu.memory_space<vmem>>) dst(%dma_wait3A_110 : memref<128x128xf32, #tpu.memory_space<vmem_shared>>)
      tpu.yield
    }) : () -> ()
    %add3A_30 = arith.constant 512 : i32
    %add3A_31 = arith.addi %mul3A_18, %add3A_30 : i32
    %run_scoped3A_32 = arith.constant 0 : i32
    "tpu.region"() ({
      %run_scoped3A_91 = tpu.sem_alloc : memref<!tpu.dma_semaphore, #tpu.memory_space<semaphore_mem>>
      %dma_start3A_92 = arith.constant 0 : i32
      %dma_start3A_93 = arith.constant 0 : i32
      %dma_start3A_94 = tpu.memref_slice %arg8[%run_scoped3A_32, %dma_start3A_92, %dma_start3A_93] : memref<2x128x128xf32, #tpu.memory_space<vmem>> -> memref<1x128x128xf32, #tpu.memory_space<vmem>>
      %dma_start3A_95 = tpu.memref_squeeze %dma_start3A_94 : memref<1x128x128xf32, #tpu.memory_space<vmem>> -> memref<128x128xf32, #tpu.memory_space<vmem>>
      %dma_start3A_96 = arith.constant 0 : i32
      %dma_start3A_97 = tpu.memref_slice %arg9[%add3A_31, %dma_start3A_96] : memref<10240x128xf32, #tpu.memory_space<vmem_shared>> -> memref<128x128xf32, #tpu.memory_space<vmem_shared>>
      %dma_start3A_98 = arith.constant 0 : i32
      %dma_start3A_99 = tpu.memref_slice %arg9[%add3A_31, %dma_start3A_98] : memref<10240x128xf32, #tpu.memory_space<vmem_shared>> -> memref<128x128xf32, #tpu.memory_space<vmem_shared>>
      %dma_start3A_100 = arith.constant 0 : i32
      %dma_start3A_101 = arith.constant 0 : i32
      %dma_start3A_102 = tpu.memref_slice %arg8[%run_scoped3A_32, %dma_start3A_100, %dma_start3A_101] : memref<2x128x128xf32, #tpu.memory_space<vmem>> -> memref<1x128x128xf32, #tpu.memory_space<vmem>>
      %dma_start3A_103 = tpu.memref_squeeze %dma_start3A_102 : memref<1x128x128xf32, #tpu.memory_space<vmem>> -> memref<128x128xf32, #tpu.memory_space<vmem>>
      tpu.enqueue_dma source(%dma_start3A_103 : memref<128x128xf32, #tpu.memory_space<vmem>>) target(%dma_start3A_99 : memref<128x128xf32, #tpu.memory_space<vmem_shared>>) target_semaphore(%run_scoped3A_91 : memref<!tpu.dma_semaphore, #tpu.memory_space<semaphore_mem>>)
      %dma_wait3A = arith.constant 0 : i32
      %dma_wait3A_104 = arith.constant 0 : i32
      %dma_wait3A_105 = tpu.memref_slice %arg8[%run_scoped3A_32, %dma_wait3A, %dma_wait3A_104] : memref<2x128x128xf32, #tpu.memory_space<vmem>> -> memref<1x128x128xf32, #tpu.memory_space<vmem>>
      %dma_wait3A_106 = tpu.memref_squeeze %dma_wait3A_105 : memref<1x128x128xf32, #tpu.memory_space<vmem>> -> memref<128x128xf32, #tpu.memory_space<vmem>>
      %dma_wait3A_107 = arith.constant 0 : i32
      %dma_wait3A_108 = tpu.memref_slice %arg9[%add3A_31, %dma_wait3A_107] : memref<10240x128xf32, #tpu.memory_space<vmem_shared>> -> memref<128x128xf32, #tpu.memory_space<vmem_shared>>
      %dma_wait3A_109 = arith.constant 0 : i32
      %dma_wait3A_110 = tpu.memref_slice %arg9[%add3A_31, %dma_wait3A_109] : memref<10240x128xf32, #tpu.memory_space<vmem_shared>> -> memref<128x128xf32, #tpu.memory_space<vmem_shared>>
      %dma_wait3A_111 = arith.constant 0 : i32
      %dma_wait3A_112 = arith.constant 0 : i32
      %dma_wait3A_113 = tpu.memref_slice %arg8[%run_scoped3A_32, %dma_wait3A_111, %dma_wait3A_112] : memref<2x128x128xf32, #tpu.memory_space<vmem>> -> memref<1x128x128xf32, #tpu.memory_space<vmem>>
      %dma_wait3A_114 = tpu.memref_squeeze %dma_wait3A_113 : memref<1x128x128xf32, #tpu.memory_space<vmem>> -> memref<128x128xf32, #tpu.memory_space<vmem>>
      tpu.wait_dma2 semaphore(%run_scoped3A_91 : memref<!tpu.dma_semaphore, #tpu.memory_space<semaphore_mem>>) src(%dma_wait3A_114 : memref<128x128xf32, #tpu.memory_space<vmem>>) dst(%dma_wait3A_110 : memref<128x128xf32, #tpu.memory_space<vmem_shared>>)
      tpu.yield
    }) : () -> ()
    %add3A_33 = arith.constant 0 : i32
    %add3A_34 = arith.addi %mul3A_2, %add3A_33 : i32
    %dma_start3A = arith.constant 0 : i32
    %dma_start3A_35 = arith.constant 0 : i32
    %dma_start3A_36 = tpu.memref_slice %arg7[%dma_start3A, %dma_start3A_35] : memref<2x128xi32, #tpu.memory_space<vmem>> -> memref<1x128xi32, #tpu.memory_space<vmem>>
    %dma_start3A_37 = tpu.memref_squeeze %dma_start3A_36 : memref<1x128xi32, #tpu.memory_space<vmem>> -> memref<128xi32, #tpu.memory_space<vmem>>
    %dma_start3A_38 = tpu.memref_slice %arg4[%add3A_34] : memref<320000xi32, #tpu.memory_space<hbm>> -> memref<128xi32, #tpu.memory_space<hbm>>
    %dma_start3A_39 = arith.constant 0 : i32
    %dma_start3A_40 = tpu.memref_slice %arg7[%dma_start3A, %dma_start3A_39] : memref<2x128xi32, #tpu.memory_space<vmem>> -> memref<1x128xi32, #tpu.memory_space<vmem>>
    %dma_start3A_41 = tpu.memref_squeeze %dma_start3A_40 : memref<1x128xi32, #tpu.memory_space<vmem>> -> memref<128xi32, #tpu.memory_space<vmem>>
    %dma_start3A_42 = tpu.memref_slice %arg4[%add3A_34] : memref<320000xi32, #tpu.memory_space<hbm>> -> memref<128xi32, #tpu.memory_space<hbm>>
    tpu.enqueue_dma source(%dma_start3A_42 : memref<128xi32, #tpu.memory_space<hbm>>) target(%dma_start3A_41 : memref<128xi32, #tpu.memory_space<vmem>>) target_semaphore(%arg12 : memref<!tpu.dma_semaphore, #tpu.memory_space<semaphore_mem>>)
    %dma_start3A_43 = arith.constant 0 : i32
    %dma_start3A_44 = arith.constant 0 : i32
    %dma_start3A_45 = arith.constant 0 : i32
    %dma_start3A_46 = tpu.memref_slice %arg8[%dma_start3A_43, %dma_start3A_44, %dma_start3A_45] : memref<2x128x128xf32, #tpu.memory_space<vmem>> -> memref<1x128x128xf32, #tpu.memory_space<vmem>>
    %dma_start3A_47 = tpu.memref_squeeze %dma_start3A_46 : memref<1x128x128xf32, #tpu.memory_space<vmem>> -> memref<128x128xf32, #tpu.memory_space<vmem>>
    %dma_start3A_48 = arith.constant 0 : i32
    %dma_start3A_49 = tpu.memref_slice %arg6[%dma_start3A_48] : memref<10240xi32, #tpu.memory_space<vmem>> -> memref<128xi32, #tpu.memory_space<vmem>>
    %dma_start3A_50 = arith.constant 0 : i32
    %dma_start3A_51 = arith.constant 0 : i32
    %dma_start3A_52 = tpu.memref_slice %arg2[%dma_start3A_50, %dma_start3A_51] : memref<10000x128xf32, #tpu.memory_space<hbm>> -> memref<10000x128xf32, #tpu.memory_space<hbm>>
    tpu.enqueue_indirect_dma source(%dma_start3A_52 : memref<10000x128xf32, #tpu.memory_space<hbm>>) target(%dma_start3A_47 : memref<128x128xf32, #tpu.memory_space<vmem>>) offsets(%dma_start3A_49 : memref<128xi32, #tpu.memory_space<vmem>>) semaphore(%arg10 : memref<!tpu.dma_semaphore, #tpu.memory_space<semaphore_mem>>)
    %add3A_53 = arith.constant 128 : i32
    %add3A_54 = arith.addi %mul3A_2, %add3A_53 : i32
    %dma_start3A_55 = arith.constant 1 : i32
    %dma_start3A_56 = arith.constant 0 : i32
    %dma_start3A_57 = tpu.memref_slice %arg7[%dma_start3A_55, %dma_start3A_56] : memref<2x128xi32, #tpu.memory_space<vmem>> -> memref<1x128xi32, #tpu.memory_space<vmem>>
    %dma_start3A_58 = tpu.memref_squeeze %dma_start3A_57 : memref<1x128xi32, #tpu.memory_space<vmem>> -> memref<128xi32, #tpu.memory_space<vmem>>
    %dma_start3A_59 = tpu.memref_slice %arg4[%add3A_54] : memref<320000xi32, #tpu.memory_space<hbm>> -> memref<128xi32, #tpu.memory_space<hbm>>
    %dma_start3A_60 = arith.constant 0 : i32
    %dma_start3A_61 = tpu.memref_slice %arg7[%dma_start3A_55, %dma_start3A_60] : memref<2x128xi32, #tpu.memory_space<vmem>> -> memref<1x128xi32, #tpu.memory_space<vmem>>
    %dma_start3A_62 = tpu.memref_squeeze %dma_start3A_61 : memref<1x128xi32, #tpu.memory_space<vmem>> -> memref<128xi32, #tpu.memory_space<vmem>>
    %dma_start3A_63 = tpu.memref_slice %arg4[%add3A_54] : memref<320000xi32, #tpu.memory_space<hbm>> -> memref<128xi32, #tpu.memory_space<hbm>>
    tpu.enqueue_dma source(%dma_start3A_63 : memref<128xi32, #tpu.memory_space<hbm>>) target(%dma_start3A_62 : memref<128xi32, #tpu.memory_space<vmem>>) target_semaphore(%arg13 : memref<!tpu.dma_semaphore, #tpu.memory_space<semaphore_mem>>)
    %dma_start3A_64 = arith.constant 1 : i32
    %dma_start3A_65 = arith.constant 0 : i32
    %dma_start3A_66 = arith.constant 0 : i32
    %dma_start3A_67 = tpu.memref_slice %arg8[%dma_start3A_64, %dma_start3A_65, %dma_start3A_66] : memref<2x128x128xf32, #tpu.memory_space<vmem>> -> memref<1x128x128xf32, #tpu.memory_space<vmem>>
    %dma_start3A_68 = tpu.memref_squeeze %dma_start3A_67 : memref<1x128x128xf32, #tpu.memory_space<vmem>> -> memref<128x128xf32, #tpu.memory_space<vmem>>
    %dma_start3A_69 = arith.constant 128 : i32
    %dma_start3A_70 = tpu.memref_slice %arg6[%dma_start3A_69] : memref<10240xi32, #tpu.memory_space<vmem>> -> memref<128xi32, #tpu.memory_space<vmem>>
    %dma_start3A_71 = arith.constant 0 : i32
    %dma_start3A_72 = arith.constant 0 : i32
    %dma_start3A_73 = tpu.memref_slice %arg2[%dma_start3A_71, %dma_start3A_72] : memref<10000x128xf32, #tpu.memory_space<hbm>> -> memref<10000x128xf32, #tpu.memory_space<hbm>>
    tpu.enqueue_indirect_dma source(%dma_start3A_73 : memref<10000x128xf32, #tpu.memory_space<hbm>>) target(%dma_start3A_68 : memref<128x128xf32, #tpu.memory_space<vmem>>) offsets(%dma_start3A_70 : memref<128xi32, #tpu.memory_space<vmem>>) semaphore(%arg11 : memref<!tpu.dma_semaphore, #tpu.memory_space<semaphore_mem>>)
    %barrier3A = arith.constant 0 : index
    tpu.barrier barrier_id(%barrier3A)
    %sub3A = arith.constant 0 : i32
    %sub3A_74 = arith.subi %select_n3A, %sub3A : i32
    %sub3A_75 = arith.constant 2 : i32
    %sub3A_76 = arith.constant 1 : i32
    %sub3A_77 = arith.subi %sub3A_75, %sub3A_76 : i32
    %add3A_78 = arith.addi %sub3A_74, %sub3A_77 : i32
    %div3A = arith.constant 2 : i32
    %div3A_79 = arith.divsi %add3A_78, %div3A : i32
    %while3A = arith.constant 2 : i32
    %while3A_80 = arith.constant 0 : i32
    %while3A_81 = arith.constant 0 : i32
    %while3A_82 = arith.subi %div3A_79, %while3A_81 : i32
    %while3A_83 = arith.addi %while3A_81, %while3A_82 : i32
    %while3A_84 = arith.constant 1 : i32
    %while3A_85 = arith.divsi %while3A_82, %while3A_84 : i32
    %while3A_86 = arith.muli %while3A_85, %while3A_84 : i32
    %while3A_87 = arith.addi %while3A_81, %while3A_86 : i32
    %while3A_88 = arith.constant 1 : i32
    scf.for %while3A_91 = %while3A_81 to %while3A_87 step %while3A_88  : i32 {
      %mul3A_92 = arith.muli %while3A_91, %while3A : i32
      %add3A_93 = arith.addi %while3A_80, %mul3A_92 : i32
      %add3A_94 = arith.constant 0 : i32
      %add3A_95 = arith.addi %add3A_93, %add3A_94 : i32
      %mul3A_96 = arith.constant 128 : i32
      %mul3A_97 = arith.muli %add3A_95, %mul3A_96 : i32
      %multiple_of3A = tpu.assume_multiple %mul3A_97, 128 : i32
      %add3A_98 = arith.addi %mul3A_2, %multiple_of3A : i32
      %dma_wait3A = arith.constant 0 : i32
      %dma_wait3A_99 = arith.constant 0 : i32
      %dma_wait3A_100 = tpu.memref_slice %arg7[%dma_wait3A, %dma_wait3A_99] : memref<2x128xi32, #tpu.memory_space<vmem>> -> memref<1x128xi32, #tpu.memory_space<vmem>>
      %dma_wait3A_101 = tpu.memref_squeeze %dma_wait3A_100 : memref<1x128xi32, #tpu.memory_space<vmem>> -> memref<128xi32, #tpu.memory_space<vmem>>
      %dma_wait3A_102 = tpu.memref_slice %arg4[%add3A_98] : memref<320000xi32, #tpu.memory_space<hbm>> -> memref<128xi32, #tpu.memory_space<hbm>>
      %dma_wait3A_103 = arith.constant 0 : i32
      %dma_wait3A_104 = tpu.memref_slice %arg7[%dma_wait3A, %dma_wait3A_103] : memref<2x128xi32, #tpu.memory_space<vmem>> -> memref<1x128xi32, #tpu.memory_space<vmem>>
      %dma_wait3A_105 = tpu.memref_squeeze %dma_wait3A_104 : memref<1x128xi32, #tpu.memory_space<vmem>> -> memref<128xi32, #tpu.memory_space<vmem>>
      %dma_wait3A_106 = tpu.memref_slice %arg4[%add3A_98] : memref<320000xi32, #tpu.memory_space<hbm>> -> memref<128xi32, #tpu.memory_space<hbm>>
      tpu.wait_dma2 semaphore(%arg12 : memref<!tpu.dma_semaphore, #tpu.memory_space<semaphore_mem>>) src(%dma_wait3A_106 : memref<128xi32, #tpu.memory_space<hbm>>) dst(%dma_wait3A_105 : memref<128xi32, #tpu.memory_space<vmem>>)
      %dma_wait3A_107 = arith.constant 0 : i32
      %dma_wait3A_108 = arith.constant 0 : i32
      %dma_wait3A_109 = arith.constant 0 : i32
      %dma_wait3A_110 = tpu.memref_slice %arg8[%dma_wait3A_107, %dma_wait3A_108, %dma_wait3A_109] : memref<2x128x128xf32, #tpu.memory_space<vmem>> -> memref<1x128x128xf32, #tpu.memory_space<vmem>>
      %dma_wait3A_111 = tpu.memref_squeeze %dma_wait3A_110 : memref<1x128x128xf32, #tpu.memory_space<vmem>> -> memref<128x128xf32, #tpu.memory_space<vmem>>
      %dma_wait3A_112 = tpu.memref_slice %arg6[%multiple_of3A] : memref<10240xi32, #tpu.memory_space<vmem>> -> memref<128xi32, #tpu.memory_space<vmem>>
      %dma_wait3A_113 = arith.constant 0 : i32
      %dma_wait3A_114 = arith.constant 0 : i32
      %dma_wait3A_115 = tpu.memref_slice %arg2[%dma_wait3A_113, %dma_wait3A_114] : memref<10000x128xf32, #tpu.memory_space<hbm>> -> memref<10000x128xf32, #tpu.memory_space<hbm>>
      tpu.wait_indirect_dma semaphore(%arg10 : memref<!tpu.dma_semaphore, #tpu.memory_space<semaphore_mem>>) src(%dma_wait3A_115 : memref<10000x128xf32, #tpu.memory_space<hbm>>) dst(%dma_wait3A_111 : memref<128x128xf32, #tpu.memory_space<vmem>>)
      %run_scoped3A_116 = arith.constant 0 : i32
      %run_scoped3A_117 = arith.constant 0 : i32
      "tpu.region"() ({
        %run_scoped3A_156 = tpu.sem_alloc : memref<!tpu.dma_semaphore, #tpu.memory_space<semaphore_mem>>
        %dma_start3A_157 = arith.constant 0 : i32
        %dma_start3A_158 = arith.constant 0 : i32
        %dma_start3A_159 = tpu.memref_slice %arg8[%run_scoped3A_116, %dma_start3A_157, %dma_start3A_158] : memref<2x128x128xf32, #tpu.memory_space<vmem>> -> memref<1x128x128xf32, #tpu.memory_space<vmem>>
        %dma_start3A_160 = tpu.memref_squeeze %dma_start3A_159 : memref<1x128x128xf32, #tpu.memory_space<vmem>> -> memref<128x128xf32, #tpu.memory_space<vmem>>
        %dma_start3A_161 = arith.constant 0 : i32
        %dma_start3A_162 = tpu.memref_slice %arg7[%run_scoped3A_117, %dma_start3A_161] : memref<2x128xi32, #tpu.memory_space<vmem>> -> memref<1x128xi32, #tpu.memory_space<vmem>>
        %dma_start3A_163 = tpu.memref_squeeze %dma_start3A_162 : memref<1x128xi32, #tpu.memory_space<vmem>> -> memref<128xi32, #tpu.memory_space<vmem>>
        %dma_start3A_164 = arith.constant 0 : i32
        %dma_start3A_165 = arith.constant 0 : i32
        %dma_start3A_166 = tpu.memref_slice %arg9[%dma_start3A_164, %dma_start3A_165] : memref<10240x128xf32, #tpu.memory_space<vmem_shared>> -> memref<10240x128xf32, #tpu.memory_space<vmem_shared>>
        tpu.enqueue_indirect_dma source(%dma_start3A_160 : memref<128x128xf32, #tpu.memory_space<vmem>>) target(%dma_start3A_166 : memref<10240x128xf32, #tpu.memory_space<vmem_shared>>) offsets(%dma_start3A_163 : memref<128xi32, #tpu.memory_space<vmem>>) semaphore(%run_scoped3A_156 : memref<!tpu.dma_semaphore, #tpu.memory_space<semaphore_mem>>) {add = true}
        %dma_wait3A_167 = arith.constant 0 : i32
        %dma_wait3A_168 = arith.constant 0 : i32
        %dma_wait3A_169 = tpu.memref_slice %arg8[%run_scoped3A_116, %dma_wait3A_167, %dma_wait3A_168] : memref<2x128x128xf32, #tpu.memory_space<vmem>> -> memref<1x128x128xf32, #tpu.memory_space<vmem>>
        %dma_wait3A_170 = tpu.memref_squeeze %dma_wait3A_169 : memref<1x128x128xf32, #tpu.memory_space<vmem>> -> memref<128x128xf32, #tpu.memory_space<vmem>>
        %dma_wait3A_171 = arith.constant 0 : i32
        %dma_wait3A_172 = tpu.memref_slice %arg7[%run_scoped3A_117, %dma_wait3A_171] : memref<2x128xi32, #tpu.memory_space<vmem>> -> memref<1x128xi32, #tpu.memory_space<vmem>>
        %dma_wait3A_173 = tpu.memref_squeeze %dma_wait3A_172 : memref<1x128xi32, #tpu.memory_space<vmem>> -> memref<128xi32, #tpu.memory_space<vmem>>
        %dma_wait3A_174 = arith.constant 0 : i32
        %dma_wait3A_175 = arith.constant 0 : i32
        %dma_wait3A_176 = tpu.memref_slice %arg9[%dma_wait3A_174, %dma_wait3A_175] : memref<10240x128xf32, #tpu.memory_space<vmem_shared>> -> memref<10240x128xf32, #tpu.memory_space<vmem_shared>>
        tpu.wait_indirect_dma semaphore(%run_scoped3A_156 : memref<!tpu.dma_semaphore, #tpu.memory_space<semaphore_mem>>) src(%dma_wait3A_170 : memref<128x128xf32, #tpu.memory_space<vmem>>) dst(%dma_wait3A_176 : memref<10240x128xf32, #tpu.memory_space<vmem_shared>>)
        tpu.yield
      }) : () -> ()
      %add3A_118 = arith.constant 2 : i32
      %add3A_119 = arith.addi %add3A_95, %add3A_118 : i32
      %lt3A_120 = arith.cmpi slt, %add3A_119, %select_n3A : i32
      %convert_element_type3A_121 = arith.extui %lt3A_120 : i1 to i32
      %cond3A_122 = arith.constant 0 : i32
      %cond3A_123 = arith.cmpi ne, %convert_element_type3A_121, %cond3A_122 : i32
      scf.if %cond3A_123 {
        %mul3A_156 = arith.constant 128 : i32
        %mul3A_157 = arith.muli %add3A_119, %mul3A_156 : i32
        %multiple_of3A_158 = tpu.assume_multiple %mul3A_157, 128 : i32
        %add3A_159 = arith.addi %mul3A_2, %multiple_of3A_158 : i32
        %dma_start3A_160 = arith.constant 0 : i32
        %dma_start3A_161 = arith.constant 0 : i32
        %dma_start3A_162 = tpu.memref_slice %arg7[%dma_start3A_160, %dma_start3A_161] : memref<2x128xi32, #tpu.memory_space<vmem>> -> memref<1x128xi32, #tpu.memory_space<vmem>>
        %dma_start3A_163 = tpu.memref_squeeze %dma_start3A_162 : memref<1x128xi32, #tpu.memory_space<vmem>> -> memref<128xi32, #tpu.memory_space<vmem>>
        %dma_start3A_164 = tpu.memref_slice %arg4[%add3A_159] : memref<320000xi32, #tpu.memory_space<hbm>> -> memref<128xi32, #tpu.memory_space<hbm>>
        %dma_start3A_165 = arith.constant 0 : i32
        %dma_start3A_166 = tpu.memref_slice %arg7[%dma_start3A_160, %dma_start3A_165] : memref<2x128xi32, #tpu.memory_space<vmem>> -> memref<1x128xi32, #tpu.memory_space<vmem>>
        %dma_start3A_167 = tpu.memref_squeeze %dma_start3A_166 : memref<1x128xi32, #tpu.memory_space<vmem>> -> memref<128xi32, #tpu.memory_space<vmem>>
        %dma_start3A_168 = tpu.memref_slice %arg4[%add3A_159] : memref<320000xi32, #tpu.memory_space<hbm>> -> memref<128xi32, #tpu.memory_space<hbm>>
        tpu.enqueue_dma source(%dma_start3A_168 : memref<128xi32, #tpu.memory_space<hbm>>) target(%dma_start3A_167 : memref<128xi32, #tpu.memory_space<vmem>>) target_semaphore(%arg12 : memref<!tpu.dma_semaphore, #tpu.memory_space<semaphore_mem>>)
        %dma_start3A_169 = arith.constant 0 : i32
        %dma_start3A_170 = arith.constant 0 : i32
        %dma_start3A_171 = arith.constant 0 : i32
        %dma_start3A_172 = tpu.memref_slice %arg8[%dma_start3A_169, %dma_start3A_170, %dma_start3A_171] : memref<2x128x128xf32, #tpu.memory_space<vmem>> -> memref<1x128x128xf32, #tpu.memory_space<vmem>>
        %dma_start3A_173 = tpu.memref_squeeze %dma_start3A_172 : memref<1x128x128xf32, #tpu.memory_space<vmem>> -> memref<128x128xf32, #tpu.memory_space<vmem>>
        %dma_start3A_174 = tpu.memref_slice %arg6[%multiple_of3A_158] : memref<10240xi32, #tpu.memory_space<vmem>> -> memref<128xi32, #tpu.memory_space<vmem>>
        %dma_start3A_175 = arith.constant 0 : i32
        %dma_start3A_176 = arith.constant 0 : i32
        %dma_start3A_177 = tpu.memref_slice %arg2[%dma_start3A_175, %dma_start3A_176] : memref<10000x128xf32, #tpu.memory_space<hbm>> -> memref<10000x128xf32, #tpu.memory_space<hbm>>
        tpu.enqueue_indirect_dma source(%dma_start3A_177 : memref<10000x128xf32, #tpu.memory_space<hbm>>) target(%dma_start3A_173 : memref<128x128xf32, #tpu.memory_space<vmem>>) offsets(%dma_start3A_174 : memref<128xi32, #tpu.memory_space<vmem>>) semaphore(%arg10 : memref<!tpu.dma_semaphore, #tpu.memory_space<semaphore_mem>>)
      } else {
      }
      %add3A_124 = arith.constant 1 : i32
      %add3A_125 = arith.addi %add3A_93, %add3A_124 : i32
      %mul3A_126 = arith.constant 128 : i32
      %mul3A_127 = arith.muli %add3A_125, %mul3A_126 : i32
      %multiple_of3A_128 = tpu.assume_multiple %mul3A_127, 128 : i32
      %add3A_129 = arith.addi %mul3A_2, %multiple_of3A_128 : i32
      %dma_wait3A_130 = arith.constant 1 : i32
      %dma_wait3A_131 = arith.constant 0 : i32
      %dma_wait3A_132 = tpu.memref_slice %arg7[%dma_wait3A_130, %dma_wait3A_131] : memref<2x128xi32, #tpu.memory_space<vmem>> -> memref<1x128xi32, #tpu.memory_space<vmem>>
      %dma_wait3A_133 = tpu.memref_squeeze %dma_wait3A_132 : memref<1x128xi32, #tpu.memory_space<vmem>> -> memref<128xi32, #tpu.memory_space<vmem>>
      %dma_wait3A_134 = tpu.memref_slice %arg4[%add3A_129] : memref<320000xi32, #tpu.memory_space<hbm>> -> memref<128xi32, #tpu.memory_space<hbm>>
      %dma_wait3A_135 = arith.constant 0 : i32
      %dma_wait3A_136 = tpu.memref_slice %arg7[%dma_wait3A_130, %dma_wait3A_135] : memref<2x128xi32, #tpu.memory_space<vmem>> -> memref<1x128xi32, #tpu.memory_space<vmem>>
      %dma_wait3A_137 = tpu.memref_squeeze %dma_wait3A_136 : memref<1x128xi32, #tpu.memory_space<vmem>> -> memref<128xi32, #tpu.memory_space<vmem>>
      %dma_wait3A_138 = tpu.memref_slice %arg4[%add3A_129] : memref<320000xi32, #tpu.memory_space<hbm>> -> memref<128xi32, #tpu.memory_space<hbm>>
      tpu.wait_dma2 semaphore(%arg13 : memref<!tpu.dma_semaphore, #tpu.memory_space<semaphore_mem>>) src(%dma_wait3A_138 : memref<128xi32, #tpu.memory_space<hbm>>) dst(%dma_wait3A_137 : memref<128xi32, #tpu.memory_space<vmem>>)
      %dma_wait3A_139 = arith.constant 1 : i32
      %dma_wait3A_140 = arith.constant 0 : i32
      %dma_wait3A_141 = arith.constant 0 : i32
      %dma_wait3A_142 = tpu.memref_slice %arg8[%dma_wait3A_139, %dma_wait3A_140, %dma_wait3A_141] : memref<2x128x128xf32, #tpu.memory_space<vmem>> -> memref<1x128x128xf32, #tpu.memory_space<vmem>>
      %dma_wait3A_143 = tpu.memref_squeeze %dma_wait3A_142 : memref<1x128x128xf32, #tpu.memory_space<vmem>> -> memref<128x128xf32, #tpu.memory_space<vmem>>
      %dma_wait3A_144 = tpu.memref_slice %arg6[%multiple_of3A_128] : memref<10240xi32, #tpu.memory_space<vmem>> -> memref<128xi32, #tpu.memory_space<vmem>>
      %dma_wait3A_145 = arith.constant 0 : i32
      %dma_wait3A_146 = arith.constant 0 : i32
      %dma_wait3A_147 = tpu.memref_slice %arg2[%dma_wait3A_145, %dma_wait3A_146] : memref<10000x128xf32, #tpu.memory_space<hbm>> -> memref<10000x128xf32, #tpu.memory_space<hbm>>
      tpu.wait_indirect_dma semaphore(%arg11 : memref<!tpu.dma_semaphore, #tpu.memory_space<semaphore_mem>>) src(%dma_wait3A_147 : memref<10000x128xf32, #tpu.memory_space<hbm>>) dst(%dma_wait3A_143 : memref<128x128xf32, #tpu.memory_space<vmem>>)
      %run_scoped3A_148 = arith.constant 1 : i32
      %run_scoped3A_149 = arith.constant 1 : i32
      "tpu.region"() ({
        %run_scoped3A_156 = tpu.sem_alloc : memref<!tpu.dma_semaphore, #tpu.memory_space<semaphore_mem>>
        %dma_start3A_157 = arith.constant 0 : i32
        %dma_start3A_158 = arith.constant 0 : i32
        %dma_start3A_159 = tpu.memref_slice %arg8[%run_scoped3A_148, %dma_start3A_157, %dma_start3A_158] : memref<2x128x128xf32, #tpu.memory_space<vmem>> -> memref<1x128x128xf32, #tpu.memory_space<vmem>>
        %dma_start3A_160 = tpu.memref_squeeze %dma_start3A_159 : memref<1x128x128xf32, #tpu.memory_space<vmem>> -> memref<128x128xf32, #tpu.memory_space<vmem>>
        %dma_start3A_161 = arith.constant 0 : i32
        %dma_start3A_162 = tpu.memref_slice %arg7[%run_scoped3A_149, %dma_start3A_161] : memref<2x128xi32, #tpu.memory_space<vmem>> -> memref<1x128xi32, #tpu.memory_space<vmem>>
        %dma_start3A_163 = tpu.memref_squeeze %dma_start3A_162 : memref<1x128xi32, #tpu.memory_space<vmem>> -> memref<128xi32, #tpu.memory_space<vmem>>
        %dma_start3A_164 = arith.constant 0 : i32
        %dma_start3A_165 = arith.constant 0 : i32
        %dma_start3A_166 = tpu.memref_slice %arg9[%dma_start3A_164, %dma_start3A_165] : memref<10240x128xf32, #tpu.memory_space<vmem_shared>> -> memref<10240x128xf32, #tpu.memory_space<vmem_shared>>
        tpu.enqueue_indirect_dma source(%dma_start3A_160 : memref<128x128xf32, #tpu.memory_space<vmem>>) target(%dma_start3A_166 : memref<10240x128xf32, #tpu.memory_space<vmem_shared>>) offsets(%dma_start3A_163 : memref<128xi32, #tpu.memory_space<vmem>>) semaphore(%run_scoped3A_156 : memref<!tpu.dma_semaphore, #tpu.memory_space<semaphore_mem>>) {add = true}
        %dma_wait3A_167 = arith.constant 0 : i32
        %dma_wait3A_168 = arith.constant 0 : i32
        %dma_wait3A_169 = tpu.memref_slice %arg8[%run_scoped3A_148, %dma_wait3A_167, %dma_wait3A_168] : memref<2x128x128xf32, #tpu.memory_space<vmem>> -> memref<1x128x128xf32, #tpu.memory_space<vmem>>
        %dma_wait3A_170 = tpu.memref_squeeze %dma_wait3A_169 : memref<1x128x128xf32, #tpu.memory_space<vmem>> -> memref<128x128xf32, #tpu.memory_space<vmem>>
        %dma_wait3A_171 = arith.constant 0 : i32
        %dma_wait3A_172 = tpu.memref_slice %arg7[%run_scoped3A_149, %dma_wait3A_171] : memref<2x128xi32, #tpu.memory_space<vmem>> -> memref<1x128xi32, #tpu.memory_space<vmem>>
        %dma_wait3A_173 = tpu.memref_squeeze %dma_wait3A_172 : memref<1x128xi32, #tpu.memory_space<vmem>> -> memref<128xi32, #tpu.memory_space<vmem>>
        %dma_wait3A_174 = arith.constant 0 : i32
        %dma_wait3A_175 = arith.constant 0 : i32
        %dma_wait3A_176 = tpu.memref_slice %arg9[%dma_wait3A_174, %dma_wait3A_175] : memref<10240x128xf32, #tpu.memory_space<vmem_shared>> -> memref<10240x128xf32, #tpu.memory_space<vmem_shared>>
        tpu.wait_indirect_dma semaphore(%run_scoped3A_156 : memref<!tpu.dma_semaphore, #tpu.memory_space<semaphore_mem>>) src(%dma_wait3A_170 : memref<128x128xf32, #tpu.memory_space<vmem>>) dst(%dma_wait3A_176 : memref<10240x128xf32, #tpu.memory_space<vmem_shared>>)
        tpu.yield
      }) : () -> ()
      %add3A_150 = arith.constant 2 : i32
      %add3A_151 = arith.addi %add3A_125, %add3A_150 : i32
      %lt3A_152 = arith.cmpi slt, %add3A_151, %select_n3A : i32
      %convert_element_type3A_153 = arith.extui %lt3A_152 : i1 to i32
      %cond3A_154 = arith.constant 0 : i32
      %cond3A_155 = arith.cmpi ne, %convert_element_type3A_153, %cond3A_154 : i32
      scf.if %cond3A_155 {
        %mul3A_156 = arith.constant 128 : i32
        %mul3A_157 = arith.muli %add3A_151, %mul3A_156 : i32
        %multiple_of3A_158 = tpu.assume_multiple %mul3A_157, 128 : i32
        %add3A_159 = arith.addi %mul3A_2, %multiple_of3A_158 : i32
        %dma_start3A_160 = arith.constant 1 : i32
        %dma_start3A_161 = arith.constant 0 : i32
        %dma_start3A_162 = tpu.memref_slice %arg7[%dma_start3A_160, %dma_start3A_161] : memref<2x128xi32, #tpu.memory_space<vmem>> -> memref<1x128xi32, #tpu.memory_space<vmem>>
        %dma_start3A_163 = tpu.memref_squeeze %dma_start3A_162 : memref<1x128xi32, #tpu.memory_space<vmem>> -> memref<128xi32, #tpu.memory_space<vmem>>
        %dma_start3A_164 = tpu.memref_slice %arg4[%add3A_159] : memref<320000xi32, #tpu.memory_space<hbm>> -> memref<128xi32, #tpu.memory_space<hbm>>
        %dma_start3A_165 = arith.constant 0 : i32
        %dma_start3A_166 = tpu.memref_slice %arg7[%dma_start3A_160, %dma_start3A_165] : memref<2x128xi32, #tpu.memory_space<vmem>> -> memref<1x128xi32, #tpu.memory_space<vmem>>
        %dma_start3A_167 = tpu.memref_squeeze %dma_start3A_166 : memref<1x128xi32, #tpu.memory_space<vmem>> -> memref<128xi32, #tpu.memory_space<vmem>>
        %dma_start3A_168 = tpu.memref_slice %arg4[%add3A_159] : memref<320000xi32, #tpu.memory_space<hbm>> -> memref<128xi32, #tpu.memory_space<hbm>>
        tpu.enqueue_dma source(%dma_start3A_168 : memref<128xi32, #tpu.memory_space<hbm>>) target(%dma_start3A_167 : memref<128xi32, #tpu.memory_space<vmem>>) target_semaphore(%arg13 : memref<!tpu.dma_semaphore, #tpu.memory_space<semaphore_mem>>)
        %dma_start3A_169 = arith.constant 1 : i32
        %dma_start3A_170 = arith.constant 0 : i32
        %dma_start3A_171 = arith.constant 0 : i32
        %dma_start3A_172 = tpu.memref_slice %arg8[%dma_start3A_169, %dma_start3A_170, %dma_start3A_171] : memref<2x128x128xf32, #tpu.memory_space<vmem>> -> memref<1x128x128xf32, #tpu.memory_space<vmem>>
        %dma_start3A_173 = tpu.memref_squeeze %dma_start3A_172 : memref<1x128x128xf32, #tpu.memory_space<vmem>> -> memref<128x128xf32, #tpu.memory_space<vmem>>
        %dma_start3A_174 = tpu.memref_slice %arg6[%multiple_of3A_158] : memref<10240xi32, #tpu.memory_space<vmem>> -> memref<128xi32, #tpu.memory_space<vmem>>
        %dma_start3A_175 = arith.constant 0 : i32
        %dma_start3A_176 = arith.constant 0 : i32
        %dma_start3A_177 = tpu.memref_slice %arg2[%dma_start3A_175, %dma_start3A_176] : memref<10000x128xf32, #tpu.memory_space<hbm>> -> memref<10000x128xf32, #tpu.memory_space<hbm>>
        tpu.enqueue_indirect_dma source(%dma_start3A_177 : memref<10000x128xf32, #tpu.memory_space<hbm>>) target(%dma_start3A_173 : memref<128x128xf32, #tpu.memory_space<vmem>>) offsets(%dma_start3A_174 : memref<128xi32, #tpu.memory_space<vmem>>) semaphore(%arg11 : memref<!tpu.dma_semaphore, #tpu.memory_space<semaphore_mem>>)
      } else {
      }
    }
    %while3A_89 = arith.constant 1 : i32
    scf.for %while3A_91 = %while3A_87 to %while3A_83 step %while3A_89  : i32 {
      %mul3A_92 = arith.muli %while3A_91, %while3A : i32
      %add3A_93 = arith.addi %while3A_80, %mul3A_92 : i32
      %add3A_94 = arith.constant 0 : i32
      %add3A_95 = arith.addi %add3A_93, %add3A_94 : i32
      %mul3A_96 = arith.constant 128 : i32
      %mul3A_97 = arith.muli %add3A_95, %mul3A_96 : i32
      %multiple_of3A = tpu.assume_multiple %mul3A_97, 128 : i32
      %add3A_98 = arith.addi %mul3A_2, %multiple_of3A : i32
      %dma_wait3A = arith.constant 0 : i32
      %dma_wait3A_99 = arith.constant 0 : i32
      %dma_wait3A_100 = tpu.memref_slice %arg7[%dma_wait3A, %dma_wait3A_99] : memref<2x128xi32, #tpu.memory_space<vmem>> -> memref<1x128xi32, #tpu.memory_space<vmem>>
      %dma_wait3A_101 = tpu.memref_squeeze %dma_wait3A_100 : memref<1x128xi32, #tpu.memory_space<vmem>> -> memref<128xi32, #tpu.memory_space<vmem>>
      %dma_wait3A_102 = tpu.memref_slice %arg4[%add3A_98] : memref<320000xi32, #tpu.memory_space<hbm>> -> memref<128xi32, #tpu.memory_space<hbm>>
      %dma_wait3A_103 = arith.constant 0 : i32
      %dma_wait3A_104 = tpu.memref_slice %arg7[%dma_wait3A, %dma_wait3A_103] : memref<2x128xi32, #tpu.memory_space<vmem>> -> memref<1x128xi32, #tpu.memory_space<vmem>>
      %dma_wait3A_105 = tpu.memref_squeeze %dma_wait3A_104 : memref<1x128xi32, #tpu.memory_space<vmem>> -> memref<128xi32, #tpu.memory_space<vmem>>
      %dma_wait3A_106 = tpu.memref_slice %arg4[%add3A_98] : memref<320000xi32, #tpu.memory_space<hbm>> -> memref<128xi32, #tpu.memory_space<hbm>>
      tpu.wait_dma2 semaphore(%arg12 : memref<!tpu.dma_semaphore, #tpu.memory_space<semaphore_mem>>) src(%dma_wait3A_106 : memref<128xi32, #tpu.memory_space<hbm>>) dst(%dma_wait3A_105 : memref<128xi32, #tpu.memory_space<vmem>>)
      %dma_wait3A_107 = arith.constant 0 : i32
      %dma_wait3A_108 = arith.constant 0 : i32
      %dma_wait3A_109 = arith.constant 0 : i32
      %dma_wait3A_110 = tpu.memref_slice %arg8[%dma_wait3A_107, %dma_wait3A_108, %dma_wait3A_109] : memref<2x128x128xf32, #tpu.memory_space<vmem>> -> memref<1x128x128xf32, #tpu.memory_space<vmem>>
      %dma_wait3A_111 = tpu.memref_squeeze %dma_wait3A_110 : memref<1x128x128xf32, #tpu.memory_space<vmem>> -> memref<128x128xf32, #tpu.memory_space<vmem>>
      %dma_wait3A_112 = tpu.memref_slice %arg6[%multiple_of3A] : memref<10240xi32, #tpu.memory_space<vmem>> -> memref<128xi32, #tpu.memory_space<vmem>>
      %dma_wait3A_113 = arith.constant 0 : i32
      %dma_wait3A_114 = arith.constant 0 : i32
      %dma_wait3A_115 = tpu.memref_slice %arg2[%dma_wait3A_113, %dma_wait3A_114] : memref<10000x128xf32, #tpu.memory_space<hbm>> -> memref<10000x128xf32, #tpu.memory_space<hbm>>
      tpu.wait_indirect_dma semaphore(%arg10 : memref<!tpu.dma_semaphore, #tpu.memory_space<semaphore_mem>>) src(%dma_wait3A_115 : memref<10000x128xf32, #tpu.memory_space<hbm>>) dst(%dma_wait3A_111 : memref<128x128xf32, #tpu.memory_space<vmem>>)
      %run_scoped3A_116 = arith.constant 0 : i32
      %run_scoped3A_117 = arith.constant 0 : i32
      "tpu.region"() ({
        %run_scoped3A_156 = tpu.sem_alloc : memref<!tpu.dma_semaphore, #tpu.memory_space<semaphore_mem>>
        %dma_start3A_157 = arith.constant 0 : i32
        %dma_start3A_158 = arith.constant 0 : i32
        %dma_start3A_159 = tpu.memref_slice %arg8[%run_scoped3A_116, %dma_start3A_157, %dma_start3A_158] : memref<2x128x128xf32, #tpu.memory_space<vmem>> -> memref<1x128x128xf32, #tpu.memory_space<vmem>>
        %dma_start3A_160 = tpu.memref_squeeze %dma_start3A_159 : memref<1x128x128xf32, #tpu.memory_space<vmem>> -> memref<128x128xf32, #tpu.memory_space<vmem>>
        %dma_start3A_161 = arith.constant 0 : i32
        %dma_start3A_162 = tpu.memref_slice %arg7[%run_scoped3A_117, %dma_start3A_161] : memref<2x128xi32, #tpu.memory_space<vmem>> -> memref<1x128xi32, #tpu.memory_space<vmem>>
        %dma_start3A_163 = tpu.memref_squeeze %dma_start3A_162 : memref<1x128xi32, #tpu.memory_space<vmem>> -> memref<128xi32, #tpu.memory_space<vmem>>
        %dma_start3A_164 = arith.constant 0 : i32
        %dma_start3A_165 = arith.constant 0 : i32
        %dma_start3A_166 = tpu.memref_slice %arg9[%dma_start3A_164, %dma_start3A_165] : memref<10240x128xf32, #tpu.memory_space<vmem_shared>> -> memref<10240x128xf32, #tpu.memory_space<vmem_shared>>
        tpu.enqueue_indirect_dma source(%dma_start3A_160 : memref<128x128xf32, #tpu.memory_space<vmem>>) target(%dma_start3A_166 : memref<10240x128xf32, #tpu.memory_space<vmem_shared>>) offsets(%dma_start3A_163 : memref<128xi32, #tpu.memory_space<vmem>>) semaphore(%run_scoped3A_156 : memref<!tpu.dma_semaphore, #tpu.memory_space<semaphore_mem>>) {add = true}
        %dma_wait3A_167 = arith.constant 0 : i32
        %dma_wait3A_168 = arith.constant 0 : i32
        %dma_wait3A_169 = tpu.memref_slice %arg8[%run_scoped3A_116, %dma_wait3A_167, %dma_wait3A_168] : memref<2x128x128xf32, #tpu.memory_space<vmem>> -> memref<1x128x128xf32, #tpu.memory_space<vmem>>
        %dma_wait3A_170 = tpu.memref_squeeze %dma_wait3A_169 : memref<1x128x128xf32, #tpu.memory_space<vmem>> -> memref<128x128xf32, #tpu.memory_space<vmem>>
        %dma_wait3A_171 = arith.constant 0 : i32
        %dma_wait3A_172 = tpu.memref_slice %arg7[%run_scoped3A_117, %dma_wait3A_171] : memref<2x128xi32, #tpu.memory_space<vmem>> -> memref<1x128xi32, #tpu.memory_space<vmem>>
        %dma_wait3A_173 = tpu.memref_squeeze %dma_wait3A_172 : memref<1x128xi32, #tpu.memory_space<vmem>> -> memref<128xi32, #tpu.memory_space<vmem>>
        %dma_wait3A_174 = arith.constant 0 : i32
        %dma_wait3A_175 = arith.constant 0 : i32
        %dma_wait3A_176 = tpu.memref_slice %arg9[%dma_wait3A_174, %dma_wait3A_175] : memref<10240x128xf32, #tpu.memory_space<vmem_shared>> -> memref<10240x128xf32, #tpu.memory_space<vmem_shared>>
        tpu.wait_indirect_dma semaphore(%run_scoped3A_156 : memref<!tpu.dma_semaphore, #tpu.memory_space<semaphore_mem>>) src(%dma_wait3A_170 : memref<128x128xf32, #tpu.memory_space<vmem>>) dst(%dma_wait3A_176 : memref<10240x128xf32, #tpu.memory_space<vmem_shared>>)
        tpu.yield
      }) : () -> ()
      %add3A_118 = arith.constant 2 : i32
      %add3A_119 = arith.addi %add3A_95, %add3A_118 : i32
      %lt3A_120 = arith.cmpi slt, %add3A_119, %select_n3A : i32
      %convert_element_type3A_121 = arith.extui %lt3A_120 : i1 to i32
      %cond3A_122 = arith.constant 0 : i32
      %cond3A_123 = arith.cmpi ne, %convert_element_type3A_121, %cond3A_122 : i32
      scf.if %cond3A_123 {
        %mul3A_156 = arith.constant 128 : i32
        %mul3A_157 = arith.muli %add3A_119, %mul3A_156 : i32
        %multiple_of3A_158 = tpu.assume_multiple %mul3A_157, 128 : i32
        %add3A_159 = arith.addi %mul3A_2, %multiple_of3A_158 : i32
        %dma_start3A_160 = arith.constant 0 : i32
        %dma_start3A_161 = arith.constant 0 : i32
        %dma_start3A_162 = tpu.memref_slice %arg7[%dma_start3A_160, %dma_start3A_161] : memref<2x128xi32, #tpu.memory_space<vmem>> -> memref<1x128xi32, #tpu.memory_space<vmem>>
        %dma_start3A_163 = tpu.memref_squeeze %dma_start3A_162 : memref<1x128xi32, #tpu.memory_space<vmem>> -> memref<128xi32, #tpu.memory_space<vmem>>
        %dma_start3A_164 = tpu.memref_slice %arg4[%add3A_159] : memref<320000xi32, #tpu.memory_space<hbm>> -> memref<128xi32, #tpu.memory_space<hbm>>
        %dma_start3A_165 = arith.constant 0 : i32
        %dma_start3A_166 = tpu.memref_slice %arg7[%dma_start3A_160, %dma_start3A_165] : memref<2x128xi32, #tpu.memory_space<vmem>> -> memref<1x128xi32, #tpu.memory_space<vmem>>
        %dma_start3A_167 = tpu.memref_squeeze %dma_start3A_166 : memref<1x128xi32, #tpu.memory_space<vmem>> -> memref<128xi32, #tpu.memory_space<vmem>>
        %dma_start3A_168 = tpu.memref_slice %arg4[%add3A_159] : memref<320000xi32, #tpu.memory_space<hbm>> -> memref<128xi32, #tpu.memory_space<hbm>>
        tpu.enqueue_dma source(%dma_start3A_168 : memref<128xi32, #tpu.memory_space<hbm>>) target(%dma_start3A_167 : memref<128xi32, #tpu.memory_space<vmem>>) target_semaphore(%arg12 : memref<!tpu.dma_semaphore, #tpu.memory_space<semaphore_mem>>)
        %dma_start3A_169 = arith.constant 0 : i32
        %dma_start3A_170 = arith.constant 0 : i32
        %dma_start3A_171 = arith.constant 0 : i32
        %dma_start3A_172 = tpu.memref_slice %arg8[%dma_start3A_169, %dma_start3A_170, %dma_start3A_171] : memref<2x128x128xf32, #tpu.memory_space<vmem>> -> memref<1x128x128xf32, #tpu.memory_space<vmem>>
        %dma_start3A_173 = tpu.memref_squeeze %dma_start3A_172 : memref<1x128x128xf32, #tpu.memory_space<vmem>> -> memref<128x128xf32, #tpu.memory_space<vmem>>
        %dma_start3A_174 = tpu.memref_slice %arg6[%multiple_of3A_158] : memref<10240xi32, #tpu.memory_space<vmem>> -> memref<128xi32, #tpu.memory_space<vmem>>
        %dma_start3A_175 = arith.constant 0 : i32
        %dma_start3A_176 = arith.constant 0 : i32
        %dma_start3A_177 = tpu.memref_slice %arg2[%dma_start3A_175, %dma_start3A_176] : memref<10000x128xf32, #tpu.memory_space<hbm>> -> memref<10000x128xf32, #tpu.memory_space<hbm>>
        tpu.enqueue_indirect_dma source(%dma_start3A_177 : memref<10000x128xf32, #tpu.memory_space<hbm>>) target(%dma_start3A_173 : memref<128x128xf32, #tpu.memory_space<vmem>>) offsets(%dma_start3A_174 : memref<128xi32, #tpu.memory_space<vmem>>) semaphore(%arg10 : memref<!tpu.dma_semaphore, #tpu.memory_space<semaphore_mem>>)
      } else {
      }
      %add3A_124 = arith.constant 1 : i32
      %add3A_125 = arith.addi %add3A_93, %add3A_124 : i32
      %mul3A_126 = arith.constant 128 : i32
      %mul3A_127 = arith.muli %add3A_125, %mul3A_126 : i32
      %multiple_of3A_128 = tpu.assume_multiple %mul3A_127, 128 : i32
      %add3A_129 = arith.addi %mul3A_2, %multiple_of3A_128 : i32
      %dma_wait3A_130 = arith.constant 1 : i32
      %dma_wait3A_131 = arith.constant 0 : i32
      %dma_wait3A_132 = tpu.memref_slice %arg7[%dma_wait3A_130, %dma_wait3A_131] : memref<2x128xi32, #tpu.memory_space<vmem>> -> memref<1x128xi32, #tpu.memory_space<vmem>>
      %dma_wait3A_133 = tpu.memref_squeeze %dma_wait3A_132 : memref<1x128xi32, #tpu.memory_space<vmem>> -> memref<128xi32, #tpu.memory_space<vmem>>
      %dma_wait3A_134 = tpu.memref_slice %arg4[%add3A_129] : memref<320000xi32, #tpu.memory_space<hbm>> -> memref<128xi32, #tpu.memory_space<hbm>>
      %dma_wait3A_135 = arith.constant 0 : i32
      %dma_wait3A_136 = tpu.memref_slice %arg7[%dma_wait3A_130, %dma_wait3A_135] : memref<2x128xi32, #tpu.memory_space<vmem>> -> memref<1x128xi32, #tpu.memory_space<vmem>>
      %dma_wait3A_137 = tpu.memref_squeeze %dma_wait3A_136 : memref<1x128xi32, #tpu.memory_space<vmem>> -> memref<128xi32, #tpu.memory_space<vmem>>
      %dma_wait3A_138 = tpu.memref_slice %arg4[%add3A_129] : memref<320000xi32, #tpu.memory_space<hbm>> -> memref<128xi32, #tpu.memory_space<hbm>>
      tpu.wait_dma2 semaphore(%arg13 : memref<!tpu.dma_semaphore, #tpu.memory_space<semaphore_mem>>) src(%dma_wait3A_138 : memref<128xi32, #tpu.memory_space<hbm>>) dst(%dma_wait3A_137 : memref<128xi32, #tpu.memory_space<vmem>>)
      %dma_wait3A_139 = arith.constant 1 : i32
      %dma_wait3A_140 = arith.constant 0 : i32
      %dma_wait3A_141 = arith.constant 0 : i32
      %dma_wait3A_142 = tpu.memref_slice %arg8[%dma_wait3A_139, %dma_wait3A_140, %dma_wait3A_141] : memref<2x128x128xf32, #tpu.memory_space<vmem>> -> memref<1x128x128xf32, #tpu.memory_space<vmem>>
      %dma_wait3A_143 = tpu.memref_squeeze %dma_wait3A_142 : memref<1x128x128xf32, #tpu.memory_space<vmem>> -> memref<128x128xf32, #tpu.memory_space<vmem>>
      %dma_wait3A_144 = tpu.memref_slice %arg6[%multiple_of3A_128] : memref<10240xi32, #tpu.memory_space<vmem>> -> memref<128xi32, #tpu.memory_space<vmem>>
      %dma_wait3A_145 = arith.constant 0 : i32
      %dma_wait3A_146 = arith.constant 0 : i32
      %dma_wait3A_147 = tpu.memref_slice %arg2[%dma_wait3A_145, %dma_wait3A_146] : memref<10000x128xf32, #tpu.memory_space<hbm>> -> memref<10000x128xf32, #tpu.memory_space<hbm>>
      tpu.wait_indirect_dma semaphore(%arg11 : memref<!tpu.dma_semaphore, #tpu.memory_space<semaphore_mem>>) src(%dma_wait3A_147 : memref<10000x128xf32, #tpu.memory_space<hbm>>) dst(%dma_wait3A_143 : memref<128x128xf32, #tpu.memory_space<vmem>>)
      %run_scoped3A_148 = arith.constant 1 : i32
      %run_scoped3A_149 = arith.constant 1 : i32
      "tpu.region"() ({
        %run_scoped3A_156 = tpu.sem_alloc : memref<!tpu.dma_semaphore, #tpu.memory_space<semaphore_mem>>
        %dma_start3A_157 = arith.constant 0 : i32
        %dma_start3A_158 = arith.constant 0 : i32
        %dma_start3A_159 = tpu.memref_slice %arg8[%run_scoped3A_148, %dma_start3A_157, %dma_start3A_158] : memref<2x128x128xf32, #tpu.memory_space<vmem>> -> memref<1x128x128xf32, #tpu.memory_space<vmem>>
        %dma_start3A_160 = tpu.memref_squeeze %dma_start3A_159 : memref<1x128x128xf32, #tpu.memory_space<vmem>> -> memref<128x128xf32, #tpu.memory_space<vmem>>
        %dma_start3A_161 = arith.constant 0 : i32
        %dma_start3A_162 = tpu.memref_slice %arg7[%run_scoped3A_149, %dma_start3A_161] : memref<2x128xi32, #tpu.memory_space<vmem>> -> memref<1x128xi32, #tpu.memory_space<vmem>>
        %dma_start3A_163 = tpu.memref_squeeze %dma_start3A_162 : memref<1x128xi32, #tpu.memory_space<vmem>> -> memref<128xi32, #tpu.memory_space<vmem>>
        %dma_start3A_164 = arith.constant 0 : i32
        %dma_start3A_165 = arith.constant 0 : i32
        %dma_start3A_166 = tpu.memref_slice %arg9[%dma_start3A_164, %dma_start3A_165] : memref<10240x128xf32, #tpu.memory_space<vmem_shared>> -> memref<10240x128xf32, #tpu.memory_space<vmem_shared>>
        tpu.enqueue_indirect_dma source(%dma_start3A_160 : memref<128x128xf32, #tpu.memory_space<vmem>>) target(%dma_start3A_166 : memref<10240x128xf32, #tpu.memory_space<vmem_shared>>) offsets(%dma_start3A_163 : memref<128xi32, #tpu.memory_space<vmem>>) semaphore(%run_scoped3A_156 : memref<!tpu.dma_semaphore, #tpu.memory_space<semaphore_mem>>) {add = true}
        %dma_wait3A_167 = arith.constant 0 : i32
        %dma_wait3A_168 = arith.constant 0 : i32
        %dma_wait3A_169 = tpu.memref_slice %arg8[%run_scoped3A_148, %dma_wait3A_167, %dma_wait3A_168] : memref<2x128x128xf32, #tpu.memory_space<vmem>> -> memref<1x128x128xf32, #tpu.memory_space<vmem>>
        %dma_wait3A_170 = tpu.memref_squeeze %dma_wait3A_169 : memref<1x128x128xf32, #tpu.memory_space<vmem>> -> memref<128x128xf32, #tpu.memory_space<vmem>>
        %dma_wait3A_171 = arith.constant 0 : i32
        %dma_wait3A_172 = tpu.memref_slice %arg7[%run_scoped3A_149, %dma_wait3A_171] : memref<2x128xi32, #tpu.memory_space<vmem>> -> memref<1x128xi32, #tpu.memory_space<vmem>>
        %dma_wait3A_173 = tpu.memref_squeeze %dma_wait3A_172 : memref<1x128xi32, #tpu.memory_space<vmem>> -> memref<128xi32, #tpu.memory_space<vmem>>
        %dma_wait3A_174 = arith.constant 0 : i32
        %dma_wait3A_175 = arith.constant 0 : i32
        %dma_wait3A_176 = tpu.memref_slice %arg9[%dma_wait3A_174, %dma_wait3A_175] : memref<10240x128xf32, #tpu.memory_space<vmem_shared>> -> memref<10240x128xf32, #tpu.memory_space<vmem_shared>>
        tpu.wait_indirect_dma semaphore(%run_scoped3A_156 : memref<!tpu.dma_semaphore, #tpu.memory_space<semaphore_mem>>) src(%dma_wait3A_170 : memref<128x128xf32, #tpu.memory_space<vmem>>) dst(%dma_wait3A_176 : memref<10240x128xf32, #tpu.memory_space<vmem_shared>>)
        tpu.yield
      }) : () -> ()
      %add3A_150 = arith.constant 2 : i32
      %add3A_151 = arith.addi %add3A_125, %add3A_150 : i32
      %lt3A_152 = arith.cmpi slt, %add3A_151, %select_n3A : i32
      %convert_element_type3A_153 = arith.extui %lt3A_152 : i1 to i32
      %cond3A_154 = arith.constant 0 : i32
      %cond3A_155 = arith.cmpi ne, %convert_element_type3A_153, %cond3A_154 : i32
      scf.if %cond3A_155 {
        %mul3A_156 = arith.constant 128 : i32
        %mul3A_157 = arith.muli %add3A_151, %mul3A_156 : i32
        %multiple_of3A_158 = tpu.assume_multiple %mul3A_157, 128 : i32
        %add3A_159 = arith.addi %mul3A_2, %multiple_of3A_158 : i32
        %dma_start3A_160 = arith.constant 1 : i32
        %dma_start3A_161 = arith.constant 0 : i32
        %dma_start3A_162 = tpu.memref_slice %arg7[%dma_start3A_160, %dma_start3A_161] : memref<2x128xi32, #tpu.memory_space<vmem>> -> memref<1x128xi32, #tpu.memory_space<vmem>>
        %dma_start3A_163 = tpu.memref_squeeze %dma_start3A_162 : memref<1x128xi32, #tpu.memory_space<vmem>> -> memref<128xi32, #tpu.memory_space<vmem>>
        %dma_start3A_164 = tpu.memref_slice %arg4[%add3A_159] : memref<320000xi32, #tpu.memory_space<hbm>> -> memref<128xi32, #tpu.memory_space<hbm>>
        %dma_start3A_165 = arith.constant 0 : i32
        %dma_start3A_166 = tpu.memref_slice %arg7[%dma_start3A_160, %dma_start3A_165] : memref<2x128xi32, #tpu.memory_space<vmem>> -> memref<1x128xi32, #tpu.memory_space<vmem>>
        %dma_start3A_167 = tpu.memref_squeeze %dma_start3A_166 : memref<1x128xi32, #tpu.memory_space<vmem>> -> memref<128xi32, #tpu.memory_space<vmem>>
        %dma_start3A_168 = tpu.memref_slice %arg4[%add3A_159] : memref<320000xi32, #tpu.memory_space<hbm>> -> memref<128xi32, #tpu.memory_space<hbm>>
        tpu.enqueue_dma source(%dma_start3A_168 : memref<128xi32, #tpu.memory_space<hbm>>) target(%dma_start3A_167 : memref<128xi32, #tpu.memory_space<vmem>>) target_semaphore(%arg13 : memref<!tpu.dma_semaphore, #tpu.memory_space<semaphore_mem>>)
        %dma_start3A_169 = arith.constant 1 : i32
        %dma_start3A_170 = arith.constant 0 : i32
        %dma_start3A_171 = arith.constant 0 : i32
        %dma_start3A_172 = tpu.memref_slice %arg8[%dma_start3A_169, %dma_start3A_170, %dma_start3A_171] : memref<2x128x128xf32, #tpu.memory_space<vmem>> -> memref<1x128x128xf32, #tpu.memory_space<vmem>>
        %dma_start3A_173 = tpu.memref_squeeze %dma_start3A_172 : memref<1x128x128xf32, #tpu.memory_space<vmem>> -> memref<128x128xf32, #tpu.memory_space<vmem>>
        %dma_start3A_174 = tpu.memref_slice %arg6[%multiple_of3A_158] : memref<10240xi32, #tpu.memory_space<vmem>> -> memref<128xi32, #tpu.memory_space<vmem>>
        %dma_start3A_175 = arith.constant 0 : i32
        %dma_start3A_176 = arith.constant 0 : i32
        %dma_start3A_177 = tpu.memref_slice %arg2[%dma_start3A_175, %dma_start3A_176] : memref<10000x128xf32, #tpu.memory_space<hbm>> -> memref<10000x128xf32, #tpu.memory_space<hbm>>
        tpu.enqueue_indirect_dma source(%dma_start3A_177 : memref<10000x128xf32, #tpu.memory_space<hbm>>) target(%dma_start3A_173 : memref<128x128xf32, #tpu.memory_space<vmem>>) offsets(%dma_start3A_174 : memref<128xi32, #tpu.memory_space<vmem>>) semaphore(%arg11 : memref<!tpu.dma_semaphore, #tpu.memory_space<semaphore_mem>>)
      } else {
      }
    }
    %barrier3A_90 = arith.constant 0 : index
    tpu.barrier barrier_id(%barrier3A_90)
    "tpu.region"() ({
      %run_scoped3A_91 = tpu.sem_alloc : memref<!tpu.dma_semaphore, #tpu.memory_space<semaphore_mem>>
      %dma_start3A_92 = arith.constant 0 : i32
      %dma_start3A_93 = tpu.memref_slice %arg5[%arg0, %mul3A_18, %dma_start3A_92] : memref<2x10240x128xf32, #tpu.memory_space<hbm>> -> memref<1x640x128xf32, #tpu.memory_space<hbm>>
      %dma_start3A_94 = tpu.memref_squeeze %dma_start3A_93 : memref<1x640x128xf32, #tpu.memory_space<hbm>> -> memref<640x128xf32, #tpu.memory_space<hbm>>
      %dma_start3A_95 = arith.constant 0 : i32
      %dma_start3A_96 = tpu.memref_slice %arg9[%mul3A_18, %dma_start3A_95] : memref<10240x128xf32, #tpu.memory_space<vmem_shared>> -> memref<640x128xf32, #tpu.memory_space<vmem_shared>>
      tpu.enqueue_dma source(%dma_start3A_96 : memref<640x128xf32, #tpu.memory_space<vmem_shared>>) target(%dma_start3A_94 : memref<640x128xf32, #tpu.memory_space<hbm>>) target_semaphore(%run_scoped3A_91 : memref<!tpu.dma_semaphore, #tpu.memory_space<semaphore_mem>>)
      %dma_wait3A = arith.constant 0 : i32
      %dma_wait3A_97 = tpu.memref_slice %arg5[%arg0, %mul3A_18, %dma_wait3A] : memref<2x10240x128xf32, #tpu.memory_space<hbm>> -> memref<1x640x128xf32, #tpu.memory_space<hbm>>
      %dma_wait3A_98 = tpu.memref_squeeze %dma_wait3A_97 : memref<1x640x128xf32, #tpu.memory_space<hbm>> -> memref<640x128xf32, #tpu.memory_space<hbm>>
      %dma_wait3A_99 = arith.constant 0 : i32
      %dma_wait3A_100 = tpu.memref_slice %arg9[%mul3A_18, %dma_wait3A_99] : memref<10240x128xf32, #tpu.memory_space<vmem_shared>> -> memref<640x128xf32, #tpu.memory_space<vmem_shared>>
      tpu.wait_dma2 semaphore(%run_scoped3A_91 : memref<!tpu.dma_semaphore, #tpu.memory_space<semaphore_mem>>) src(%dma_wait3A_100 : memref<640x128xf32, #tpu.memory_space<vmem_shared>>) dst(%dma_wait3A_98 : memref<640x128xf32, #tpu.memory_space<hbm>>)
      tpu.yield
    }) : () -> ()
    return
  }
}

#map = affine_map<(d0, d1) -> (0)>
#map1 = affine_map<(d0, d1) -> (0, 0, 0)>
module attributes {stable_mosaic.version = 14 : i64} {
  func.func @_sc_counts(%arg0: i32, %arg1: i32, %arg2: memref<320000xi32, #tpu.memory_space<hbm>>, %arg3: memref<2x10240x128xf32, #tpu.memory_space<hbm>>, %arg4: memref<2x128xi32, #tpu.memory_space<vmem>>, %arg5: memref<128x128xf32, #tpu.memory_space<vmem>>, %arg6: memref<10240x128xf32, #tpu.memory_space<vmem_shared>>, %arg7: memref<!tpu.dma_semaphore, #tpu.memory_space<semaphore_mem>>, %arg8: memref<!tpu.dma_semaphore, #tpu.memory_space<semaphore_mem>>) attributes {dimension_semantics = [#tpu.dimension_semantics<core_parallel>, #tpu.dimension_semantics<subcore_parallel>], iteration_bounds = array<i64: 2, 16>, scalar_prefetch = 0 : i64, scratch_operands = 5 : i64, tpu.core_type = #tpu.core_type<sc_vector_subcore>, window_params = [{transform_indices = #map}, {transform_indices = #map1}]} {
    %mul3A = arith.constant 16 : i32
    %mul3A_0 = arith.muli %arg0, %mul3A : i32
    %add3A = arith.addi %mul3A_0, %arg1 : i32
    %mul3A_1 = arith.constant 10240 : i32
    %mul3A_2 = arith.muli %add3A, %mul3A_1 : i32
    %eq3A = arith.constant 31 : i32
    %eq3A_3 = arith.cmpi eq, %add3A, %eq3A : i32
    %jit3A = arith.constant 20 : i32
    %jit3A_4 = arith.constant 80 : i32
    %select_n3A = arith.select %eq3A_3, %jit3A, %jit3A_4 : i32
    %add3A_5 = arith.constant 0 : i32
    %add3A_6 = arith.addi %mul3A_2, %add3A_5 : i32
    %dma_start3A = arith.constant 0 : i32
    %dma_start3A_7 = arith.constant 0 : i32
    %dma_start3A_8 = tpu.memref_slice %arg4[%dma_start3A, %dma_start3A_7] : memref<2x128xi32, #tpu.memory_space<vmem>> -> memref<1x128xi32, #tpu.memory_space<vmem>>
    %dma_start3A_9 = tpu.memref_squeeze %dma_start3A_8 : memref<1x128xi32, #tpu.memory_space<vmem>> -> memref<128xi32, #tpu.memory_space<vmem>>
    %dma_start3A_10 = tpu.memref_slice %arg2[%add3A_6] : memref<320000xi32, #tpu.memory_space<hbm>> -> memref<128xi32, #tpu.memory_space<hbm>>
    %dma_start3A_11 = arith.constant 0 : i32
    %dma_start3A_12 = tpu.memref_slice %arg4[%dma_start3A, %dma_start3A_11] : memref<2x128xi32, #tpu.memory_space<vmem>> -> memref<1x128xi32, #tpu.memory_space<vmem>>
    %dma_start3A_13 = tpu.memref_squeeze %dma_start3A_12 : memref<1x128xi32, #tpu.memory_space<vmem>> -> memref<128xi32, #tpu.memory_space<vmem>>
    %dma_start3A_14 = tpu.memref_slice %arg2[%add3A_6] : memref<320000xi32, #tpu.memory_space<hbm>> -> memref<128xi32, #tpu.memory_space<hbm>>
    tpu.enqueue_dma source(%dma_start3A_14 : memref<128xi32, #tpu.memory_space<hbm>>) target(%dma_start3A_13 : memref<128xi32, #tpu.memory_space<vmem>>) target_semaphore(%arg7 : memref<!tpu.dma_semaphore, #tpu.memory_space<semaphore_mem>>)
    %add3A_15 = arith.constant 128 : i32
    %add3A_16 = arith.addi %mul3A_2, %add3A_15 : i32
    %dma_start3A_17 = arith.constant 1 : i32
    %dma_start3A_18 = arith.constant 0 : i32
    %dma_start3A_19 = tpu.memref_slice %arg4[%dma_start3A_17, %dma_start3A_18] : memref<2x128xi32, #tpu.memory_space<vmem>> -> memref<1x128xi32, #tpu.memory_space<vmem>>
    %dma_start3A_20 = tpu.memref_squeeze %dma_start3A_19 : memref<1x128xi32, #tpu.memory_space<vmem>> -> memref<128xi32, #tpu.memory_space<vmem>>
    %dma_start3A_21 = tpu.memref_slice %arg2[%add3A_16] : memref<320000xi32, #tpu.memory_space<hbm>> -> memref<128xi32, #tpu.memory_space<hbm>>
    %dma_start3A_22 = arith.constant 0 : i32
    %dma_start3A_23 = tpu.memref_slice %arg4[%dma_start3A_17, %dma_start3A_22] : memref<2x128xi32, #tpu.memory_space<vmem>> -> memref<1x128xi32, #tpu.memory_space<vmem>>
    %dma_start3A_24 = tpu.memref_squeeze %dma_start3A_23 : memref<1x128xi32, #tpu.memory_space<vmem>> -> memref<128xi32, #tpu.memory_space<vmem>>
    %dma_start3A_25 = tpu.memref_slice %arg2[%add3A_16] : memref<320000xi32, #tpu.memory_space<hbm>> -> memref<128xi32, #tpu.memory_space<hbm>>
    tpu.enqueue_dma source(%dma_start3A_25 : memref<128xi32, #tpu.memory_space<hbm>>) target(%dma_start3A_24 : memref<128xi32, #tpu.memory_space<vmem>>) target_semaphore(%arg8 : memref<!tpu.dma_semaphore, #tpu.memory_space<semaphore_mem>>)
    %broadcast_in_dim3A = arith.constant 0.000000e+00 : f32
    %broadcast_in_dim3A_26 = vector.broadcast %broadcast_in_dim3A : f32 to vector<16xf32>
    %broadcast_in_dim3A_27 = arith.constant 1.000000e+00 : f32
    %broadcast_in_dim3A_28 = vector.broadcast %broadcast_in_dim3A_27 : f32 to vector<16xf32>
    %scan3A = arith.constant 0 : i32
    %scan3A_29 = arith.constant 128 : i32
    %scan3A_30 = arith.addi %scan3A, %scan3A_29 : i32
    %scan3A_31 = arith.constant 1 : i32
    scf.for %scan3A_67 = %scan3A to %scan3A_30 step %scan3A_31  : i32 {
      %mul3A_68 = arith.constant 1 : i32
      %mul3A_69 = arith.muli %scan3A_67, %mul3A_68 : i32
      %add3A_70 = arith.constant 0 : i32
      %add3A_71 = arith.addi %add3A_70, %mul3A_69 : i32
      %swap3A = arith.index_cast %add3A_71 : i32 to index
      %swap3A_72 = arith.constant 0 : index
      %swap3A_73 = tpu.vector_load %arg5[%swap3A, %swap3A_72] {strides = array<i32>} : memref<128x128xf32, #tpu.memory_space<vmem>>, vector<1x16xf32>,
      %swap3A_74 = vector.shape_cast %swap3A_73 : vector<1x16xf32> to vector<16xf32>
      %swap3A_75 = vector.shape_cast %broadcast_in_dim3A_26 : vector<16xf32> to vector<1x16xf32>
      tpu.vector_store %arg5[%swap3A, %swap3A_72], %swap3A_75 {strides = array<i32>} : memref<128x128xf32, #tpu.memory_space<vmem>>, vector<1x16xf32>,
      %swap3A_76 = arith.index_cast %add3A_71 : i32 to index
      %swap3A_77 = arith.constant 16 : index
      %swap3A_78 = tpu.vector_load %arg5[%swap3A_76, %swap3A_77] {strides = array<i32>} : memref<128x128xf32, #tpu.memory_space<vmem>>, vector<1x16xf32>,
      %swap3A_79 = vector.shape_cast %swap3A_78 : vector<1x16xf32> to vector<16xf32>
      %swap3A_80 = vector.shape_cast %broadcast_in_dim3A_26 : vector<16xf32> to vector<1x16xf32>
      tpu.vector_store %arg5[%swap3A_76, %swap3A_77], %swap3A_80 {strides = array<i32>} : memref<128x128xf32, #tpu.memory_space<vmem>>, vector<1x16xf32>,
      %swap3A_81 = arith.index_cast %add3A_71 : i32 to index
      %swap3A_82 = arith.constant 32 : index
      %swap3A_83 = tpu.vector_load %arg5[%swap3A_81, %swap3A_82] {strides = array<i32>} : memref<128x128xf32, #tpu.memory_space<vmem>>, vector<1x16xf32>,
      %swap3A_84 = vector.shape_cast %swap3A_83 : vector<1x16xf32> to vector<16xf32>
      %swap3A_85 = vector.shape_cast %broadcast_in_dim3A_26 : vector<16xf32> to vector<1x16xf32>
      tpu.vector_store %arg5[%swap3A_81, %swap3A_82], %swap3A_85 {strides = array<i32>} : memref<128x128xf32, #tpu.memory_space<vmem>>, vector<1x16xf32>,
      %swap3A_86 = arith.index_cast %add3A_71 : i32 to index
      %swap3A_87 = arith.constant 48 : index
      %swap3A_88 = tpu.vector_load %arg5[%swap3A_86, %swap3A_87] {strides = array<i32>} : memref<128x128xf32, #tpu.memory_space<vmem>>, vector<1x16xf32>,
      %swap3A_89 = vector.shape_cast %swap3A_88 : vector<1x16xf32> to vector<16xf32>
      %swap3A_90 = vector.shape_cast %broadcast_in_dim3A_26 : vector<16xf32> to vector<1x16xf32>
      tpu.vector_store %arg5[%swap3A_86, %swap3A_87], %swap3A_90 {strides = array<i32>} : memref<128x128xf32, #tpu.memory_space<vmem>>, vector<1x16xf32>,
      %swap3A_91 = arith.index_cast %add3A_71 : i32 to index
      %swap3A_92 = arith.constant 64 : index
      %swap3A_93 = tpu.vector_load %arg5[%swap3A_91, %swap3A_92] {strides = array<i32>} : memref<128x128xf32, #tpu.memory_space<vmem>>, vector<1x16xf32>,
      %swap3A_94 = vector.shape_cast %swap3A_93 : vector<1x16xf32> to vector<16xf32>
      %swap3A_95 = vector.shape_cast %broadcast_in_dim3A_26 : vector<16xf32> to vector<1x16xf32>
      tpu.vector_store %arg5[%swap3A_91, %swap3A_92], %swap3A_95 {strides = array<i32>} : memref<128x128xf32, #tpu.memory_space<vmem>>, vector<1x16xf32>,
      %swap3A_96 = arith.index_cast %add3A_71 : i32 to index
      %swap3A_97 = arith.constant 80 : index
      %swap3A_98 = tpu.vector_load %arg5[%swap3A_96, %swap3A_97] {strides = array<i32>} : memref<128x128xf32, #tpu.memory_space<vmem>>, vector<1x16xf32>,
      %swap3A_99 = vector.shape_cast %swap3A_98 : vector<1x16xf32> to vector<16xf32>
      %swap3A_100 = vector.shape_cast %broadcast_in_dim3A_26 : vector<16xf32> to vector<1x16xf32>
      tpu.vector_store %arg5[%swap3A_96, %swap3A_97], %swap3A_100 {strides = array<i32>} : memref<128x128xf32, #tpu.memory_space<vmem>>, vector<1x16xf32>,
      %swap3A_101 = arith.index_cast %add3A_71 : i32 to index
      %swap3A_102 = arith.constant 96 : index
      %swap3A_103 = tpu.vector_load %arg5[%swap3A_101, %swap3A_102] {strides = array<i32>} : memref<128x128xf32, #tpu.memory_space<vmem>>, vector<1x16xf32>,
      %swap3A_104 = vector.shape_cast %swap3A_103 : vector<1x16xf32> to vector<16xf32>
      %swap3A_105 = vector.shape_cast %broadcast_in_dim3A_26 : vector<16xf32> to vector<1x16xf32>
      tpu.vector_store %arg5[%swap3A_101, %swap3A_102], %swap3A_105 {strides = array<i32>} : memref<128x128xf32, #tpu.memory_space<vmem>>, vector<1x16xf32>,
      %swap3A_106 = arith.index_cast %add3A_71 : i32 to index
      %swap3A_107 = arith.constant 112 : index
      %swap3A_108 = tpu.vector_load %arg5[%swap3A_106, %swap3A_107] {strides = array<i32>} : memref<128x128xf32, #tpu.memory_space<vmem>>, vector<1x16xf32>,
      %swap3A_109 = vector.shape_cast %swap3A_108 : vector<1x16xf32> to vector<16xf32>
      %swap3A_110 = vector.shape_cast %broadcast_in_dim3A_26 : vector<16xf32> to vector<1x16xf32>
      tpu.vector_store %arg5[%swap3A_106, %swap3A_107], %swap3A_110 {strides = array<i32>} : memref<128x128xf32, #tpu.memory_space<vmem>>, vector<1x16xf32>,
    }
    %scan3A_32 = arith.constant 128 : i32
    %mul3A_33 = arith.constant 640 : i32
    %mul3A_34 = arith.muli %arg1, %mul3A_33 : i32
    %add3A_35 = arith.constant 0 : i32
    %add3A_36 = arith.addi %mul3A_34, %add3A_35 : i32
    "tpu.region"() ({
      %run_scoped3A = tpu.sem_alloc : memref<!tpu.dma_semaphore, #tpu.memory_space<semaphore_mem>>
      %dma_start3A_67 = arith.constant 0 : i32
      %dma_start3A_68 = tpu.memref_slice %arg6[%add3A_36, %dma_start3A_67] : memref<10240x128xf32, #tpu.memory_space<vmem_shared>> -> memref<128x128xf32, #tpu.memory_space<vmem_shared>>
      %dma_start3A_69 = arith.constant 0 : i32
      %dma_start3A_70 = tpu.memref_slice %arg6[%add3A_36, %dma_start3A_69] : memref<10240x128xf32, #tpu.memory_space<vmem_shared>> -> memref<128x128xf32, #tpu.memory_space<vmem_shared>>
      tpu.enqueue_dma source(%arg5 : memref<128x128xf32, #tpu.memory_space<vmem>>) target(%dma_start3A_70 : memref<128x128xf32, #tpu.memory_space<vmem_shared>>) target_semaphore(%run_scoped3A : memref<!tpu.dma_semaphore, #tpu.memory_space<semaphore_mem>>)
      %dma_wait3A = arith.constant 0 : i32
      %dma_wait3A_71 = tpu.memref_slice %arg6[%add3A_36, %dma_wait3A] : memref<10240x128xf32, #tpu.memory_space<vmem_shared>> -> memref<128x128xf32, #tpu.memory_space<vmem_shared>>
      %dma_wait3A_72 = arith.constant 0 : i32
      %dma_wait3A_73 = tpu.memref_slice %arg6[%add3A_36, %dma_wait3A_72] : memref<10240x128xf32, #tpu.memory_space<vmem_shared>> -> memref<128x128xf32, #tpu.memory_space<vmem_shared>>
      tpu.wait_dma2 semaphore(%run_scoped3A : memref<!tpu.dma_semaphore, #tpu.memory_space<semaphore_mem>>) src(%arg5 : memref<128x128xf32, #tpu.memory_space<vmem>>) dst(%dma_wait3A_73 : memref<128x128xf32, #tpu.memory_space<vmem_shared>>)
      tpu.yield
    }) : () -> ()
    %add3A_37 = arith.constant 128 : i32
    %add3A_38 = arith.addi %mul3A_34, %add3A_37 : i32
    "tpu.region"() ({
      %run_scoped3A = tpu.sem_alloc : memref<!tpu.dma_semaphore, #tpu.memory_space<semaphore_mem>>
      %dma_start3A_67 = arith.constant 0 : i32
      %dma_start3A_68 = tpu.memref_slice %arg6[%add3A_38, %dma_start3A_67] : memref<10240x128xf32, #tpu.memory_space<vmem_shared>> -> memref<128x128xf32, #tpu.memory_space<vmem_shared>>
      %dma_start3A_69 = arith.constant 0 : i32
      %dma_start3A_70 = tpu.memref_slice %arg6[%add3A_38, %dma_start3A_69] : memref<10240x128xf32, #tpu.memory_space<vmem_shared>> -> memref<128x128xf32, #tpu.memory_space<vmem_shared>>
      tpu.enqueue_dma source(%arg5 : memref<128x128xf32, #tpu.memory_space<vmem>>) target(%dma_start3A_70 : memref<128x128xf32, #tpu.memory_space<vmem_shared>>) target_semaphore(%run_scoped3A : memref<!tpu.dma_semaphore, #tpu.memory_space<semaphore_mem>>)
      %dma_wait3A = arith.constant 0 : i32
      %dma_wait3A_71 = tpu.memref_slice %arg6[%add3A_38, %dma_wait3A] : memref<10240x128xf32, #tpu.memory_space<vmem_shared>> -> memref<128x128xf32, #tpu.memory_space<vmem_shared>>
      %dma_wait3A_72 = arith.constant 0 : i32
      %dma_wait3A_73 = tpu.memref_slice %arg6[%add3A_38, %dma_wait3A_72] : memref<10240x128xf32, #tpu.memory_space<vmem_shared>> -> memref<128x128xf32, #tpu.memory_space<vmem_shared>>
      tpu.wait_dma2 semaphore(%run_scoped3A : memref<!tpu.dma_semaphore, #tpu.memory_space<semaphore_mem>>) src(%arg5 : memref<128x128xf32, #tpu.memory_space<vmem>>) dst(%dma_wait3A_73 : memref<128x128xf32, #tpu.memory_space<vmem_shared>>)
      tpu.yield
    }) : () -> ()
    %add3A_39 = arith.constant 256 : i32
    %add3A_40 = arith.addi %mul3A_34, %add3A_39 : i32
    "tpu.region"() ({
      %run_scoped3A = tpu.sem_alloc : memref<!tpu.dma_semaphore, #tpu.memory_space<semaphore_mem>>
      %dma_start3A_67 = arith.constant 0 : i32
      %dma_start3A_68 = tpu.memref_slice %arg6[%add3A_40, %dma_start3A_67] : memref<10240x128xf32, #tpu.memory_space<vmem_shared>> -> memref<128x128xf32, #tpu.memory_space<vmem_shared>>
      %dma_start3A_69 = arith.constant 0 : i32
      %dma_start3A_70 = tpu.memref_slice %arg6[%add3A_40, %dma_start3A_69] : memref<10240x128xf32, #tpu.memory_space<vmem_shared>> -> memref<128x128xf32, #tpu.memory_space<vmem_shared>>
      tpu.enqueue_dma source(%arg5 : memref<128x128xf32, #tpu.memory_space<vmem>>) target(%dma_start3A_70 : memref<128x128xf32, #tpu.memory_space<vmem_shared>>) target_semaphore(%run_scoped3A : memref<!tpu.dma_semaphore, #tpu.memory_space<semaphore_mem>>)
      %dma_wait3A = arith.constant 0 : i32
      %dma_wait3A_71 = tpu.memref_slice %arg6[%add3A_40, %dma_wait3A] : memref<10240x128xf32, #tpu.memory_space<vmem_shared>> -> memref<128x128xf32, #tpu.memory_space<vmem_shared>>
      %dma_wait3A_72 = arith.constant 0 : i32
      %dma_wait3A_73 = tpu.memref_slice %arg6[%add3A_40, %dma_wait3A_72] : memref<10240x128xf32, #tpu.memory_space<vmem_shared>> -> memref<128x128xf32, #tpu.memory_space<vmem_shared>>
      tpu.wait_dma2 semaphore(%run_scoped3A : memref<!tpu.dma_semaphore, #tpu.memory_space<semaphore_mem>>) src(%arg5 : memref<128x128xf32, #tpu.memory_space<vmem>>) dst(%dma_wait3A_73 : memref<128x128xf32, #tpu.memory_space<vmem_shared>>)
      tpu.yield
    }) : () -> ()
    %add3A_41 = arith.constant 384 : i32
    %add3A_42 = arith.addi %mul3A_34, %add3A_41 : i32
    "tpu.region"() ({
      %run_scoped3A = tpu.sem_alloc : memref<!tpu.dma_semaphore, #tpu.memory_space<semaphore_mem>>
      %dma_start3A_67 = arith.constant 0 : i32
      %dma_start3A_68 = tpu.memref_slice %arg6[%add3A_42, %dma_start3A_67] : memref<10240x128xf32, #tpu.memory_space<vmem_shared>> -> memref<128x128xf32, #tpu.memory_space<vmem_shared>>
      %dma_start3A_69 = arith.constant 0 : i32
      %dma_start3A_70 = tpu.memref_slice %arg6[%add3A_42, %dma_start3A_69] : memref<10240x128xf32, #tpu.memory_space<vmem_shared>> -> memref<128x128xf32, #tpu.memory_space<vmem_shared>>
      tpu.enqueue_dma source(%arg5 : memref<128x128xf32, #tpu.memory_space<vmem>>) target(%dma_start3A_70 : memref<128x128xf32, #tpu.memory_space<vmem_shared>>) target_semaphore(%run_scoped3A : memref<!tpu.dma_semaphore, #tpu.memory_space<semaphore_mem>>)
      %dma_wait3A = arith.constant 0 : i32
      %dma_wait3A_71 = tpu.memref_slice %arg6[%add3A_42, %dma_wait3A] : memref<10240x128xf32, #tpu.memory_space<vmem_shared>> -> memref<128x128xf32, #tpu.memory_space<vmem_shared>>
      %dma_wait3A_72 = arith.constant 0 : i32
      %dma_wait3A_73 = tpu.memref_slice %arg6[%add3A_42, %dma_wait3A_72] : memref<10240x128xf32, #tpu.memory_space<vmem_shared>> -> memref<128x128xf32, #tpu.memory_space<vmem_shared>>
      tpu.wait_dma2 semaphore(%run_scoped3A : memref<!tpu.dma_semaphore, #tpu.memory_space<semaphore_mem>>) src(%arg5 : memref<128x128xf32, #tpu.memory_space<vmem>>) dst(%dma_wait3A_73 : memref<128x128xf32, #tpu.memory_space<vmem_shared>>)
      tpu.yield
    }) : () -> ()
    %add3A_43 = arith.constant 512 : i32
    %add3A_44 = arith.addi %mul3A_34, %add3A_43 : i32
    "tpu.region"() ({
      %run_scoped3A = tpu.sem_alloc : memref<!tpu.dma_semaphore, #tpu.memory_space<semaphore_mem>>
      %dma_start3A_67 = arith.constant 0 : i32
      %dma_start3A_68 = tpu.memref_slice %arg6[%add3A_44, %dma_start3A_67] : memref<10240x128xf32, #tpu.memory_space<vmem_shared>> -> memref<128x128xf32, #tpu.memory_space<vmem_shared>>
      %dma_start3A_69 = arith.constant 0 : i32
      %dma_start3A_70 = tpu.memref_slice %arg6[%add3A_44, %dma_start3A_69] : memref<10240x128xf32, #tpu.memory_space<vmem_shared>> -> memref<128x128xf32, #tpu.memory_space<vmem_shared>>
      tpu.enqueue_dma source(%arg5 : memref<128x128xf32, #tpu.memory_space<vmem>>) target(%dma_start3A_70 : memref<128x128xf32, #tpu.memory_space<vmem_shared>>) target_semaphore(%run_scoped3A : memref<!tpu.dma_semaphore, #tpu.memory_space<semaphore_mem>>)
      %dma_wait3A = arith.constant 0 : i32
      %dma_wait3A_71 = tpu.memref_slice %arg6[%add3A_44, %dma_wait3A] : memref<10240x128xf32, #tpu.memory_space<vmem_shared>> -> memref<128x128xf32, #tpu.memory_space<vmem_shared>>
      %dma_wait3A_72 = arith.constant 0 : i32
      %dma_wait3A_73 = tpu.memref_slice %arg6[%add3A_44, %dma_wait3A_72] : memref<10240x128xf32, #tpu.memory_space<vmem_shared>> -> memref<128x128xf32, #tpu.memory_space<vmem_shared>>
      tpu.wait_dma2 semaphore(%run_scoped3A : memref<!tpu.dma_semaphore, #tpu.memory_space<semaphore_mem>>) src(%arg5 : memref<128x128xf32, #tpu.memory_space<vmem>>) dst(%dma_wait3A_73 : memref<128x128xf32, #tpu.memory_space<vmem_shared>>)
      tpu.yield
    }) : () -> ()
    %scan3A_45 = arith.constant 0 : i32
    %scan3A_46 = arith.constant 128 : i32
    %scan3A_47 = arith.addi %scan3A_45, %scan3A_46 : i32
    %scan3A_48 = arith.constant 1 : i32
    scf.for %scan3A_67 = %scan3A_45 to %scan3A_47 step %scan3A_48  : i32 {
      %mul3A_68 = arith.constant 1 : i32
      %mul3A_69 = arith.muli %scan3A_67, %mul3A_68 : i32
      %add3A_70 = arith.constant 0 : i32
      %add3A_71 = arith.addi %add3A_70, %mul3A_69 : i32
      %swap3A = arith.index_cast %add3A_71 : i32 to index
      %swap3A_72 = arith.constant 0 : index
      %swap3A_73 = tpu.vector_load %arg5[%swap3A, %swap3A_72] {strides = array<i32>} : memref<128x128xf32, #tpu.memory_space<vmem>>, vector<1x16xf32>,
      %swap3A_74 = vector.shape_cast %swap3A_73 : vector<1x16xf32> to vector<16xf32>
      %swap3A_75 = vector.shape_cast %broadcast_in_dim3A_28 : vector<16xf32> to vector<1x16xf32>
      tpu.vector_store %arg5[%swap3A, %swap3A_72], %swap3A_75 {strides = array<i32>} : memref<128x128xf32, #tpu.memory_space<vmem>>, vector<1x16xf32>,
      %swap3A_76 = arith.index_cast %add3A_71 : i32 to index
      %swap3A_77 = arith.constant 16 : index
      %swap3A_78 = tpu.vector_load %arg5[%swap3A_76, %swap3A_77] {strides = array<i32>} : memref<128x128xf32, #tpu.memory_space<vmem>>, vector<1x16xf32>,
      %swap3A_79 = vector.shape_cast %swap3A_78 : vector<1x16xf32> to vector<16xf32>
      %swap3A_80 = vector.shape_cast %broadcast_in_dim3A_28 : vector<16xf32> to vector<1x16xf32>
      tpu.vector_store %arg5[%swap3A_76, %swap3A_77], %swap3A_80 {strides = array<i32>} : memref<128x128xf32, #tpu.memory_space<vmem>>, vector<1x16xf32>,
      %swap3A_81 = arith.index_cast %add3A_71 : i32 to index
      %swap3A_82 = arith.constant 32 : index
      %swap3A_83 = tpu.vector_load %arg5[%swap3A_81, %swap3A_82] {strides = array<i32>} : memref<128x128xf32, #tpu.memory_space<vmem>>, vector<1x16xf32>,
      %swap3A_84 = vector.shape_cast %swap3A_83 : vector<1x16xf32> to vector<16xf32>
      %swap3A_85 = vector.shape_cast %broadcast_in_dim3A_28 : vector<16xf32> to vector<1x16xf32>
      tpu.vector_store %arg5[%swap3A_81, %swap3A_82], %swap3A_85 {strides = array<i32>} : memref<128x128xf32, #tpu.memory_space<vmem>>, vector<1x16xf32>,
      %swap3A_86 = arith.index_cast %add3A_71 : i32 to index
      %swap3A_87 = arith.constant 48 : index
      %swap3A_88 = tpu.vector_load %arg5[%swap3A_86, %swap3A_87] {strides = array<i32>} : memref<128x128xf32, #tpu.memory_space<vmem>>, vector<1x16xf32>,
      %swap3A_89 = vector.shape_cast %swap3A_88 : vector<1x16xf32> to vector<16xf32>
      %swap3A_90 = vector.shape_cast %broadcast_in_dim3A_28 : vector<16xf32> to vector<1x16xf32>
      tpu.vector_store %arg5[%swap3A_86, %swap3A_87], %swap3A_90 {strides = array<i32>} : memref<128x128xf32, #tpu.memory_space<vmem>>, vector<1x16xf32>,
      %swap3A_91 = arith.index_cast %add3A_71 : i32 to index
      %swap3A_92 = arith.constant 64 : index
      %swap3A_93 = tpu.vector_load %arg5[%swap3A_91, %swap3A_92] {strides = array<i32>} : memref<128x128xf32, #tpu.memory_space<vmem>>, vector<1x16xf32>,
      %swap3A_94 = vector.shape_cast %swap3A_93 : vector<1x16xf32> to vector<16xf32>
      %swap3A_95 = vector.shape_cast %broadcast_in_dim3A_28 : vector<16xf32> to vector<1x16xf32>
      tpu.vector_store %arg5[%swap3A_91, %swap3A_92], %swap3A_95 {strides = array<i32>} : memref<128x128xf32, #tpu.memory_space<vmem>>, vector<1x16xf32>,
      %swap3A_96 = arith.index_cast %add3A_71 : i32 to index
      %swap3A_97 = arith.constant 80 : index
      %swap3A_98 = tpu.vector_load %arg5[%swap3A_96, %swap3A_97] {strides = array<i32>} : memref<128x128xf32, #tpu.memory_space<vmem>>, vector<1x16xf32>,
      %swap3A_99 = vector.shape_cast %swap3A_98 : vector<1x16xf32> to vector<16xf32>
      %swap3A_100 = vector.shape_cast %broadcast_in_dim3A_28 : vector<16xf32> to vector<1x16xf32>
      tpu.vector_store %arg5[%swap3A_96, %swap3A_97], %swap3A_100 {strides = array<i32>} : memref<128x128xf32, #tpu.memory_space<vmem>>, vector<1x16xf32>,
      %swap3A_101 = arith.index_cast %add3A_71 : i32 to index
      %swap3A_102 = arith.constant 96 : index
      %swap3A_103 = tpu.vector_load %arg5[%swap3A_101, %swap3A_102] {strides = array<i32>} : memref<128x128xf32, #tpu.memory_space<vmem>>, vector<1x16xf32>,
      %swap3A_104 = vector.shape_cast %swap3A_103 : vector<1x16xf32> to vector<16xf32>
      %swap3A_105 = vector.shape_cast %broadcast_in_dim3A_28 : vector<16xf32> to vector<1x16xf32>
      tpu.vector_store %arg5[%swap3A_101, %swap3A_102], %swap3A_105 {strides = array<i32>} : memref<128x128xf32, #tpu.memory_space<vmem>>, vector<1x16xf32>,
      %swap3A_106 = arith.index_cast %add3A_71 : i32 to index
      %swap3A_107 = arith.constant 112 : index
      %swap3A_108 = tpu.vector_load %arg5[%swap3A_106, %swap3A_107] {strides = array<i32>} : memref<128x128xf32, #tpu.memory_space<vmem>>, vector<1x16xf32>,
      %swap3A_109 = vector.shape_cast %swap3A_108 : vector<1x16xf32> to vector<16xf32>
      %swap3A_110 = vector.shape_cast %broadcast_in_dim3A_28 : vector<16xf32> to vector<1x16xf32>
      tpu.vector_store %arg5[%swap3A_106, %swap3A_107], %swap3A_110 {strides = array<i32>} : memref<128x128xf32, #tpu.memory_space<vmem>>, vector<1x16xf32>,
    }
    %scan3A_49 = arith.constant 128 : i32
    %barrier3A = arith.constant 0 : index
    tpu.barrier barrier_id(%barrier3A)
    %sub3A = arith.constant 0 : i32
    %sub3A_50 = arith.subi %select_n3A, %sub3A : i32
    %sub3A_51 = arith.constant 2 : i32
    %sub3A_52 = arith.constant 1 : i32
    %sub3A_53 = arith.subi %sub3A_51, %sub3A_52 : i32
    %add3A_54 = arith.addi %sub3A_50, %sub3A_53 : i32
    %div3A = arith.constant 2 : i32
    %div3A_55 = arith.divsi %add3A_54, %div3A : i32
    %while3A = arith.constant 2 : i32
    %while3A_56 = arith.constant 0 : i32
    %while3A_57 = arith.constant 0 : i32
    %while3A_58 = arith.subi %div3A_55, %while3A_57 : i32
    %while3A_59 = arith.addi %while3A_57, %while3A_58 : i32
    %while3A_60 = arith.constant 1 : i32
    %while3A_61 = arith.divsi %while3A_58, %while3A_60 : i32
    %while3A_62 = arith.muli %while3A_61, %while3A_60 : i32
    %while3A_63 = arith.addi %while3A_57, %while3A_62 : i32
    %while3A_64 = arith.constant 1 : i32
    scf.for %while3A_67 = %while3A_57 to %while3A_63 step %while3A_64  : i32 {
      %mul3A_68 = arith.muli %while3A_67, %while3A : i32
      %add3A_69 = arith.addi %while3A_56, %mul3A_68 : i32
      %add3A_70 = arith.constant 0 : i32
      %add3A_71 = arith.addi %add3A_69, %add3A_70 : i32
      %mul3A_72 = arith.constant 128 : i32
      %mul3A_73 = arith.muli %add3A_71, %mul3A_72 : i32
      %multiple_of3A = tpu.assume_multiple %mul3A_73, 128 : i32
      %add3A_74 = arith.addi %mul3A_2, %multiple_of3A : i32
      %dma_wait3A = arith.constant 0 : i32
      %dma_wait3A_75 = arith.constant 0 : i32
      %dma_wait3A_76 = tpu.memref_slice %arg4[%dma_wait3A, %dma_wait3A_75] : memref<2x128xi32, #tpu.memory_space<vmem>> -> memref<1x128xi32, #tpu.memory_space<vmem>>
      %dma_wait3A_77 = tpu.memref_squeeze %dma_wait3A_76 : memref<1x128xi32, #tpu.memory_space<vmem>> -> memref<128xi32, #tpu.memory_space<vmem>>
      %dma_wait3A_78 = tpu.memref_slice %arg2[%add3A_74] : memref<320000xi32, #tpu.memory_space<hbm>> -> memref<128xi32, #tpu.memory_space<hbm>>
      %dma_wait3A_79 = arith.constant 0 : i32
      %dma_wait3A_80 = tpu.memref_slice %arg4[%dma_wait3A, %dma_wait3A_79] : memref<2x128xi32, #tpu.memory_space<vmem>> -> memref<1x128xi32, #tpu.memory_space<vmem>>
      %dma_wait3A_81 = tpu.memref_squeeze %dma_wait3A_80 : memref<1x128xi32, #tpu.memory_space<vmem>> -> memref<128xi32, #tpu.memory_space<vmem>>
      %dma_wait3A_82 = tpu.memref_slice %arg2[%add3A_74] : memref<320000xi32, #tpu.memory_space<hbm>> -> memref<128xi32, #tpu.memory_space<hbm>>
      tpu.wait_dma2 semaphore(%arg7 : memref<!tpu.dma_semaphore, #tpu.memory_space<semaphore_mem>>) src(%dma_wait3A_82 : memref<128xi32, #tpu.memory_space<hbm>>) dst(%dma_wait3A_81 : memref<128xi32, #tpu.memory_space<vmem>>)
      %run_scoped3A = arith.constant 0 : i32
      "tpu.region"() ({
        %run_scoped3A_108 = tpu.sem_alloc : memref<!tpu.dma_semaphore, #tpu.memory_space<semaphore_mem>>
        %dma_start3A_109 = arith.constant 0 : i32
        %dma_start3A_110 = tpu.memref_slice %arg4[%run_scoped3A, %dma_start3A_109] : memref<2x128xi32, #tpu.memory_space<vmem>> -> memref<1x128xi32, #tpu.memory_space<vmem>>
        %dma_start3A_111 = tpu.memref_squeeze %dma_start3A_110 : memref<1x128xi32, #tpu.memory_space<vmem>> -> memref<128xi32, #tpu.memory_space<vmem>>
        %dma_start3A_112 = arith.constant 0 : i32
        %dma_start3A_113 = arith.constant 0 : i32
        %dma_start3A_114 = tpu.memref_slice %arg6[%dma_start3A_112, %dma_start3A_113] : memref<10240x128xf32, #tpu.memory_space<vmem_shared>> -> memref<10240x128xf32, #tpu.memory_space<vmem_shared>>
        tpu.enqueue_indirect_dma source(%arg5 : memref<128x128xf32, #tpu.memory_space<vmem>>) target(%dma_start3A_114 : memref<10240x128xf32, #tpu.memory_space<vmem_shared>>) offsets(%dma_start3A_111 : memref<128xi32, #tpu.memory_space<vmem>>) semaphore(%run_scoped3A_108 : memref<!tpu.dma_semaphore, #tpu.memory_space<semaphore_mem>>) {add = true}
        %dma_wait3A_115 = arith.constant 0 : i32
        %dma_wait3A_116 = tpu.memref_slice %arg4[%run_scoped3A, %dma_wait3A_115] : memref<2x128xi32, #tpu.memory_space<vmem>> -> memref<1x128xi32, #tpu.memory_space<vmem>>
        %dma_wait3A_117 = tpu.memref_squeeze %dma_wait3A_116 : memref<1x128xi32, #tpu.memory_space<vmem>> -> memref<128xi32, #tpu.memory_space<vmem>>
        %dma_wait3A_118 = arith.constant 0 : i32
        %dma_wait3A_119 = arith.constant 0 : i32
        %dma_wait3A_120 = tpu.memref_slice %arg6[%dma_wait3A_118, %dma_wait3A_119] : memref<10240x128xf32, #tpu.memory_space<vmem_shared>> -> memref<10240x128xf32, #tpu.memory_space<vmem_shared>>
        tpu.wait_indirect_dma semaphore(%run_scoped3A_108 : memref<!tpu.dma_semaphore, #tpu.memory_space<semaphore_mem>>) src(%arg5 : memref<128x128xf32, #tpu.memory_space<vmem>>) dst(%dma_wait3A_120 : memref<10240x128xf32, #tpu.memory_space<vmem_shared>>)
        tpu.yield
      }) : () -> ()
      %add3A_83 = arith.constant 2 : i32
      %add3A_84 = arith.addi %add3A_71, %add3A_83 : i32
      %lt3A = arith.cmpi slt, %add3A_84, %select_n3A : i32
      %convert_element_type3A = arith.extui %lt3A : i1 to i32
      %cond3A = arith.constant 0 : i32
      %cond3A_85 = arith.cmpi ne, %convert_element_type3A, %cond3A : i32
      scf.if %cond3A_85 {
        %mul3A_108 = arith.constant 128 : i32
        %mul3A_109 = arith.muli %add3A_84, %mul3A_108 : i32
        %multiple_of3A_110 = tpu.assume_multiple %mul3A_109, 128 : i32
        %add3A_111 = arith.addi %mul3A_2, %multiple_of3A_110 : i32
        %dma_start3A_112 = arith.constant 0 : i32
        %dma_start3A_113 = arith.constant 0 : i32
        %dma_start3A_114 = tpu.memref_slice %arg4[%dma_start3A_112, %dma_start3A_113] : memref<2x128xi32, #tpu.memory_space<vmem>> -> memref<1x128xi32, #tpu.memory_space<vmem>>
        %dma_start3A_115 = tpu.memref_squeeze %dma_start3A_114 : memref<1x128xi32, #tpu.memory_space<vmem>> -> memref<128xi32, #tpu.memory_space<vmem>>
        %dma_start3A_116 = tpu.memref_slice %arg2[%add3A_111] : memref<320000xi32, #tpu.memory_space<hbm>> -> memref<128xi32, #tpu.memory_space<hbm>>
        %dma_start3A_117 = arith.constant 0 : i32
        %dma_start3A_118 = tpu.memref_slice %arg4[%dma_start3A_112, %dma_start3A_117] : memref<2x128xi32, #tpu.memory_space<vmem>> -> memref<1x128xi32, #tpu.memory_space<vmem>>
        %dma_start3A_119 = tpu.memref_squeeze %dma_start3A_118 : memref<1x128xi32, #tpu.memory_space<vmem>> -> memref<128xi32, #tpu.memory_space<vmem>>
        %dma_start3A_120 = tpu.memref_slice %arg2[%add3A_111] : memref<320000xi32, #tpu.memory_space<hbm>> -> memref<128xi32, #tpu.memory_space<hbm>>
        tpu.enqueue_dma source(%dma_start3A_120 : memref<128xi32, #tpu.memory_space<hbm>>) target(%dma_start3A_119 : memref<128xi32, #tpu.memory_space<vmem>>) target_semaphore(%arg7 : memref<!tpu.dma_semaphore, #tpu.memory_space<semaphore_mem>>)
      } else {
      }
      %add3A_86 = arith.constant 1 : i32
      %add3A_87 = arith.addi %add3A_69, %add3A_86 : i32
      %mul3A_88 = arith.constant 128 : i32
      %mul3A_89 = arith.muli %add3A_87, %mul3A_88 : i32
      %multiple_of3A_90 = tpu.assume_multiple %mul3A_89, 128 : i32
      %add3A_91 = arith.addi %mul3A_2, %multiple_of3A_90 : i32
      %dma_wait3A_92 = arith.constant 1 : i32
      %dma_wait3A_93 = arith.constant 0 : i32
      %dma_wait3A_94 = tpu.memref_slice %arg4[%dma_wait3A_92, %dma_wait3A_93] : memref<2x128xi32, #tpu.memory_space<vmem>> -> memref<1x128xi32, #tpu.memory_space<vmem>>
      %dma_wait3A_95 = tpu.memref_squeeze %dma_wait3A_94 : memref<1x128xi32, #tpu.memory_space<vmem>> -> memref<128xi32, #tpu.memory_space<vmem>>
      %dma_wait3A_96 = tpu.memref_slice %arg2[%add3A_91] : memref<320000xi32, #tpu.memory_space<hbm>> -> memref<128xi32, #tpu.memory_space<hbm>>
      %dma_wait3A_97 = arith.constant 0 : i32
      %dma_wait3A_98 = tpu.memref_slice %arg4[%dma_wait3A_92, %dma_wait3A_97] : memref<2x128xi32, #tpu.memory_space<vmem>> -> memref<1x128xi32, #tpu.memory_space<vmem>>
      %dma_wait3A_99 = tpu.memref_squeeze %dma_wait3A_98 : memref<1x128xi32, #tpu.memory_space<vmem>> -> memref<128xi32, #tpu.memory_space<vmem>>
      %dma_wait3A_100 = tpu.memref_slice %arg2[%add3A_91] : memref<320000xi32, #tpu.memory_space<hbm>> -> memref<128xi32, #tpu.memory_space<hbm>>
      tpu.wait_dma2 semaphore(%arg8 : memref<!tpu.dma_semaphore, #tpu.memory_space<semaphore_mem>>) src(%dma_wait3A_100 : memref<128xi32, #tpu.memory_space<hbm>>) dst(%dma_wait3A_99 : memref<128xi32, #tpu.memory_space<vmem>>)
      %run_scoped3A_101 = arith.constant 1 : i32
      "tpu.region"() ({
        %run_scoped3A_108 = tpu.sem_alloc : memref<!tpu.dma_semaphore, #tpu.memory_space<semaphore_mem>>
        %dma_start3A_109 = arith.constant 0 : i32
        %dma_start3A_110 = tpu.memref_slice %arg4[%run_scoped3A_101, %dma_start3A_109] : memref<2x128xi32, #tpu.memory_space<vmem>> -> memref<1x128xi32, #tpu.memory_space<vmem>>
        %dma_start3A_111 = tpu.memref_squeeze %dma_start3A_110 : memref<1x128xi32, #tpu.memory_space<vmem>> -> memref<128xi32, #tpu.memory_space<vmem>>
        %dma_start3A_112 = arith.constant 0 : i32
        %dma_start3A_113 = arith.constant 0 : i32
        %dma_start3A_114 = tpu.memref_slice %arg6[%dma_start3A_112, %dma_start3A_113] : memref<10240x128xf32, #tpu.memory_space<vmem_shared>> -> memref<10240x128xf32, #tpu.memory_space<vmem_shared>>
        tpu.enqueue_indirect_dma source(%arg5 : memref<128x128xf32, #tpu.memory_space<vmem>>) target(%dma_start3A_114 : memref<10240x128xf32, #tpu.memory_space<vmem_shared>>) offsets(%dma_start3A_111 : memref<128xi32, #tpu.memory_space<vmem>>) semaphore(%run_scoped3A_108 : memref<!tpu.dma_semaphore, #tpu.memory_space<semaphore_mem>>) {add = true}
        %dma_wait3A_115 = arith.constant 0 : i32
        %dma_wait3A_116 = tpu.memref_slice %arg4[%run_scoped3A_101, %dma_wait3A_115] : memref<2x128xi32, #tpu.memory_space<vmem>> -> memref<1x128xi32, #tpu.memory_space<vmem>>
        %dma_wait3A_117 = tpu.memref_squeeze %dma_wait3A_116 : memref<1x128xi32, #tpu.memory_space<vmem>> -> memref<128xi32, #tpu.memory_space<vmem>>
        %dma_wait3A_118 = arith.constant 0 : i32
        %dma_wait3A_119 = arith.constant 0 : i32
        %dma_wait3A_120 = tpu.memref_slice %arg6[%dma_wait3A_118, %dma_wait3A_119] : memref<10240x128xf32, #tpu.memory_space<vmem_shared>> -> memref<10240x128xf32, #tpu.memory_space<vmem_shared>>
        tpu.wait_indirect_dma semaphore(%run_scoped3A_108 : memref<!tpu.dma_semaphore, #tpu.memory_space<semaphore_mem>>) src(%arg5 : memref<128x128xf32, #tpu.memory_space<vmem>>) dst(%dma_wait3A_120 : memref<10240x128xf32, #tpu.memory_space<vmem_shared>>)
        tpu.yield
      }) : () -> ()
      %add3A_102 = arith.constant 2 : i32
      %add3A_103 = arith.addi %add3A_87, %add3A_102 : i32
      %lt3A_104 = arith.cmpi slt, %add3A_103, %select_n3A : i32
      %convert_element_type3A_105 = arith.extui %lt3A_104 : i1 to i32
      %cond3A_106 = arith.constant 0 : i32
      %cond3A_107 = arith.cmpi ne, %convert_element_type3A_105, %cond3A_106 : i32
      scf.if %cond3A_107 {
        %mul3A_108 = arith.constant 128 : i32
        %mul3A_109 = arith.muli %add3A_103, %mul3A_108 : i32
        %multiple_of3A_110 = tpu.assume_multiple %mul3A_109, 128 : i32
        %add3A_111 = arith.addi %mul3A_2, %multiple_of3A_110 : i32
        %dma_start3A_112 = arith.constant 1 : i32
        %dma_start3A_113 = arith.constant 0 : i32
        %dma_start3A_114 = tpu.memref_slice %arg4[%dma_start3A_112, %dma_start3A_113] : memref<2x128xi32, #tpu.memory_space<vmem>> -> memref<1x128xi32, #tpu.memory_space<vmem>>
        %dma_start3A_115 = tpu.memref_squeeze %dma_start3A_114 : memref<1x128xi32, #tpu.memory_space<vmem>> -> memref<128xi32, #tpu.memory_space<vmem>>
        %dma_start3A_116 = tpu.memref_slice %arg2[%add3A_111] : memref<320000xi32, #tpu.memory_space<hbm>> -> memref<128xi32, #tpu.memory_space<hbm>>
        %dma_start3A_117 = arith.constant 0 : i32
        %dma_start3A_118 = tpu.memref_slice %arg4[%dma_start3A_112, %dma_start3A_117] : memref<2x128xi32, #tpu.memory_space<vmem>> -> memref<1x128xi32, #tpu.memory_space<vmem>>
        %dma_start3A_119 = tpu.memref_squeeze %dma_start3A_118 : memref<1x128xi32, #tpu.memory_space<vmem>> -> memref<128xi32, #tpu.memory_space<vmem>>
        %dma_start3A_120 = tpu.memref_slice %arg2[%add3A_111] : memref<320000xi32, #tpu.memory_space<hbm>> -> memref<128xi32, #tpu.memory_space<hbm>>
        tpu.enqueue_dma source(%dma_start3A_120 : memref<128xi32, #tpu.memory_space<hbm>>) target(%dma_start3A_119 : memref<128xi32, #tpu.memory_space<vmem>>) target_semaphore(%arg8 : memref<!tpu.dma_semaphore, #tpu.memory_space<semaphore_mem>>)
      } else {
      }
    }
    %while3A_65 = arith.constant 1 : i32
    scf.for %while3A_67 = %while3A_63 to %while3A_59 step %while3A_65  : i32 {
      %mul3A_68 = arith.muli %while3A_67, %while3A : i32
      %add3A_69 = arith.addi %while3A_56, %mul3A_68 : i32
      %add3A_70 = arith.constant 0 : i32
      %add3A_71 = arith.addi %add3A_69, %add3A_70 : i32
      %mul3A_72 = arith.constant 128 : i32
      %mul3A_73 = arith.muli %add3A_71, %mul3A_72 : i32
      %multiple_of3A = tpu.assume_multiple %mul3A_73, 128 : i32
      %add3A_74 = arith.addi %mul3A_2, %multiple_of3A : i32
      %dma_wait3A = arith.constant 0 : i32
      %dma_wait3A_75 = arith.constant 0 : i32
      %dma_wait3A_76 = tpu.memref_slice %arg4[%dma_wait3A, %dma_wait3A_75] : memref<2x128xi32, #tpu.memory_space<vmem>> -> memref<1x128xi32, #tpu.memory_space<vmem>>
      %dma_wait3A_77 = tpu.memref_squeeze %dma_wait3A_76 : memref<1x128xi32, #tpu.memory_space<vmem>> -> memref<128xi32, #tpu.memory_space<vmem>>
      %dma_wait3A_78 = tpu.memref_slice %arg2[%add3A_74] : memref<320000xi32, #tpu.memory_space<hbm>> -> memref<128xi32, #tpu.memory_space<hbm>>
      %dma_wait3A_79 = arith.constant 0 : i32
      %dma_wait3A_80 = tpu.memref_slice %arg4[%dma_wait3A, %dma_wait3A_79] : memref<2x128xi32, #tpu.memory_space<vmem>> -> memref<1x128xi32, #tpu.memory_space<vmem>>
      %dma_wait3A_81 = tpu.memref_squeeze %dma_wait3A_80 : memref<1x128xi32, #tpu.memory_space<vmem>> -> memref<128xi32, #tpu.memory_space<vmem>>
      %dma_wait3A_82 = tpu.memref_slice %arg2[%add3A_74] : memref<320000xi32, #tpu.memory_space<hbm>> -> memref<128xi32, #tpu.memory_space<hbm>>
      tpu.wait_dma2 semaphore(%arg7 : memref<!tpu.dma_semaphore, #tpu.memory_space<semaphore_mem>>) src(%dma_wait3A_82 : memref<128xi32, #tpu.memory_space<hbm>>) dst(%dma_wait3A_81 : memref<128xi32, #tpu.memory_space<vmem>>)
      %run_scoped3A = arith.constant 0 : i32
      "tpu.region"() ({
        %run_scoped3A_108 = tpu.sem_alloc : memref<!tpu.dma_semaphore, #tpu.memory_space<semaphore_mem>>
        %dma_start3A_109 = arith.constant 0 : i32
        %dma_start3A_110 = tpu.memref_slice %arg4[%run_scoped3A, %dma_start3A_109] : memref<2x128xi32, #tpu.memory_space<vmem>> -> memref<1x128xi32, #tpu.memory_space<vmem>>
        %dma_start3A_111 = tpu.memref_squeeze %dma_start3A_110 : memref<1x128xi32, #tpu.memory_space<vmem>> -> memref<128xi32, #tpu.memory_space<vmem>>
        %dma_start3A_112 = arith.constant 0 : i32
        %dma_start3A_113 = arith.constant 0 : i32
        %dma_start3A_114 = tpu.memref_slice %arg6[%dma_start3A_112, %dma_start3A_113] : memref<10240x128xf32, #tpu.memory_space<vmem_shared>> -> memref<10240x128xf32, #tpu.memory_space<vmem_shared>>
        tpu.enqueue_indirect_dma source(%arg5 : memref<128x128xf32, #tpu.memory_space<vmem>>) target(%dma_start3A_114 : memref<10240x128xf32, #tpu.memory_space<vmem_shared>>) offsets(%dma_start3A_111 : memref<128xi32, #tpu.memory_space<vmem>>) semaphore(%run_scoped3A_108 : memref<!tpu.dma_semaphore, #tpu.memory_space<semaphore_mem>>) {add = true}
        %dma_wait3A_115 = arith.constant 0 : i32
        %dma_wait3A_116 = tpu.memref_slice %arg4[%run_scoped3A, %dma_wait3A_115] : memref<2x128xi32, #tpu.memory_space<vmem>> -> memref<1x128xi32, #tpu.memory_space<vmem>>
        %dma_wait3A_117 = tpu.memref_squeeze %dma_wait3A_116 : memref<1x128xi32, #tpu.memory_space<vmem>> -> memref<128xi32, #tpu.memory_space<vmem>>
        %dma_wait3A_118 = arith.constant 0 : i32
        %dma_wait3A_119 = arith.constant 0 : i32
        %dma_wait3A_120 = tpu.memref_slice %arg6[%dma_wait3A_118, %dma_wait3A_119] : memref<10240x128xf32, #tpu.memory_space<vmem_shared>> -> memref<10240x128xf32, #tpu.memory_space<vmem_shared>>
        tpu.wait_indirect_dma semaphore(%run_scoped3A_108 : memref<!tpu.dma_semaphore, #tpu.memory_space<semaphore_mem>>) src(%arg5 : memref<128x128xf32, #tpu.memory_space<vmem>>) dst(%dma_wait3A_120 : memref<10240x128xf32, #tpu.memory_space<vmem_shared>>)
        tpu.yield
      }) : () -> ()
      %add3A_83 = arith.constant 2 : i32
      %add3A_84 = arith.addi %add3A_71, %add3A_83 : i32
      %lt3A = arith.cmpi slt, %add3A_84, %select_n3A : i32
      %convert_element_type3A = arith.extui %lt3A : i1 to i32
      %cond3A = arith.constant 0 : i32
      %cond3A_85 = arith.cmpi ne, %convert_element_type3A, %cond3A : i32
      scf.if %cond3A_85 {
        %mul3A_108 = arith.constant 128 : i32
        %mul3A_109 = arith.muli %add3A_84, %mul3A_108 : i32
        %multiple_of3A_110 = tpu.assume_multiple %mul3A_109, 128 : i32
        %add3A_111 = arith.addi %mul3A_2, %multiple_of3A_110 : i32
        %dma_start3A_112 = arith.constant 0 : i32
        %dma_start3A_113 = arith.constant 0 : i32
        %dma_start3A_114 = tpu.memref_slice %arg4[%dma_start3A_112, %dma_start3A_113] : memref<2x128xi32, #tpu.memory_space<vmem>> -> memref<1x128xi32, #tpu.memory_space<vmem>>
        %dma_start3A_115 = tpu.memref_squeeze %dma_start3A_114 : memref<1x128xi32, #tpu.memory_space<vmem>> -> memref<128xi32, #tpu.memory_space<vmem>>
        %dma_start3A_116 = tpu.memref_slice %arg2[%add3A_111] : memref<320000xi32, #tpu.memory_space<hbm>> -> memref<128xi32, #tpu.memory_space<hbm>>
        %dma_start3A_117 = arith.constant 0 : i32
        %dma_start3A_118 = tpu.memref_slice %arg4[%dma_start3A_112, %dma_start3A_117] : memref<2x128xi32, #tpu.memory_space<vmem>> -> memref<1x128xi32, #tpu.memory_space<vmem>>
        %dma_start3A_119 = tpu.memref_squeeze %dma_start3A_118 : memref<1x128xi32, #tpu.memory_space<vmem>> -> memref<128xi32, #tpu.memory_space<vmem>>
        %dma_start3A_120 = tpu.memref_slice %arg2[%add3A_111] : memref<320000xi32, #tpu.memory_space<hbm>> -> memref<128xi32, #tpu.memory_space<hbm>>
        tpu.enqueue_dma source(%dma_start3A_120 : memref<128xi32, #tpu.memory_space<hbm>>) target(%dma_start3A_119 : memref<128xi32, #tpu.memory_space<vmem>>) target_semaphore(%arg7 : memref<!tpu.dma_semaphore, #tpu.memory_space<semaphore_mem>>)
      } else {
      }
      %add3A_86 = arith.constant 1 : i32
      %add3A_87 = arith.addi %add3A_69, %add3A_86 : i32
      %mul3A_88 = arith.constant 128 : i32
      %mul3A_89 = arith.muli %add3A_87, %mul3A_88 : i32
      %multiple_of3A_90 = tpu.assume_multiple %mul3A_89, 128 : i32
      %add3A_91 = arith.addi %mul3A_2, %multiple_of3A_90 : i32
      %dma_wait3A_92 = arith.constant 1 : i32
      %dma_wait3A_93 = arith.constant 0 : i32
      %dma_wait3A_94 = tpu.memref_slice %arg4[%dma_wait3A_92, %dma_wait3A_93] : memref<2x128xi32, #tpu.memory_space<vmem>> -> memref<1x128xi32, #tpu.memory_space<vmem>>
      %dma_wait3A_95 = tpu.memref_squeeze %dma_wait3A_94 : memref<1x128xi32, #tpu.memory_space<vmem>> -> memref<128xi32, #tpu.memory_space<vmem>>
      %dma_wait3A_96 = tpu.memref_slice %arg2[%add3A_91] : memref<320000xi32, #tpu.memory_space<hbm>> -> memref<128xi32, #tpu.memory_space<hbm>>
      %dma_wait3A_97 = arith.constant 0 : i32
      %dma_wait3A_98 = tpu.memref_slice %arg4[%dma_wait3A_92, %dma_wait3A_97] : memref<2x128xi32, #tpu.memory_space<vmem>> -> memref<1x128xi32, #tpu.memory_space<vmem>>
      %dma_wait3A_99 = tpu.memref_squeeze %dma_wait3A_98 : memref<1x128xi32, #tpu.memory_space<vmem>> -> memref<128xi32, #tpu.memory_space<vmem>>
      %dma_wait3A_100 = tpu.memref_slice %arg2[%add3A_91] : memref<320000xi32, #tpu.memory_space<hbm>> -> memref<128xi32, #tpu.memory_space<hbm>>
      tpu.wait_dma2 semaphore(%arg8 : memref<!tpu.dma_semaphore, #tpu.memory_space<semaphore_mem>>) src(%dma_wait3A_100 : memref<128xi32, #tpu.memory_space<hbm>>) dst(%dma_wait3A_99 : memref<128xi32, #tpu.memory_space<vmem>>)
      %run_scoped3A_101 = arith.constant 1 : i32
      "tpu.region"() ({
        %run_scoped3A_108 = tpu.sem_alloc : memref<!tpu.dma_semaphore, #tpu.memory_space<semaphore_mem>>
        %dma_start3A_109 = arith.constant 0 : i32
        %dma_start3A_110 = tpu.memref_slice %arg4[%run_scoped3A_101, %dma_start3A_109] : memref<2x128xi32, #tpu.memory_space<vmem>> -> memref<1x128xi32, #tpu.memory_space<vmem>>
        %dma_start3A_111 = tpu.memref_squeeze %dma_start3A_110 : memref<1x128xi32, #tpu.memory_space<vmem>> -> memref<128xi32, #tpu.memory_space<vmem>>
        %dma_start3A_112 = arith.constant 0 : i32
        %dma_start3A_113 = arith.constant 0 : i32
        %dma_start3A_114 = tpu.memref_slice %arg6[%dma_start3A_112, %dma_start3A_113] : memref<10240x128xf32, #tpu.memory_space<vmem_shared>> -> memref<10240x128xf32, #tpu.memory_space<vmem_shared>>
        tpu.enqueue_indirect_dma source(%arg5 : memref<128x128xf32, #tpu.memory_space<vmem>>) target(%dma_start3A_114 : memref<10240x128xf32, #tpu.memory_space<vmem_shared>>) offsets(%dma_start3A_111 : memref<128xi32, #tpu.memory_space<vmem>>) semaphore(%run_scoped3A_108 : memref<!tpu.dma_semaphore, #tpu.memory_space<semaphore_mem>>) {add = true}
        %dma_wait3A_115 = arith.constant 0 : i32
        %dma_wait3A_116 = tpu.memref_slice %arg4[%run_scoped3A_101, %dma_wait3A_115] : memref<2x128xi32, #tpu.memory_space<vmem>> -> memref<1x128xi32, #tpu.memory_space<vmem>>
        %dma_wait3A_117 = tpu.memref_squeeze %dma_wait3A_116 : memref<1x128xi32, #tpu.memory_space<vmem>> -> memref<128xi32, #tpu.memory_space<vmem>>
        %dma_wait3A_118 = arith.constant 0 : i32
        %dma_wait3A_119 = arith.constant 0 : i32
        %dma_wait3A_120 = tpu.memref_slice %arg6[%dma_wait3A_118, %dma_wait3A_119] : memref<10240x128xf32, #tpu.memory_space<vmem_shared>> -> memref<10240x128xf32, #tpu.memory_space<vmem_shared>>
        tpu.wait_indirect_dma semaphore(%run_scoped3A_108 : memref<!tpu.dma_semaphore, #tpu.memory_space<semaphore_mem>>) src(%arg5 : memref<128x128xf32, #tpu.memory_space<vmem>>) dst(%dma_wait3A_120 : memref<10240x128xf32, #tpu.memory_space<vmem_shared>>)
        tpu.yield
      }) : () -> ()
      %add3A_102 = arith.constant 2 : i32
      %add3A_103 = arith.addi %add3A_87, %add3A_102 : i32
      %lt3A_104 = arith.cmpi slt, %add3A_103, %select_n3A : i32
      %convert_element_type3A_105 = arith.extui %lt3A_104 : i1 to i32
      %cond3A_106 = arith.constant 0 : i32
      %cond3A_107 = arith.cmpi ne, %convert_element_type3A_105, %cond3A_106 : i32
      scf.if %cond3A_107 {
        %mul3A_108 = arith.constant 128 : i32
        %mul3A_109 = arith.muli %add3A_103, %mul3A_108 : i32
        %multiple_of3A_110 = tpu.assume_multiple %mul3A_109, 128 : i32
        %add3A_111 = arith.addi %mul3A_2, %multiple_of3A_110 : i32
        %dma_start3A_112 = arith.constant 1 : i32
        %dma_start3A_113 = arith.constant 0 : i32
        %dma_start3A_114 = tpu.memref_slice %arg4[%dma_start3A_112, %dma_start3A_113] : memref<2x128xi32, #tpu.memory_space<vmem>> -> memref<1x128xi32, #tpu.memory_space<vmem>>
        %dma_start3A_115 = tpu.memref_squeeze %dma_start3A_114 : memref<1x128xi32, #tpu.memory_space<vmem>> -> memref<128xi32, #tpu.memory_space<vmem>>
        %dma_start3A_116 = tpu.memref_slice %arg2[%add3A_111] : memref<320000xi32, #tpu.memory_space<hbm>> -> memref<128xi32, #tpu.memory_space<hbm>>
        %dma_start3A_117 = arith.constant 0 : i32
        %dma_start3A_118 = tpu.memref_slice %arg4[%dma_start3A_112, %dma_start3A_117] : memref<2x128xi32, #tpu.memory_space<vmem>> -> memref<1x128xi32, #tpu.memory_space<vmem>>
        %dma_start3A_119 = tpu.memref_squeeze %dma_start3A_118 : memref<1x128xi32, #tpu.memory_space<vmem>> -> memref<128xi32, #tpu.memory_space<vmem>>
        %dma_start3A_120 = tpu.memref_slice %arg2[%add3A_111] : memref<320000xi32, #tpu.memory_space<hbm>> -> memref<128xi32, #tpu.memory_space<hbm>>
        tpu.enqueue_dma source(%dma_start3A_120 : memref<128xi32, #tpu.memory_space<hbm>>) target(%dma_start3A_119 : memref<128xi32, #tpu.memory_space<vmem>>) target_semaphore(%arg8 : memref<!tpu.dma_semaphore, #tpu.memory_space<semaphore_mem>>)
      } else {
      }
    }
    %barrier3A_66 = arith.constant 0 : index
    tpu.barrier barrier_id(%barrier3A_66)
    "tpu.region"() ({
      %run_scoped3A = tpu.sem_alloc : memref<!tpu.dma_semaphore, #tpu.memory_space<semaphore_mem>>
      %dma_start3A_67 = arith.constant 0 : i32
      %dma_start3A_68 = tpu.memref_slice %arg3[%arg0, %mul3A_34, %dma_start3A_67] : memref<2x10240x128xf32, #tpu.memory_space<hbm>> -> memref<1x640x128xf32, #tpu.memory_space<hbm>>
      %dma_start3A_69 = tpu.memref_squeeze %dma_start3A_68 : memref<1x640x128xf32, #tpu.memory_space<hbm>> -> memref<640x128xf32, #tpu.memory_space<hbm>>
      %dma_start3A_70 = arith.constant 0 : i32
      %dma_start3A_71 = tpu.memref_slice %arg6[%mul3A_34, %dma_start3A_70] : memref<10240x128xf32, #tpu.memory_space<vmem_shared>> -> memref<640x128xf32, #tpu.memory_space<vmem_shared>>
      tpu.enqueue_dma source(%dma_start3A_71 : memref<640x128xf32, #tpu.memory_space<vmem_shared>>) target(%dma_start3A_69 : memref<640x128xf32, #tpu.memory_space<hbm>>) target_semaphore(%run_scoped3A : memref<!tpu.dma_semaphore, #tpu.memory_space<semaphore_mem>>)
      %dma_wait3A = arith.constant 0 : i32
      %dma_wait3A_72 = tpu.memref_slice %arg3[%arg0, %mul3A_34, %dma_wait3A] : memref<2x10240x128xf32, #tpu.memory_space<hbm>> -> memref<1x640x128xf32, #tpu.memory_space<hbm>>
      %dma_wait3A_73 = tpu.memref_squeeze %dma_wait3A_72 : memref<1x640x128xf32, #tpu.memory_space<hbm>> -> memref<640x128xf32, #tpu.memory_space<hbm>>
      %dma_wait3A_74 = arith.constant 0 : i32
      %dma_wait3A_75 = tpu.memref_slice %arg6[%mul3A_34, %dma_wait3A_74] : memref<10240x128xf32, #tpu.memory_space<vmem_shared>> -> memref<640x128xf32, #tpu.memory_space<vmem_shared>>
      tpu.wait_dma2 semaphore(%run_scoped3A : memref<!tpu.dma_semaphore, #tpu.memory_space<semaphore_mem>>) src(%dma_wait3A_75 : memref<640x128xf32, #tpu.memory_space<vmem_shared>>) dst(%dma_wait3A_73 : memref<640x128xf32, #tpu.memory_space<hbm>>)
      tpu.yield
    }) : () -> ()
    return
  }
}

#map = affine_map<(d0, d1) -> (0, 0)>
#map1 = affine_map<(d0, d1) -> (0)>
#map2 = affine_map<(d0, d1) -> (0, 0, 0)>
module attributes {stable_mosaic.version = 14 : i64} {
  func.func @_sc_agg(%arg0: i32, %arg1: i32, %arg2: memref<10000x128xf32, #tpu.memory_space<hbm>>, %arg3: memref<320000xi32, #tpu.memory_space<hbm>>, %arg4: memref<320000xi32, #tpu.memory_space<hbm>>, %arg5: memref<2x10240x128xf32, #tpu.memory_space<hbm>>, %arg6: memref<10240xi32, #tpu.memory_space<vmem>>, %arg7: memref<2x128xi32, #tpu.memory_space<vmem>>, %arg8: memref<2x128x128xf32, #tpu.memory_space<vmem>>, %arg9: memref<10240x128xf32, #tpu.memory_space<vmem_shared>>, %arg10: memref<!tpu.dma_semaphore, #tpu.memory_space<semaphore_mem>>, %arg11: memref<!tpu.dma_semaphore, #tpu.memory_space<semaphore_mem>>, %arg12: memref<!tpu.dma_semaphore, #tpu.memory_space<semaphore_mem>>, %arg13: memref<!tpu.dma_semaphore, #tpu.memory_space<semaphore_mem>>) attributes {dimension_semantics = [#tpu.dimension_semantics<core_parallel>, #tpu.dimension_semantics<subcore_parallel>], iteration_bounds = array<i64: 2, 16>, scalar_prefetch = 0 : i64, scratch_operands = 8 : i64, tpu.core_type = #tpu.core_type<sc_vector_subcore>, window_params = [{transform_indices = #map}, {transform_indices = #map1}, {transform_indices = #map1}, {transform_indices = #map2}]} {
    %mul3A = arith.constant 16 : i32
    %mul3A_0 = arith.muli %arg0, %mul3A : i32
    %add3A = arith.addi %mul3A_0, %arg1 : i32
    %mul3A_1 = arith.constant 10240 : i32
    %mul3A_2 = arith.muli %add3A, %mul3A_1 : i32
    %eq3A = arith.constant 31 : i32
    %eq3A_3 = arith.cmpi eq, %add3A, %eq3A : i32
    %jit3A = arith.constant 20 : i32
    %jit3A_4 = arith.constant 80 : i32
    %select_n3A = arith.select %eq3A_3, %jit3A, %jit3A_4 : i32
    %lt3A = arith.constant 31 : i32
    %lt3A_5 = arith.cmpi slt, %add3A, %lt3A : i32
    %convert_element_type3A = arith.extui %lt3A_5 : i1 to i32
    %cond3A = arith.constant 0 : i32
    %cond3A_6 = arith.cmpi ne, %convert_element_type3A, %cond3A : i32
    scf.if %cond3A_6 {
      "tpu.region"() ({
        %run_scoped3A_91 = tpu.sem_alloc : memref<!tpu.dma_semaphore, #tpu.memory_space<semaphore_mem>>
        %dma_start3A_92 = tpu.memref_slice %arg3[%mul3A_2] : memref<320000xi32, #tpu.memory_space<hbm>> -> memref<10240xi32, #tpu.memory_space<hbm>>
        %dma_start3A_93 = tpu.memref_slice %arg3[%mul3A_2] : memref<320000xi32, #tpu.memory_space<hbm>> -> memref<10240xi32, #tpu.memory_space<hbm>>
        tpu.enqueue_dma source(%dma_start3A_93 : memref<10240xi32, #tpu.memory_space<hbm>>) target(%arg6 : memref<10240xi32, #tpu.memory_space<vmem>>) target_semaphore(%run_scoped3A_91 : memref<!tpu.dma_semaphore, #tpu.memory_space<semaphore_mem>>)
        %dma_wait3A = tpu.memref_slice %arg3[%mul3A_2] : memref<320000xi32, #tpu.memory_space<hbm>> -> memref<10240xi32, #tpu.memory_space<hbm>>
        %dma_wait3A_94 = tpu.memref_slice %arg3[%mul3A_2] : memref<320000xi32, #tpu.memory_space<hbm>> -> memref<10240xi32, #tpu.memory_space<hbm>>
        tpu.wait_dma2 semaphore(%run_scoped3A_91 : memref<!tpu.dma_semaphore, #tpu.memory_space<semaphore_mem>>) src(%dma_wait3A_94 : memref<10240xi32, #tpu.memory_space<hbm>>) dst(%arg6 : memref<10240xi32, #tpu.memory_space<vmem>>)
        tpu.yield
      }) : () -> ()
    } else {
    }
    %eq3A_7 = arith.constant 31 : i32
    %eq3A_8 = arith.cmpi eq, %add3A, %eq3A_7 : i32
    %convert_element_type3A_9 = arith.extui %eq3A_8 : i1 to i32
    %cond3A_10 = arith.constant 0 : i32
    %cond3A_11 = arith.cmpi ne, %convert_element_type3A_9, %cond3A_10 : i32
    scf.if %cond3A_11 {
      "tpu.region"() ({
        %run_scoped3A_91 = tpu.sem_alloc : memref<!tpu.dma_semaphore, #tpu.memory_space<semaphore_mem>>
        %dma_start3A_92 = arith.constant 0 : i32
        %dma_start3A_93 = tpu.memref_slice %arg6[%dma_start3A_92] : memref<10240xi32, #tpu.memory_space<vmem>> -> memref<2560xi32, #tpu.memory_space<vmem>>
        %dma_start3A_94 = tpu.memref_slice %arg3[%mul3A_2] : memref<320000xi32, #tpu.memory_space<hbm>> -> memref<2560xi32, #tpu.memory_space<hbm>>
        %dma_start3A_95 = arith.constant 0 : i32
        %dma_start3A_96 = tpu.memref_slice %arg6[%dma_start3A_95] : memref<10240xi32, #tpu.memory_space<vmem>> -> memref<2560xi32, #tpu.memory_space<vmem>>
        %dma_start3A_97 = tpu.memref_slice %arg3[%mul3A_2] : memref<320000xi32, #tpu.memory_space<hbm>> -> memref<2560xi32, #tpu.memory_space<hbm>>
        tpu.enqueue_dma source(%dma_start3A_97 : memref<2560xi32, #tpu.memory_space<hbm>>) target(%dma_start3A_96 : memref<2560xi32, #tpu.memory_space<vmem>>) target_semaphore(%run_scoped3A_91 : memref<!tpu.dma_semaphore, #tpu.memory_space<semaphore_mem>>)
        %dma_wait3A = arith.constant 0 : i32
        %dma_wait3A_98 = tpu.memref_slice %arg6[%dma_wait3A] : memref<10240xi32, #tpu.memory_space<vmem>> -> memref<2560xi32, #tpu.memory_space<vmem>>
        %dma_wait3A_99 = tpu.memref_slice %arg3[%mul3A_2] : memref<320000xi32, #tpu.memory_space<hbm>> -> memref<2560xi32, #tpu.memory_space<hbm>>
        %dma_wait3A_100 = arith.constant 0 : i32
        %dma_wait3A_101 = tpu.memref_slice %arg6[%dma_wait3A_100] : memref<10240xi32, #tpu.memory_space<vmem>> -> memref<2560xi32, #tpu.memory_space<vmem>>
        %dma_wait3A_102 = tpu.memref_slice %arg3[%mul3A_2] : memref<320000xi32, #tpu.memory_space<hbm>> -> memref<2560xi32, #tpu.memory_space<hbm>>
        tpu.wait_dma2 semaphore(%run_scoped3A_91 : memref<!tpu.dma_semaphore, #tpu.memory_space<semaphore_mem>>) src(%dma_wait3A_102 : memref<2560xi32, #tpu.memory_space<hbm>>) dst(%dma_wait3A_101 : memref<2560xi32, #tpu.memory_space<vmem>>)
        tpu.yield
      }) : () -> ()
    } else {
    }
    %broadcast_in_dim3A = arith.constant 0.000000e+00 : f32
    %broadcast_in_dim3A_12 = vector.broadcast %broadcast_in_dim3A : f32 to vector<16xf32>
    %scan3A = arith.constant 0 : i32
    %scan3A_13 = arith.constant 128 : i32
    %scan3A_14 = arith.addi %scan3A, %scan3A_13 : i32
    %scan3A_15 = arith.constant 1 : i32
    scf.for %scan3A_91 = %scan3A to %scan3A_14 step %scan3A_15  : i32 {
      %mul3A_92 = arith.constant 1 : i32
      %mul3A_93 = arith.muli %scan3A_91, %mul3A_92 : i32
      %add3A_94 = arith.constant 0 : i32
      %add3A_95 = arith.addi %add3A_94, %mul3A_93 : i32
      %swap3A = arith.constant 0 : i32
      %swap3A_96 = arith.index_cast %swap3A : i32 to index
      %swap3A_97 = arith.index_cast %add3A_95 : i32 to index
      %swap3A_98 = arith.constant 0 : index
      %swap3A_99 = tpu.vector_load %arg8[%swap3A_96, %swap3A_97, %swap3A_98] {strides = array<i32>} : memref<2x128x128xf32, #tpu.memory_space<vmem>>, vector<1x1x16xf32>,
      %swap3A_100 = vector.shape_cast %swap3A_99 : vector<1x1x16xf32> to vector<16xf32>
      %swap3A_101 = vector.shape_cast %broadcast_in_dim3A_12 : vector<16xf32> to vector<1x1x16xf32>
      tpu.vector_store %arg8[%swap3A_96, %swap3A_97, %swap3A_98], %swap3A_101 {strides = array<i32>} : memref<2x128x128xf32, #tpu.memory_space<vmem>>, vector<1x1x16xf32>,
      %swap3A_102 = arith.constant 0 : i32
      %swap3A_103 = arith.index_cast %swap3A_102 : i32 to index
      %swap3A_104 = arith.index_cast %add3A_95 : i32 to index
      %swap3A_105 = arith.constant 16 : index
      %swap3A_106 = tpu.vector_load %arg8[%swap3A_103, %swap3A_104, %swap3A_105] {strides = array<i32>} : memref<2x128x128xf32, #tpu.memory_space<vmem>>, vector<1x1x16xf32>,
      %swap3A_107 = vector.shape_cast %swap3A_106 : vector<1x1x16xf32> to vector<16xf32>
      %swap3A_108 = vector.shape_cast %broadcast_in_dim3A_12 : vector<16xf32> to vector<1x1x16xf32>
      tpu.vector_store %arg8[%swap3A_103, %swap3A_104, %swap3A_105], %swap3A_108 {strides = array<i32>} : memref<2x128x128xf32, #tpu.memory_space<vmem>>, vector<1x1x16xf32>,
      %swap3A_109 = arith.constant 0 : i32
      %swap3A_110 = arith.index_cast %swap3A_109 : i32 to index
      %swap3A_111 = arith.index_cast %add3A_95 : i32 to index
      %swap3A_112 = arith.constant 32 : index
      %swap3A_113 = tpu.vector_load %arg8[%swap3A_110, %swap3A_111, %swap3A_112] {strides = array<i32>} : memref<2x128x128xf32, #tpu.memory_space<vmem>>, vector<1x1x16xf32>,
      %swap3A_114 = vector.shape_cast %swap3A_113 : vector<1x1x16xf32> to vector<16xf32>
      %swap3A_115 = vector.shape_cast %broadcast_in_dim3A_12 : vector<16xf32> to vector<1x1x16xf32>
      tpu.vector_store %arg8[%swap3A_110, %swap3A_111, %swap3A_112], %swap3A_115 {strides = array<i32>} : memref<2x128x128xf32, #tpu.memory_space<vmem>>, vector<1x1x16xf32>,
      %swap3A_116 = arith.constant 0 : i32
      %swap3A_117 = arith.index_cast %swap3A_116 : i32 to index
      %swap3A_118 = arith.index_cast %add3A_95 : i32 to index
      %swap3A_119 = arith.constant 48 : index
      %swap3A_120 = tpu.vector_load %arg8[%swap3A_117, %swap3A_118, %swap3A_119] {strides = array<i32>} : memref<2x128x128xf32, #tpu.memory_space<vmem>>, vector<1x1x16xf32>,
      %swap3A_121 = vector.shape_cast %swap3A_120 : vector<1x1x16xf32> to vector<16xf32>
      %swap3A_122 = vector.shape_cast %broadcast_in_dim3A_12 : vector<16xf32> to vector<1x1x16xf32>
      tpu.vector_store %arg8[%swap3A_117, %swap3A_118, %swap3A_119], %swap3A_122 {strides = array<i32>} : memref<2x128x128xf32, #tpu.memory_space<vmem>>, vector<1x1x16xf32>,
      %swap3A_123 = arith.constant 0 : i32
      %swap3A_124 = arith.index_cast %swap3A_123 : i32 to index
      %swap3A_125 = arith.index_cast %add3A_95 : i32 to index
      %swap3A_126 = arith.constant 64 : index
      %swap3A_127 = tpu.vector_load %arg8[%swap3A_124, %swap3A_125, %swap3A_126] {strides = array<i32>} : memref<2x128x128xf32, #tpu.memory_space<vmem>>, vector<1x1x16xf32>,
      %swap3A_128 = vector.shape_cast %swap3A_127 : vector<1x1x16xf32> to vector<16xf32>
      %swap3A_129 = vector.shape_cast %broadcast_in_dim3A_12 : vector<16xf32> to vector<1x1x16xf32>
      tpu.vector_store %arg8[%swap3A_124, %swap3A_125, %swap3A_126], %swap3A_129 {strides = array<i32>} : memref<2x128x128xf32, #tpu.memory_space<vmem>>, vector<1x1x16xf32>,
      %swap3A_130 = arith.constant 0 : i32
      %swap3A_131 = arith.index_cast %swap3A_130 : i32 to index
      %swap3A_132 = arith.index_cast %add3A_95 : i32 to index
      %swap3A_133 = arith.constant 80 : index
      %swap3A_134 = tpu.vector_load %arg8[%swap3A_131, %swap3A_132, %swap3A_133] {strides = array<i32>} : memref<2x128x128xf32, #tpu.memory_space<vmem>>, vector<1x1x16xf32>,
      %swap3A_135 = vector.shape_cast %swap3A_134 : vector<1x1x16xf32> to vector<16xf32>
      %swap3A_136 = vector.shape_cast %broadcast_in_dim3A_12 : vector<16xf32> to vector<1x1x16xf32>
      tpu.vector_store %arg8[%swap3A_131, %swap3A_132, %swap3A_133], %swap3A_136 {strides = array<i32>} : memref<2x128x128xf32, #tpu.memory_space<vmem>>, vector<1x1x16xf32>,
      %swap3A_137 = arith.constant 0 : i32
      %swap3A_138 = arith.index_cast %swap3A_137 : i32 to index
      %swap3A_139 = arith.index_cast %add3A_95 : i32 to index
      %swap3A_140 = arith.constant 96 : index
      %swap3A_141 = tpu.vector_load %arg8[%swap3A_138, %swap3A_139, %swap3A_140] {strides = array<i32>} : memref<2x128x128xf32, #tpu.memory_space<vmem>>, vector<1x1x16xf32>,
      %swap3A_142 = vector.shape_cast %swap3A_141 : vector<1x1x16xf32> to vector<16xf32>
      %swap3A_143 = vector.shape_cast %broadcast_in_dim3A_12 : vector<16xf32> to vector<1x1x16xf32>
      tpu.vector_store %arg8[%swap3A_138, %swap3A_139, %swap3A_140], %swap3A_143 {strides = array<i32>} : memref<2x128x128xf32, #tpu.memory_space<vmem>>, vector<1x1x16xf32>,
      %swap3A_144 = arith.constant 0 : i32
      %swap3A_145 = arith.index_cast %swap3A_144 : i32 to index
      %swap3A_146 = arith.index_cast %add3A_95 : i32 to index
      %swap3A_147 = arith.constant 112 : index
      %swap3A_148 = tpu.vector_load %arg8[%swap3A_145, %swap3A_146, %swap3A_147] {strides = array<i32>} : memref<2x128x128xf32, #tpu.memory_space<vmem>>, vector<1x1x16xf32>,
      %swap3A_149 = vector.shape_cast %swap3A_148 : vector<1x1x16xf32> to vector<16xf32>
      %swap3A_150 = vector.shape_cast %broadcast_in_dim3A_12 : vector<16xf32> to vector<1x1x16xf32>
      tpu.vector_store %arg8[%swap3A_145, %swap3A_146, %swap3A_147], %swap3A_150 {strides = array<i32>} : memref<2x128x128xf32, #tpu.memory_space<vmem>>, vector<1x1x16xf32>,
    }
    %scan3A_16 = arith.constant 128 : i32
    %mul3A_17 = arith.constant 640 : i32
    %mul3A_18 = arith.muli %arg1, %mul3A_17 : i32
    %add3A_19 = arith.constant 0 : i32
    %add3A_20 = arith.addi %mul3A_18, %add3A_19 : i32
    %run_scoped3A = arith.constant 0 : i32
    "tpu.region"() ({
      %run_scoped3A_91 = tpu.sem_alloc : memref<!tpu.dma_semaphore, #tpu.memory_space<semaphore_mem>>
      %dma_start3A_92 = arith.constant 0 : i32
      %dma_start3A_93 = arith.constant 0 : i32
      %dma_start3A_94 = tpu.memref_slice %arg8[%run_scoped3A, %dma_start3A_92, %dma_start3A_93] : memref<2x128x128xf32, #tpu.memory_space<vmem>> -> memref<1x128x128xf32, #tpu.memory_space<vmem>>
      %dma_start3A_95 = tpu.memref_squeeze %dma_start3A_94 : memref<1x128x128xf32, #tpu.memory_space<vmem>> -> memref<128x128xf32, #tpu.memory_space<vmem>>
      %dma_start3A_96 = arith.constant 0 : i32
      %dma_start3A_97 = tpu.memref_slice %arg9[%add3A_20, %dma_start3A_96] : memref<10240x128xf32, #tpu.memory_space<vmem_shared>> -> memref<128x128xf32, #tpu.memory_space<vmem_shared>>
      %dma_start3A_98 = arith.constant 0 : i32
      %dma_start3A_99 = tpu.memref_slice %arg9[%add3A_20, %dma_start3A_98] : memref<10240x128xf32, #tpu.memory_space<vmem_shared>> -> memref<128x128xf32, #tpu.memory_space<vmem_shared>>
      %dma_start3A_100 = arith.constant 0 : i32
      %dma_start3A_101 = arith.constant 0 : i32
      %dma_start3A_102 = tpu.memref_slice %arg8[%run_scoped3A, %dma_start3A_100, %dma_start3A_101] : memref<2x128x128xf32, #tpu.memory_space<vmem>> -> memref<1x128x128xf32, #tpu.memory_space<vmem>>
      %dma_start3A_103 = tpu.memref_squeeze %dma_start3A_102 : memref<1x128x128xf32, #tpu.memory_space<vmem>> -> memref<128x128xf32, #tpu.memory_space<vmem>>
      tpu.enqueue_dma source(%dma_start3A_103 : memref<128x128xf32, #tpu.memory_space<vmem>>) target(%dma_start3A_99 : memref<128x128xf32, #tpu.memory_space<vmem_shared>>) target_semaphore(%run_scoped3A_91 : memref<!tpu.dma_semaphore, #tpu.memory_space<semaphore_mem>>)
      %dma_wait3A = arith.constant 0 : i32
      %dma_wait3A_104 = arith.constant 0 : i32
      %dma_wait3A_105 = tpu.memref_slice %arg8[%run_scoped3A, %dma_wait3A, %dma_wait3A_104] : memref<2x128x128xf32, #tpu.memory_space<vmem>> -> memref<1x128x128xf32, #tpu.memory_space<vmem>>
      %dma_wait3A_106 = tpu.memref_squeeze %dma_wait3A_105 : memref<1x128x128xf32, #tpu.memory_space<vmem>> -> memref<128x128xf32, #tpu.memory_space<vmem>>
      %dma_wait3A_107 = arith.constant 0 : i32
      %dma_wait3A_108 = tpu.memref_slice %arg9[%add3A_20, %dma_wait3A_107] : memref<10240x128xf32, #tpu.memory_space<vmem_shared>> -> memref<128x128xf32, #tpu.memory_space<vmem_shared>>
      %dma_wait3A_109 = arith.constant 0 : i32
      %dma_wait3A_110 = tpu.memref_slice %arg9[%add3A_20, %dma_wait3A_109] : memref<10240x128xf32, #tpu.memory_space<vmem_shared>> -> memref<128x128xf32, #tpu.memory_space<vmem_shared>>
      %dma_wait3A_111 = arith.constant 0 : i32
      %dma_wait3A_112 = arith.constant 0 : i32
      %dma_wait3A_113 = tpu.memref_slice %arg8[%run_scoped3A, %dma_wait3A_111, %dma_wait3A_112] : memref<2x128x128xf32, #tpu.memory_space<vmem>> -> memref<1x128x128xf32, #tpu.memory_space<vmem>>
      %dma_wait3A_114 = tpu.memref_squeeze %dma_wait3A_113 : memref<1x128x128xf32, #tpu.memory_space<vmem>> -> memref<128x128xf32, #tpu.memory_space<vmem>>
      tpu.wait_dma2 semaphore(%run_scoped3A_91 : memref<!tpu.dma_semaphore, #tpu.memory_space<semaphore_mem>>) src(%dma_wait3A_114 : memref<128x128xf32, #tpu.memory_space<vmem>>) dst(%dma_wait3A_110 : memref<128x128xf32, #tpu.memory_space<vmem_shared>>)
      tpu.yield
    }) : () -> ()
    %add3A_21 = arith.constant 128 : i32
    %add3A_22 = arith.addi %mul3A_18, %add3A_21 : i32
    %run_scoped3A_23 = arith.constant 0 : i32
    "tpu.region"() ({
      %run_scoped3A_91 = tpu.sem_alloc : memref<!tpu.dma_semaphore, #tpu.memory_space<semaphore_mem>>
      %dma_start3A_92 = arith.constant 0 : i32
      %dma_start3A_93 = arith.constant 0 : i32
      %dma_start3A_94 = tpu.memref_slice %arg8[%run_scoped3A_23, %dma_start3A_92, %dma_start3A_93] : memref<2x128x128xf32, #tpu.memory_space<vmem>> -> memref<1x128x128xf32, #tpu.memory_space<vmem>>
      %dma_start3A_95 = tpu.memref_squeeze %dma_start3A_94 : memref<1x128x128xf32, #tpu.memory_space<vmem>> -> memref<128x128xf32, #tpu.memory_space<vmem>>
      %dma_start3A_96 = arith.constant 0 : i32
      %dma_start3A_97 = tpu.memref_slice %arg9[%add3A_22, %dma_start3A_96] : memref<10240x128xf32, #tpu.memory_space<vmem_shared>> -> memref<128x128xf32, #tpu.memory_space<vmem_shared>>
      %dma_start3A_98 = arith.constant 0 : i32
      %dma_start3A_99 = tpu.memref_slice %arg9[%add3A_22, %dma_start3A_98] : memref<10240x128xf32, #tpu.memory_space<vmem_shared>> -> memref<128x128xf32, #tpu.memory_space<vmem_shared>>
      %dma_start3A_100 = arith.constant 0 : i32
      %dma_start3A_101 = arith.constant 0 : i32
      %dma_start3A_102 = tpu.memref_slice %arg8[%run_scoped3A_23, %dma_start3A_100, %dma_start3A_101] : memref<2x128x128xf32, #tpu.memory_space<vmem>> -> memref<1x128x128xf32, #tpu.memory_space<vmem>>
      %dma_start3A_103 = tpu.memref_squeeze %dma_start3A_102 : memref<1x128x128xf32, #tpu.memory_space<vmem>> -> memref<128x128xf32, #tpu.memory_space<vmem>>
      tpu.enqueue_dma source(%dma_start3A_103 : memref<128x128xf32, #tpu.memory_space<vmem>>) target(%dma_start3A_99 : memref<128x128xf32, #tpu.memory_space<vmem_shared>>) target_semaphore(%run_scoped3A_91 : memref<!tpu.dma_semaphore, #tpu.memory_space<semaphore_mem>>)
      %dma_wait3A = arith.constant 0 : i32
      %dma_wait3A_104 = arith.constant 0 : i32
      %dma_wait3A_105 = tpu.memref_slice %arg8[%run_scoped3A_23, %dma_wait3A, %dma_wait3A_104] : memref<2x128x128xf32, #tpu.memory_space<vmem>> -> memref<1x128x128xf32, #tpu.memory_space<vmem>>
      %dma_wait3A_106 = tpu.memref_squeeze %dma_wait3A_105 : memref<1x128x128xf32, #tpu.memory_space<vmem>> -> memref<128x128xf32, #tpu.memory_space<vmem>>
      %dma_wait3A_107 = arith.constant 0 : i32
      %dma_wait3A_108 = tpu.memref_slice %arg9[%add3A_22, %dma_wait3A_107] : memref<10240x128xf32, #tpu.memory_space<vmem_shared>> -> memref<128x128xf32, #tpu.memory_space<vmem_shared>>
      %dma_wait3A_109 = arith.constant 0 : i32
      %dma_wait3A_110 = tpu.memref_slice %arg9[%add3A_22, %dma_wait3A_109] : memref<10240x128xf32, #tpu.memory_space<vmem_shared>> -> memref<128x128xf32, #tpu.memory_space<vmem_shared>>
      %dma_wait3A_111 = arith.constant 0 : i32
      %dma_wait3A_112 = arith.constant 0 : i32
      %dma_wait3A_113 = tpu.memref_slice %arg8[%run_scoped3A_23, %dma_wait3A_111, %dma_wait3A_112] : memref<2x128x128xf32, #tpu.memory_space<vmem>> -> memref<1x128x128xf32, #tpu.memory_space<vmem>>
      %dma_wait3A_114 = tpu.memref_squeeze %dma_wait3A_113 : memref<1x128x128xf32, #tpu.memory_space<vmem>> -> memref<128x128xf32, #tpu.memory_space<vmem>>
      tpu.wait_dma2 semaphore(%run_scoped3A_91 : memref<!tpu.dma_semaphore, #tpu.memory_space<semaphore_mem>>) src(%dma_wait3A_114 : memref<128x128xf32, #tpu.memory_space<vmem>>) dst(%dma_wait3A_110 : memref<128x128xf32, #tpu.memory_space<vmem_shared>>)
      tpu.yield
    }) : () -> ()
    %add3A_24 = arith.constant 256 : i32
    %add3A_25 = arith.addi %mul3A_18, %add3A_24 : i32
    %run_scoped3A_26 = arith.constant 0 : i32
    "tpu.region"() ({
      %run_scoped3A_91 = tpu.sem_alloc : memref<!tpu.dma_semaphore, #tpu.memory_space<semaphore_mem>>
      %dma_start3A_92 = arith.constant 0 : i32
      %dma_start3A_93 = arith.constant 0 : i32
      %dma_start3A_94 = tpu.memref_slice %arg8[%run_scoped3A_26, %dma_start3A_92, %dma_start3A_93] : memref<2x128x128xf32, #tpu.memory_space<vmem>> -> memref<1x128x128xf32, #tpu.memory_space<vmem>>
      %dma_start3A_95 = tpu.memref_squeeze %dma_start3A_94 : memref<1x128x128xf32, #tpu.memory_space<vmem>> -> memref<128x128xf32, #tpu.memory_space<vmem>>
      %dma_start3A_96 = arith.constant 0 : i32
      %dma_start3A_97 = tpu.memref_slice %arg9[%add3A_25, %dma_start3A_96] : memref<10240x128xf32, #tpu.memory_space<vmem_shared>> -> memref<128x128xf32, #tpu.memory_space<vmem_shared>>
      %dma_start3A_98 = arith.constant 0 : i32
      %dma_start3A_99 = tpu.memref_slice %arg9[%add3A_25, %dma_start3A_98] : memref<10240x128xf32, #tpu.memory_space<vmem_shared>> -> memref<128x128xf32, #tpu.memory_space<vmem_shared>>
      %dma_start3A_100 = arith.constant 0 : i32
      %dma_start3A_101 = arith.constant 0 : i32
      %dma_start3A_102 = tpu.memref_slice %arg8[%run_scoped3A_26, %dma_start3A_100, %dma_start3A_101] : memref<2x128x128xf32, #tpu.memory_space<vmem>> -> memref<1x128x128xf32, #tpu.memory_space<vmem>>
      %dma_start3A_103 = tpu.memref_squeeze %dma_start3A_102 : memref<1x128x128xf32, #tpu.memory_space<vmem>> -> memref<128x128xf32, #tpu.memory_space<vmem>>
      tpu.enqueue_dma source(%dma_start3A_103 : memref<128x128xf32, #tpu.memory_space<vmem>>) target(%dma_start3A_99 : memref<128x128xf32, #tpu.memory_space<vmem_shared>>) target_semaphore(%run_scoped3A_91 : memref<!tpu.dma_semaphore, #tpu.memory_space<semaphore_mem>>)
      %dma_wait3A = arith.constant 0 : i32
      %dma_wait3A_104 = arith.constant 0 : i32
      %dma_wait3A_105 = tpu.memref_slice %arg8[%run_scoped3A_26, %dma_wait3A, %dma_wait3A_104] : memref<2x128x128xf32, #tpu.memory_space<vmem>> -> memref<1x128x128xf32, #tpu.memory_space<vmem>>
      %dma_wait3A_106 = tpu.memref_squeeze %dma_wait3A_105 : memref<1x128x128xf32, #tpu.memory_space<vmem>> -> memref<128x128xf32, #tpu.memory_space<vmem>>
      %dma_wait3A_107 = arith.constant 0 : i32
      %dma_wait3A_108 = tpu.memref_slice %arg9[%add3A_25, %dma_wait3A_107] : memref<10240x128xf32, #tpu.memory_space<vmem_shared>> -> memref<128x128xf32, #tpu.memory_space<vmem_shared>>
      %dma_wait3A_109 = arith.constant 0 : i32
      %dma_wait3A_110 = tpu.memref_slice %arg9[%add3A_25, %dma_wait3A_109] : memref<10240x128xf32, #tpu.memory_space<vmem_shared>> -> memref<128x128xf32, #tpu.memory_space<vmem_shared>>
      %dma_wait3A_111 = arith.constant 0 : i32
      %dma_wait3A_112 = arith.constant 0 : i32
      %dma_wait3A_113 = tpu.memref_slice %arg8[%run_scoped3A_26, %dma_wait3A_111, %dma_wait3A_112] : memref<2x128x128xf32, #tpu.memory_space<vmem>> -> memref<1x128x128xf32, #tpu.memory_space<vmem>>
      %dma_wait3A_114 = tpu.memref_squeeze %dma_wait3A_113 : memref<1x128x128xf32, #tpu.memory_space<vmem>> -> memref<128x128xf32, #tpu.memory_space<vmem>>
      tpu.wait_dma2 semaphore(%run_scoped3A_91 : memref<!tpu.dma_semaphore, #tpu.memory_space<semaphore_mem>>) src(%dma_wait3A_114 : memref<128x128xf32, #tpu.memory_space<vmem>>) dst(%dma_wait3A_110 : memref<128x128xf32, #tpu.memory_space<vmem_shared>>)
      tpu.yield
    }) : () -> ()
    %add3A_27 = arith.constant 384 : i32
    %add3A_28 = arith.addi %mul3A_18, %add3A_27 : i32
    %run_scoped3A_29 = arith.constant 0 : i32
    "tpu.region"() ({
      %run_scoped3A_91 = tpu.sem_alloc : memref<!tpu.dma_semaphore, #tpu.memory_space<semaphore_mem>>
      %dma_start3A_92 = arith.constant 0 : i32
      %dma_start3A_93 = arith.constant 0 : i32
      %dma_start3A_94 = tpu.memref_slice %arg8[%run_scoped3A_29, %dma_start3A_92, %dma_start3A_93] : memref<2x128x128xf32, #tpu.memory_space<vmem>> -> memref<1x128x128xf32, #tpu.memory_space<vmem>>
      %dma_start3A_95 = tpu.memref_squeeze %dma_start3A_94 : memref<1x128x128xf32, #tpu.memory_space<vmem>> -> memref<128x128xf32, #tpu.memory_space<vmem>>
      %dma_start3A_96 = arith.constant 0 : i32
      %dma_start3A_97 = tpu.memref_slice %arg9[%add3A_28, %dma_start3A_96] : memref<10240x128xf32, #tpu.memory_space<vmem_shared>> -> memref<128x128xf32, #tpu.memory_space<vmem_shared>>
      %dma_start3A_98 = arith.constant 0 : i32
      %dma_start3A_99 = tpu.memref_slice %arg9[%add3A_28, %dma_start3A_98] : memref<10240x128xf32, #tpu.memory_space<vmem_shared>> -> memref<128x128xf32, #tpu.memory_space<vmem_shared>>
      %dma_start3A_100 = arith.constant 0 : i32
      %dma_start3A_101 = arith.constant 0 : i32
      %dma_start3A_102 = tpu.memref_slice %arg8[%run_scoped3A_29, %dma_start3A_100, %dma_start3A_101] : memref<2x128x128xf32, #tpu.memory_space<vmem>> -> memref<1x128x128xf32, #tpu.memory_space<vmem>>
      %dma_start3A_103 = tpu.memref_squeeze %dma_start3A_102 : memref<1x128x128xf32, #tpu.memory_space<vmem>> -> memref<128x128xf32, #tpu.memory_space<vmem>>
      tpu.enqueue_dma source(%dma_start3A_103 : memref<128x128xf32, #tpu.memory_space<vmem>>) target(%dma_start3A_99 : memref<128x128xf32, #tpu.memory_space<vmem_shared>>) target_semaphore(%run_scoped3A_91 : memref<!tpu.dma_semaphore, #tpu.memory_space<semaphore_mem>>)
      %dma_wait3A = arith.constant 0 : i32
      %dma_wait3A_104 = arith.constant 0 : i32
      %dma_wait3A_105 = tpu.memref_slice %arg8[%run_scoped3A_29, %dma_wait3A, %dma_wait3A_104] : memref<2x128x128xf32, #tpu.memory_space<vmem>> -> memref<1x128x128xf32, #tpu.memory_space<vmem>>
      %dma_wait3A_106 = tpu.memref_squeeze %dma_wait3A_105 : memref<1x128x128xf32, #tpu.memory_space<vmem>> -> memref<128x128xf32, #tpu.memory_space<vmem>>
      %dma_wait3A_107 = arith.constant 0 : i32
      %dma_wait3A_108 = tpu.memref_slice %arg9[%add3A_28, %dma_wait3A_107] : memref<10240x128xf32, #tpu.memory_space<vmem_shared>> -> memref<128x128xf32, #tpu.memory_space<vmem_shared>>
      %dma_wait3A_109 = arith.constant 0 : i32
      %dma_wait3A_110 = tpu.memref_slice %arg9[%add3A_28, %dma_wait3A_109] : memref<10240x128xf32, #tpu.memory_space<vmem_shared>> -> memref<128x128xf32, #tpu.memory_space<vmem_shared>>
      %dma_wait3A_111 = arith.constant 0 : i32
      %dma_wait3A_112 = arith.constant 0 : i32
      %dma_wait3A_113 = tpu.memref_slice %arg8[%run_scoped3A_29, %dma_wait3A_111, %dma_wait3A_112] : memref<2x128x128xf32, #tpu.memory_space<vmem>> -> memref<1x128x128xf32, #tpu.memory_space<vmem>>
      %dma_wait3A_114 = tpu.memref_squeeze %dma_wait3A_113 : memref<1x128x128xf32, #tpu.memory_space<vmem>> -> memref<128x128xf32, #tpu.memory_space<vmem>>
      tpu.wait_dma2 semaphore(%run_scoped3A_91 : memref<!tpu.dma_semaphore, #tpu.memory_space<semaphore_mem>>) src(%dma_wait3A_114 : memref<128x128xf32, #tpu.memory_space<vmem>>) dst(%dma_wait3A_110 : memref<128x128xf32, #tpu.memory_space<vmem_shared>>)
      tpu.yield
    }) : () -> ()
    %add3A_30 = arith.constant 512 : i32
    %add3A_31 = arith.addi %mul3A_18, %add3A_30 : i32
    %run_scoped3A_32 = arith.constant 0 : i32
    "tpu.region"() ({
      %run_scoped3A_91 = tpu.sem_alloc : memref<!tpu.dma_semaphore, #tpu.memory_space<semaphore_mem>>
      %dma_start3A_92 = arith.constant 0 : i32
      %dma_start3A_93 = arith.constant 0 : i32
      %dma_start3A_94 = tpu.memref_slice %arg8[%run_scoped3A_32, %dma_start3A_92, %dma_start3A_93] : memref<2x128x128xf32, #tpu.memory_space<vmem>> -> memref<1x128x128xf32, #tpu.memory_space<vmem>>
      %dma_start3A_95 = tpu.memref_squeeze %dma_start3A_94 : memref<1x128x128xf32, #tpu.memory_space<vmem>> -> memref<128x128xf32, #tpu.memory_space<vmem>>
      %dma_start3A_96 = arith.constant 0 : i32
      %dma_start3A_97 = tpu.memref_slice %arg9[%add3A_31, %dma_start3A_96] : memref<10240x128xf32, #tpu.memory_space<vmem_shared>> -> memref<128x128xf32, #tpu.memory_space<vmem_shared>>
      %dma_start3A_98 = arith.constant 0 : i32
      %dma_start3A_99 = tpu.memref_slice %arg9[%add3A_31, %dma_start3A_98] : memref<10240x128xf32, #tpu.memory_space<vmem_shared>> -> memref<128x128xf32, #tpu.memory_space<vmem_shared>>
      %dma_start3A_100 = arith.constant 0 : i32
      %dma_start3A_101 = arith.constant 0 : i32
      %dma_start3A_102 = tpu.memref_slice %arg8[%run_scoped3A_32, %dma_start3A_100, %dma_start3A_101] : memref<2x128x128xf32, #tpu.memory_space<vmem>> -> memref<1x128x128xf32, #tpu.memory_space<vmem>>
      %dma_start3A_103 = tpu.memref_squeeze %dma_start3A_102 : memref<1x128x128xf32, #tpu.memory_space<vmem>> -> memref<128x128xf32, #tpu.memory_space<vmem>>
      tpu.enqueue_dma source(%dma_start3A_103 : memref<128x128xf32, #tpu.memory_space<vmem>>) target(%dma_start3A_99 : memref<128x128xf32, #tpu.memory_space<vmem_shared>>) target_semaphore(%run_scoped3A_91 : memref<!tpu.dma_semaphore, #tpu.memory_space<semaphore_mem>>)
      %dma_wait3A = arith.constant 0 : i32
      %dma_wait3A_104 = arith.constant 0 : i32
      %dma_wait3A_105 = tpu.memref_slice %arg8[%run_scoped3A_32, %dma_wait3A, %dma_wait3A_104] : memref<2x128x128xf32, #tpu.memory_space<vmem>> -> memref<1x128x128xf32, #tpu.memory_space<vmem>>
      %dma_wait3A_106 = tpu.memref_squeeze %dma_wait3A_105 : memref<1x128x128xf32, #tpu.memory_space<vmem>> -> memref<128x128xf32, #tpu.memory_space<vmem>>
      %dma_wait3A_107 = arith.constant 0 : i32
      %dma_wait3A_108 = tpu.memref_slice %arg9[%add3A_31, %dma_wait3A_107] : memref<10240x128xf32, #tpu.memory_space<vmem_shared>> -> memref<128x128xf32, #tpu.memory_space<vmem_shared>>
      %dma_wait3A_109 = arith.constant 0 : i32
      %dma_wait3A_110 = tpu.memref_slice %arg9[%add3A_31, %dma_wait3A_109] : memref<10240x128xf32, #tpu.memory_space<vmem_shared>> -> memref<128x128xf32, #tpu.memory_space<vmem_shared>>
      %dma_wait3A_111 = arith.constant 0 : i32
      %dma_wait3A_112 = arith.constant 0 : i32
      %dma_wait3A_113 = tpu.memref_slice %arg8[%run_scoped3A_32, %dma_wait3A_111, %dma_wait3A_112] : memref<2x128x128xf32, #tpu.memory_space<vmem>> -> memref<1x128x128xf32, #tpu.memory_space<vmem>>
      %dma_wait3A_114 = tpu.memref_squeeze %dma_wait3A_113 : memref<1x128x128xf32, #tpu.memory_space<vmem>> -> memref<128x128xf32, #tpu.memory_space<vmem>>
      tpu.wait_dma2 semaphore(%run_scoped3A_91 : memref<!tpu.dma_semaphore, #tpu.memory_space<semaphore_mem>>) src(%dma_wait3A_114 : memref<128x128xf32, #tpu.memory_space<vmem>>) dst(%dma_wait3A_110 : memref<128x128xf32, #tpu.memory_space<vmem_shared>>)
      tpu.yield
    }) : () -> ()
    %add3A_33 = arith.constant 0 : i32
    %add3A_34 = arith.addi %mul3A_2, %add3A_33 : i32
    %dma_start3A = arith.constant 0 : i32
    %dma_start3A_35 = arith.constant 0 : i32
    %dma_start3A_36 = tpu.memref_slice %arg7[%dma_start3A, %dma_start3A_35] : memref<2x128xi32, #tpu.memory_space<vmem>> -> memref<1x128xi32, #tpu.memory_space<vmem>>
    %dma_start3A_37 = tpu.memref_squeeze %dma_start3A_36 : memref<1x128xi32, #tpu.memory_space<vmem>> -> memref<128xi32, #tpu.memory_space<vmem>>
    %dma_start3A_38 = tpu.memref_slice %arg4[%add3A_34] : memref<320000xi32, #tpu.memory_space<hbm>> -> memref<128xi32, #tpu.memory_space<hbm>>
    %dma_start3A_39 = arith.constant 0 : i32
    %dma_start3A_40 = tpu.memref_slice %arg7[%dma_start3A, %dma_start3A_39] : memref<2x128xi32, #tpu.memory_space<vmem>> -> memref<1x128xi32, #tpu.memory_space<vmem>>
    %dma_start3A_41 = tpu.memref_squeeze %dma_start3A_40 : memref<1x128xi32, #tpu.memory_space<vmem>> -> memref<128xi32, #tpu.memory_space<vmem>>
    %dma_start3A_42 = tpu.memref_slice %arg4[%add3A_34] : memref<320000xi32, #tpu.memory_space<hbm>> -> memref<128xi32, #tpu.memory_space<hbm>>
    tpu.enqueue_dma source(%dma_start3A_42 : memref<128xi32, #tpu.memory_space<hbm>>) target(%dma_start3A_41 : memref<128xi32, #tpu.memory_space<vmem>>) target_semaphore(%arg12 : memref<!tpu.dma_semaphore, #tpu.memory_space<semaphore_mem>>)
    %dma_start3A_43 = arith.constant 0 : i32
    %dma_start3A_44 = arith.constant 0 : i32
    %dma_start3A_45 = arith.constant 0 : i32
    %dma_start3A_46 = tpu.memref_slice %arg8[%dma_start3A_43, %dma_start3A_44, %dma_start3A_45] : memref<2x128x128xf32, #tpu.memory_space<vmem>> -> memref<1x128x128xf32, #tpu.memory_space<vmem>>
    %dma_start3A_47 = tpu.memref_squeeze %dma_start3A_46 : memref<1x128x128xf32, #tpu.memory_space<vmem>> -> memref<128x128xf32, #tpu.memory_space<vmem>>
    %dma_start3A_48 = arith.constant 0 : i32
    %dma_start3A_49 = tpu.memref_slice %arg6[%dma_start3A_48] : memref<10240xi32, #tpu.memory_space<vmem>> -> memref<128xi32, #tpu.memory_space<vmem>>
    %dma_start3A_50 = arith.constant 0 : i32
    %dma_start3A_51 = arith.constant 0 : i32
    %dma_start3A_52 = tpu.memref_slice %arg2[%dma_start3A_50, %dma_start3A_51] : memref<10000x128xf32, #tpu.memory_space<hbm>> -> memref<10000x128xf32, #tpu.memory_space<hbm>>
    tpu.enqueue_indirect_dma source(%dma_start3A_52 : memref<10000x128xf32, #tpu.memory_space<hbm>>) target(%dma_start3A_47 : memref<128x128xf32, #tpu.memory_space<vmem>>) offsets(%dma_start3A_49 : memref<128xi32, #tpu.memory_space<vmem>>) semaphore(%arg10 : memref<!tpu.dma_semaphore, #tpu.memory_space<semaphore_mem>>)
    %add3A_53 = arith.constant 128 : i32
    %add3A_54 = arith.addi %mul3A_2, %add3A_53 : i32
    %dma_start3A_55 = arith.constant 1 : i32
    %dma_start3A_56 = arith.constant 0 : i32
    %dma_start3A_57 = tpu.memref_slice %arg7[%dma_start3A_55, %dma_start3A_56] : memref<2x128xi32, #tpu.memory_space<vmem>> -> memref<1x128xi32, #tpu.memory_space<vmem>>
    %dma_start3A_58 = tpu.memref_squeeze %dma_start3A_57 : memref<1x128xi32, #tpu.memory_space<vmem>> -> memref<128xi32, #tpu.memory_space<vmem>>
    %dma_start3A_59 = tpu.memref_slice %arg4[%add3A_54] : memref<320000xi32, #tpu.memory_space<hbm>> -> memref<128xi32, #tpu.memory_space<hbm>>
    %dma_start3A_60 = arith.constant 0 : i32
    %dma_start3A_61 = tpu.memref_slice %arg7[%dma_start3A_55, %dma_start3A_60] : memref<2x128xi32, #tpu.memory_space<vmem>> -> memref<1x128xi32, #tpu.memory_space<vmem>>
    %dma_start3A_62 = tpu.memref_squeeze %dma_start3A_61 : memref<1x128xi32, #tpu.memory_space<vmem>> -> memref<128xi32, #tpu.memory_space<vmem>>
    %dma_start3A_63 = tpu.memref_slice %arg4[%add3A_54] : memref<320000xi32, #tpu.memory_space<hbm>> -> memref<128xi32, #tpu.memory_space<hbm>>
    tpu.enqueue_dma source(%dma_start3A_63 : memref<128xi32, #tpu.memory_space<hbm>>) target(%dma_start3A_62 : memref<128xi32, #tpu.memory_space<vmem>>) target_semaphore(%arg13 : memref<!tpu.dma_semaphore, #tpu.memory_space<semaphore_mem>>)
    %dma_start3A_64 = arith.constant 1 : i32
    %dma_start3A_65 = arith.constant 0 : i32
    %dma_start3A_66 = arith.constant 0 : i32
    %dma_start3A_67 = tpu.memref_slice %arg8[%dma_start3A_64, %dma_start3A_65, %dma_start3A_66] : memref<2x128x128xf32, #tpu.memory_space<vmem>> -> memref<1x128x128xf32, #tpu.memory_space<vmem>>
    %dma_start3A_68 = tpu.memref_squeeze %dma_start3A_67 : memref<1x128x128xf32, #tpu.memory_space<vmem>> -> memref<128x128xf32, #tpu.memory_space<vmem>>
    %dma_start3A_69 = arith.constant 128 : i32
    %dma_start3A_70 = tpu.memref_slice %arg6[%dma_start3A_69] : memref<10240xi32, #tpu.memory_space<vmem>> -> memref<128xi32, #tpu.memory_space<vmem>>
    %dma_start3A_71 = arith.constant 0 : i32
    %dma_start3A_72 = arith.constant 0 : i32
    %dma_start3A_73 = tpu.memref_slice %arg2[%dma_start3A_71, %dma_start3A_72] : memref<10000x128xf32, #tpu.memory_space<hbm>> -> memref<10000x128xf32, #tpu.memory_space<hbm>>
    tpu.enqueue_indirect_dma source(%dma_start3A_73 : memref<10000x128xf32, #tpu.memory_space<hbm>>) target(%dma_start3A_68 : memref<128x128xf32, #tpu.memory_space<vmem>>) offsets(%dma_start3A_70 : memref<128xi32, #tpu.memory_space<vmem>>) semaphore(%arg11 : memref<!tpu.dma_semaphore, #tpu.memory_space<semaphore_mem>>)
    %barrier3A = arith.constant 0 : index
    tpu.barrier barrier_id(%barrier3A)
    %sub3A = arith.constant 0 : i32
    %sub3A_74 = arith.subi %select_n3A, %sub3A : i32
    %sub3A_75 = arith.constant 2 : i32
    %sub3A_76 = arith.constant 1 : i32
    %sub3A_77 = arith.subi %sub3A_75, %sub3A_76 : i32
    %add3A_78 = arith.addi %sub3A_74, %sub3A_77 : i32
    %div3A = arith.constant 2 : i32
    %div3A_79 = arith.divsi %add3A_78, %div3A : i32
    %while3A = arith.constant 2 : i32
    %while3A_80 = arith.constant 0 : i32
    %while3A_81 = arith.constant 0 : i32
    %while3A_82 = arith.subi %div3A_79, %while3A_81 : i32
    %while3A_83 = arith.addi %while3A_81, %while3A_82 : i32
    %while3A_84 = arith.constant 1 : i32
    %while3A_85 = arith.divsi %while3A_82, %while3A_84 : i32
    %while3A_86 = arith.muli %while3A_85, %while3A_84 : i32
    %while3A_87 = arith.addi %while3A_81, %while3A_86 : i32
    %while3A_88 = arith.constant 1 : i32
    scf.for %while3A_91 = %while3A_81 to %while3A_87 step %while3A_88  : i32 {
      %mul3A_92 = arith.muli %while3A_91, %while3A : i32
      %add3A_93 = arith.addi %while3A_80, %mul3A_92 : i32
      %add3A_94 = arith.constant 0 : i32
      %add3A_95 = arith.addi %add3A_93, %add3A_94 : i32
      %mul3A_96 = arith.constant 128 : i32
      %mul3A_97 = arith.muli %add3A_95, %mul3A_96 : i32
      %multiple_of3A = tpu.assume_multiple %mul3A_97, 128 : i32
      %add3A_98 = arith.addi %mul3A_2, %multiple_of3A : i32
      %dma_wait3A = arith.constant 0 : i32
      %dma_wait3A_99 = arith.constant 0 : i32
      %dma_wait3A_100 = tpu.memref_slice %arg7[%dma_wait3A, %dma_wait3A_99] : memref<2x128xi32, #tpu.memory_space<vmem>> -> memref<1x128xi32, #tpu.memory_space<vmem>>
      %dma_wait3A_101 = tpu.memref_squeeze %dma_wait3A_100 : memref<1x128xi32, #tpu.memory_space<vmem>> -> memref<128xi32, #tpu.memory_space<vmem>>
      %dma_wait3A_102 = tpu.memref_slice %arg4[%add3A_98] : memref<320000xi32, #tpu.memory_space<hbm>> -> memref<128xi32, #tpu.memory_space<hbm>>
      %dma_wait3A_103 = arith.constant 0 : i32
      %dma_wait3A_104 = tpu.memref_slice %arg7[%dma_wait3A, %dma_wait3A_103] : memref<2x128xi32, #tpu.memory_space<vmem>> -> memref<1x128xi32, #tpu.memory_space<vmem>>
      %dma_wait3A_105 = tpu.memref_squeeze %dma_wait3A_104 : memref<1x128xi32, #tpu.memory_space<vmem>> -> memref<128xi32, #tpu.memory_space<vmem>>
      %dma_wait3A_106 = tpu.memref_slice %arg4[%add3A_98] : memref<320000xi32, #tpu.memory_space<hbm>> -> memref<128xi32, #tpu.memory_space<hbm>>
      tpu.wait_dma2 semaphore(%arg12 : memref<!tpu.dma_semaphore, #tpu.memory_space<semaphore_mem>>) src(%dma_wait3A_106 : memref<128xi32, #tpu.memory_space<hbm>>) dst(%dma_wait3A_105 : memref<128xi32, #tpu.memory_space<vmem>>)
      %dma_wait3A_107 = arith.constant 0 : i32
      %dma_wait3A_108 = arith.constant 0 : i32
      %dma_wait3A_109 = arith.constant 0 : i32
      %dma_wait3A_110 = tpu.memref_slice %arg8[%dma_wait3A_107, %dma_wait3A_108, %dma_wait3A_109] : memref<2x128x128xf32, #tpu.memory_space<vmem>> -> memref<1x128x128xf32, #tpu.memory_space<vmem>>
      %dma_wait3A_111 = tpu.memref_squeeze %dma_wait3A_110 : memref<1x128x128xf32, #tpu.memory_space<vmem>> -> memref<128x128xf32, #tpu.memory_space<vmem>>
      %dma_wait3A_112 = tpu.memref_slice %arg6[%multiple_of3A] : memref<10240xi32, #tpu.memory_space<vmem>> -> memref<128xi32, #tpu.memory_space<vmem>>
      %dma_wait3A_113 = arith.constant 0 : i32
      %dma_wait3A_114 = arith.constant 0 : i32
      %dma_wait3A_115 = tpu.memref_slice %arg2[%dma_wait3A_113, %dma_wait3A_114] : memref<10000x128xf32, #tpu.memory_space<hbm>> -> memref<10000x128xf32, #tpu.memory_space<hbm>>
      tpu.wait_indirect_dma semaphore(%arg10 : memref<!tpu.dma_semaphore, #tpu.memory_space<semaphore_mem>>) src(%dma_wait3A_115 : memref<10000x128xf32, #tpu.memory_space<hbm>>) dst(%dma_wait3A_111 : memref<128x128xf32, #tpu.memory_space<vmem>>)
      %run_scoped3A_116 = arith.constant 0 : i32
      %run_scoped3A_117 = arith.constant 0 : i32
      "tpu.region"() ({
        %run_scoped3A_156 = tpu.sem_alloc : memref<!tpu.dma_semaphore, #tpu.memory_space<semaphore_mem>>
        %dma_start3A_157 = arith.constant 0 : i32
        %dma_start3A_158 = arith.constant 0 : i32
        %dma_start3A_159 = tpu.memref_slice %arg8[%run_scoped3A_116, %dma_start3A_157, %dma_start3A_158] : memref<2x128x128xf32, #tpu.memory_space<vmem>> -> memref<1x128x128xf32, #tpu.memory_space<vmem>>
        %dma_start3A_160 = tpu.memref_squeeze %dma_start3A_159 : memref<1x128x128xf32, #tpu.memory_space<vmem>> -> memref<128x128xf32, #tpu.memory_space<vmem>>
        %dma_start3A_161 = arith.constant 0 : i32
        %dma_start3A_162 = tpu.memref_slice %arg7[%run_scoped3A_117, %dma_start3A_161] : memref<2x128xi32, #tpu.memory_space<vmem>> -> memref<1x128xi32, #tpu.memory_space<vmem>>
        %dma_start3A_163 = tpu.memref_squeeze %dma_start3A_162 : memref<1x128xi32, #tpu.memory_space<vmem>> -> memref<128xi32, #tpu.memory_space<vmem>>
        %dma_start3A_164 = arith.constant 0 : i32
        %dma_start3A_165 = arith.constant 0 : i32
        %dma_start3A_166 = tpu.memref_slice %arg9[%dma_start3A_164, %dma_start3A_165] : memref<10240x128xf32, #tpu.memory_space<vmem_shared>> -> memref<10240x128xf32, #tpu.memory_space<vmem_shared>>
        tpu.enqueue_indirect_dma source(%dma_start3A_160 : memref<128x128xf32, #tpu.memory_space<vmem>>) target(%dma_start3A_166 : memref<10240x128xf32, #tpu.memory_space<vmem_shared>>) offsets(%dma_start3A_163 : memref<128xi32, #tpu.memory_space<vmem>>) semaphore(%run_scoped3A_156 : memref<!tpu.dma_semaphore, #tpu.memory_space<semaphore_mem>>) {add = true}
        %dma_wait3A_167 = arith.constant 0 : i32
        %dma_wait3A_168 = arith.constant 0 : i32
        %dma_wait3A_169 = tpu.memref_slice %arg8[%run_scoped3A_116, %dma_wait3A_167, %dma_wait3A_168] : memref<2x128x128xf32, #tpu.memory_space<vmem>> -> memref<1x128x128xf32, #tpu.memory_space<vmem>>
        %dma_wait3A_170 = tpu.memref_squeeze %dma_wait3A_169 : memref<1x128x128xf32, #tpu.memory_space<vmem>> -> memref<128x128xf32, #tpu.memory_space<vmem>>
        %dma_wait3A_171 = arith.constant 0 : i32
        %dma_wait3A_172 = tpu.memref_slice %arg7[%run_scoped3A_117, %dma_wait3A_171] : memref<2x128xi32, #tpu.memory_space<vmem>> -> memref<1x128xi32, #tpu.memory_space<vmem>>
        %dma_wait3A_173 = tpu.memref_squeeze %dma_wait3A_172 : memref<1x128xi32, #tpu.memory_space<vmem>> -> memref<128xi32, #tpu.memory_space<vmem>>
        %dma_wait3A_174 = arith.constant 0 : i32
        %dma_wait3A_175 = arith.constant 0 : i32
        %dma_wait3A_176 = tpu.memref_slice %arg9[%dma_wait3A_174, %dma_wait3A_175] : memref<10240x128xf32, #tpu.memory_space<vmem_shared>> -> memref<10240x128xf32, #tpu.memory_space<vmem_shared>>
        tpu.wait_indirect_dma semaphore(%run_scoped3A_156 : memref<!tpu.dma_semaphore, #tpu.memory_space<semaphore_mem>>) src(%dma_wait3A_170 : memref<128x128xf32, #tpu.memory_space<vmem>>) dst(%dma_wait3A_176 : memref<10240x128xf32, #tpu.memory_space<vmem_shared>>)
        tpu.yield
      }) : () -> ()
      %add3A_118 = arith.constant 2 : i32
      %add3A_119 = arith.addi %add3A_95, %add3A_118 : i32
      %lt3A_120 = arith.cmpi slt, %add3A_119, %select_n3A : i32
      %convert_element_type3A_121 = arith.extui %lt3A_120 : i1 to i32
      %cond3A_122 = arith.constant 0 : i32
      %cond3A_123 = arith.cmpi ne, %convert_element_type3A_121, %cond3A_122 : i32
      scf.if %cond3A_123 {
        %mul3A_156 = arith.constant 128 : i32
        %mul3A_157 = arith.muli %add3A_119, %mul3A_156 : i32
        %multiple_of3A_158 = tpu.assume_multiple %mul3A_157, 128 : i32
        %add3A_159 = arith.addi %mul3A_2, %multiple_of3A_158 : i32
        %dma_start3A_160 = arith.constant 0 : i32
        %dma_start3A_161 = arith.constant 0 : i32
        %dma_start3A_162 = tpu.memref_slice %arg7[%dma_start3A_160, %dma_start3A_161] : memref<2x128xi32, #tpu.memory_space<vmem>> -> memref<1x128xi32, #tpu.memory_space<vmem>>
        %dma_start3A_163 = tpu.memref_squeeze %dma_start3A_162 : memref<1x128xi32, #tpu.memory_space<vmem>> -> memref<128xi32, #tpu.memory_space<vmem>>
        %dma_start3A_164 = tpu.memref_slice %arg4[%add3A_159] : memref<320000xi32, #tpu.memory_space<hbm>> -> memref<128xi32, #tpu.memory_space<hbm>>
        %dma_start3A_165 = arith.constant 0 : i32
        %dma_start3A_166 = tpu.memref_slice %arg7[%dma_start3A_160, %dma_start3A_165] : memref<2x128xi32, #tpu.memory_space<vmem>> -> memref<1x128xi32, #tpu.memory_space<vmem>>
        %dma_start3A_167 = tpu.memref_squeeze %dma_start3A_166 : memref<1x128xi32, #tpu.memory_space<vmem>> -> memref<128xi32, #tpu.memory_space<vmem>>
        %dma_start3A_168 = tpu.memref_slice %arg4[%add3A_159] : memref<320000xi32, #tpu.memory_space<hbm>> -> memref<128xi32, #tpu.memory_space<hbm>>
        tpu.enqueue_dma source(%dma_start3A_168 : memref<128xi32, #tpu.memory_space<hbm>>) target(%dma_start3A_167 : memref<128xi32, #tpu.memory_space<vmem>>) target_semaphore(%arg12 : memref<!tpu.dma_semaphore, #tpu.memory_space<semaphore_mem>>)
        %dma_start3A_169 = arith.constant 0 : i32
        %dma_start3A_170 = arith.constant 0 : i32
        %dma_start3A_171 = arith.constant 0 : i32
        %dma_start3A_172 = tpu.memref_slice %arg8[%dma_start3A_169, %dma_start3A_170, %dma_start3A_171] : memref<2x128x128xf32, #tpu.memory_space<vmem>> -> memref<1x128x128xf32, #tpu.memory_space<vmem>>
        %dma_start3A_173 = tpu.memref_squeeze %dma_start3A_172 : memref<1x128x128xf32, #tpu.memory_space<vmem>> -> memref<128x128xf32, #tpu.memory_space<vmem>>
        %dma_start3A_174 = tpu.memref_slice %arg6[%multiple_of3A_158] : memref<10240xi32, #tpu.memory_space<vmem>> -> memref<128xi32, #tpu.memory_space<vmem>>
        %dma_start3A_175 = arith.constant 0 : i32
        %dma_start3A_176 = arith.constant 0 : i32
        %dma_start3A_177 = tpu.memref_slice %arg2[%dma_start3A_175, %dma_start3A_176] : memref<10000x128xf32, #tpu.memory_space<hbm>> -> memref<10000x128xf32, #tpu.memory_space<hbm>>
        tpu.enqueue_indirect_dma source(%dma_start3A_177 : memref<10000x128xf32, #tpu.memory_space<hbm>>) target(%dma_start3A_173 : memref<128x128xf32, #tpu.memory_space<vmem>>) offsets(%dma_start3A_174 : memref<128xi32, #tpu.memory_space<vmem>>) semaphore(%arg10 : memref<!tpu.dma_semaphore, #tpu.memory_space<semaphore_mem>>)
      } else {
      }
      %add3A_124 = arith.constant 1 : i32
      %add3A_125 = arith.addi %add3A_93, %add3A_124 : i32
      %mul3A_126 = arith.constant 128 : i32
      %mul3A_127 = arith.muli %add3A_125, %mul3A_126 : i32
      %multiple_of3A_128 = tpu.assume_multiple %mul3A_127, 128 : i32
      %add3A_129 = arith.addi %mul3A_2, %multiple_of3A_128 : i32
      %dma_wait3A_130 = arith.constant 1 : i32
      %dma_wait3A_131 = arith.constant 0 : i32
      %dma_wait3A_132 = tpu.memref_slice %arg7[%dma_wait3A_130, %dma_wait3A_131] : memref<2x128xi32, #tpu.memory_space<vmem>> -> memref<1x128xi32, #tpu.memory_space<vmem>>
      %dma_wait3A_133 = tpu.memref_squeeze %dma_wait3A_132 : memref<1x128xi32, #tpu.memory_space<vmem>> -> memref<128xi32, #tpu.memory_space<vmem>>
      %dma_wait3A_134 = tpu.memref_slice %arg4[%add3A_129] : memref<320000xi32, #tpu.memory_space<hbm>> -> memref<128xi32, #tpu.memory_space<hbm>>
      %dma_wait3A_135 = arith.constant 0 : i32
      %dma_wait3A_136 = tpu.memref_slice %arg7[%dma_wait3A_130, %dma_wait3A_135] : memref<2x128xi32, #tpu.memory_space<vmem>> -> memref<1x128xi32, #tpu.memory_space<vmem>>
      %dma_wait3A_137 = tpu.memref_squeeze %dma_wait3A_136 : memref<1x128xi32, #tpu.memory_space<vmem>> -> memref<128xi32, #tpu.memory_space<vmem>>
      %dma_wait3A_138 = tpu.memref_slice %arg4[%add3A_129] : memref<320000xi32, #tpu.memory_space<hbm>> -> memref<128xi32, #tpu.memory_space<hbm>>
      tpu.wait_dma2 semaphore(%arg13 : memref<!tpu.dma_semaphore, #tpu.memory_space<semaphore_mem>>) src(%dma_wait3A_138 : memref<128xi32, #tpu.memory_space<hbm>>) dst(%dma_wait3A_137 : memref<128xi32, #tpu.memory_space<vmem>>)
      %dma_wait3A_139 = arith.constant 1 : i32
      %dma_wait3A_140 = arith.constant 0 : i32
      %dma_wait3A_141 = arith.constant 0 : i32
      %dma_wait3A_142 = tpu.memref_slice %arg8[%dma_wait3A_139, %dma_wait3A_140, %dma_wait3A_141] : memref<2x128x128xf32, #tpu.memory_space<vmem>> -> memref<1x128x128xf32, #tpu.memory_space<vmem>>
      %dma_wait3A_143 = tpu.memref_squeeze %dma_wait3A_142 : memref<1x128x128xf32, #tpu.memory_space<vmem>> -> memref<128x128xf32, #tpu.memory_space<vmem>>
      %dma_wait3A_144 = tpu.memref_slice %arg6[%multiple_of3A_128] : memref<10240xi32, #tpu.memory_space<vmem>> -> memref<128xi32, #tpu.memory_space<vmem>>
      %dma_wait3A_145 = arith.constant 0 : i32
      %dma_wait3A_146 = arith.constant 0 : i32
      %dma_wait3A_147 = tpu.memref_slice %arg2[%dma_wait3A_145, %dma_wait3A_146] : memref<10000x128xf32, #tpu.memory_space<hbm>> -> memref<10000x128xf32, #tpu.memory_space<hbm>>
      tpu.wait_indirect_dma semaphore(%arg11 : memref<!tpu.dma_semaphore, #tpu.memory_space<semaphore_mem>>) src(%dma_wait3A_147 : memref<10000x128xf32, #tpu.memory_space<hbm>>) dst(%dma_wait3A_143 : memref<128x128xf32, #tpu.memory_space<vmem>>)
      %run_scoped3A_148 = arith.constant 1 : i32
      %run_scoped3A_149 = arith.constant 1 : i32
      "tpu.region"() ({
        %run_scoped3A_156 = tpu.sem_alloc : memref<!tpu.dma_semaphore, #tpu.memory_space<semaphore_mem>>
        %dma_start3A_157 = arith.constant 0 : i32
        %dma_start3A_158 = arith.constant 0 : i32
        %dma_start3A_159 = tpu.memref_slice %arg8[%run_scoped3A_148, %dma_start3A_157, %dma_start3A_158] : memref<2x128x128xf32, #tpu.memory_space<vmem>> -> memref<1x128x128xf32, #tpu.memory_space<vmem>>
        %dma_start3A_160 = tpu.memref_squeeze %dma_start3A_159 : memref<1x128x128xf32, #tpu.memory_space<vmem>> -> memref<128x128xf32, #tpu.memory_space<vmem>>
        %dma_start3A_161 = arith.constant 0 : i32
        %dma_start3A_162 = tpu.memref_slice %arg7[%run_scoped3A_149, %dma_start3A_161] : memref<2x128xi32, #tpu.memory_space<vmem>> -> memref<1x128xi32, #tpu.memory_space<vmem>>
        %dma_start3A_163 = tpu.memref_squeeze %dma_start3A_162 : memref<1x128xi32, #tpu.memory_space<vmem>> -> memref<128xi32, #tpu.memory_space<vmem>>
        %dma_start3A_164 = arith.constant 0 : i32
        %dma_start3A_165 = arith.constant 0 : i32
        %dma_start3A_166 = tpu.memref_slice %arg9[%dma_start3A_164, %dma_start3A_165] : memref<10240x128xf32, #tpu.memory_space<vmem_shared>> -> memref<10240x128xf32, #tpu.memory_space<vmem_shared>>
        tpu.enqueue_indirect_dma source(%dma_start3A_160 : memref<128x128xf32, #tpu.memory_space<vmem>>) target(%dma_start3A_166 : memref<10240x128xf32, #tpu.memory_space<vmem_shared>>) offsets(%dma_start3A_163 : memref<128xi32, #tpu.memory_space<vmem>>) semaphore(%run_scoped3A_156 : memref<!tpu.dma_semaphore, #tpu.memory_space<semaphore_mem>>) {add = true}
        %dma_wait3A_167 = arith.constant 0 : i32
        %dma_wait3A_168 = arith.constant 0 : i32
        %dma_wait3A_169 = tpu.memref_slice %arg8[%run_scoped3A_148, %dma_wait3A_167, %dma_wait3A_168] : memref<2x128x128xf32, #tpu.memory_space<vmem>> -> memref<1x128x128xf32, #tpu.memory_space<vmem>>
        %dma_wait3A_170 = tpu.memref_squeeze %dma_wait3A_169 : memref<1x128x128xf32, #tpu.memory_space<vmem>> -> memref<128x128xf32, #tpu.memory_space<vmem>>
        %dma_wait3A_171 = arith.constant 0 : i32
        %dma_wait3A_172 = tpu.memref_slice %arg7[%run_scoped3A_149, %dma_wait3A_171] : memref<2x128xi32, #tpu.memory_space<vmem>> -> memref<1x128xi32, #tpu.memory_space<vmem>>
        %dma_wait3A_173 = tpu.memref_squeeze %dma_wait3A_172 : memref<1x128xi32, #tpu.memory_space<vmem>> -> memref<128xi32, #tpu.memory_space<vmem>>
        %dma_wait3A_174 = arith.constant 0 : i32
        %dma_wait3A_175 = arith.constant 0 : i32
        %dma_wait3A_176 = tpu.memref_slice %arg9[%dma_wait3A_174, %dma_wait3A_175] : memref<10240x128xf32, #tpu.memory_space<vmem_shared>> -> memref<10240x128xf32, #tpu.memory_space<vmem_shared>>
        tpu.wait_indirect_dma semaphore(%run_scoped3A_156 : memref<!tpu.dma_semaphore, #tpu.memory_space<semaphore_mem>>) src(%dma_wait3A_170 : memref<128x128xf32, #tpu.memory_space<vmem>>) dst(%dma_wait3A_176 : memref<10240x128xf32, #tpu.memory_space<vmem_shared>>)
        tpu.yield
      }) : () -> ()
      %add3A_150 = arith.constant 2 : i32
      %add3A_151 = arith.addi %add3A_125, %add3A_150 : i32
      %lt3A_152 = arith.cmpi slt, %add3A_151, %select_n3A : i32
      %convert_element_type3A_153 = arith.extui %lt3A_152 : i1 to i32
      %cond3A_154 = arith.constant 0 : i32
      %cond3A_155 = arith.cmpi ne, %convert_element_type3A_153, %cond3A_154 : i32
      scf.if %cond3A_155 {
        %mul3A_156 = arith.constant 128 : i32
        %mul3A_157 = arith.muli %add3A_151, %mul3A_156 : i32
        %multiple_of3A_158 = tpu.assume_multiple %mul3A_157, 128 : i32
        %add3A_159 = arith.addi %mul3A_2, %multiple_of3A_158 : i32
        %dma_start3A_160 = arith.constant 1 : i32
        %dma_start3A_161 = arith.constant 0 : i32
        %dma_start3A_162 = tpu.memref_slice %arg7[%dma_start3A_160, %dma_start3A_161] : memref<2x128xi32, #tpu.memory_space<vmem>> -> memref<1x128xi32, #tpu.memory_space<vmem>>
        %dma_start3A_163 = tpu.memref_squeeze %dma_start3A_162 : memref<1x128xi32, #tpu.memory_space<vmem>> -> memref<128xi32, #tpu.memory_space<vmem>>
        %dma_start3A_164 = tpu.memref_slice %arg4[%add3A_159] : memref<320000xi32, #tpu.memory_space<hbm>> -> memref<128xi32, #tpu.memory_space<hbm>>
        %dma_start3A_165 = arith.constant 0 : i32
        %dma_start3A_166 = tpu.memref_slice %arg7[%dma_start3A_160, %dma_start3A_165] : memref<2x128xi32, #tpu.memory_space<vmem>> -> memref<1x128xi32, #tpu.memory_space<vmem>>
        %dma_start3A_167 = tpu.memref_squeeze %dma_start3A_166 : memref<1x128xi32, #tpu.memory_space<vmem>> -> memref<128xi32, #tpu.memory_space<vmem>>
        %dma_start3A_168 = tpu.memref_slice %arg4[%add3A_159] : memref<320000xi32, #tpu.memory_space<hbm>> -> memref<128xi32, #tpu.memory_space<hbm>>
        tpu.enqueue_dma source(%dma_start3A_168 : memref<128xi32, #tpu.memory_space<hbm>>) target(%dma_start3A_167 : memref<128xi32, #tpu.memory_space<vmem>>) target_semaphore(%arg13 : memref<!tpu.dma_semaphore, #tpu.memory_space<semaphore_mem>>)
        %dma_start3A_169 = arith.constant 1 : i32
        %dma_start3A_170 = arith.constant 0 : i32
        %dma_start3A_171 = arith.constant 0 : i32
        %dma_start3A_172 = tpu.memref_slice %arg8[%dma_start3A_169, %dma_start3A_170, %dma_start3A_171] : memref<2x128x128xf32, #tpu.memory_space<vmem>> -> memref<1x128x128xf32, #tpu.memory_space<vmem>>
        %dma_start3A_173 = tpu.memref_squeeze %dma_start3A_172 : memref<1x128x128xf32, #tpu.memory_space<vmem>> -> memref<128x128xf32, #tpu.memory_space<vmem>>
        %dma_start3A_174 = tpu.memref_slice %arg6[%multiple_of3A_158] : memref<10240xi32, #tpu.memory_space<vmem>> -> memref<128xi32, #tpu.memory_space<vmem>>
        %dma_start3A_175 = arith.constant 0 : i32
        %dma_start3A_176 = arith.constant 0 : i32
        %dma_start3A_177 = tpu.memref_slice %arg2[%dma_start3A_175, %dma_start3A_176] : memref<10000x128xf32, #tpu.memory_space<hbm>> -> memref<10000x128xf32, #tpu.memory_space<hbm>>
        tpu.enqueue_indirect_dma source(%dma_start3A_177 : memref<10000x128xf32, #tpu.memory_space<hbm>>) target(%dma_start3A_173 : memref<128x128xf32, #tpu.memory_space<vmem>>) offsets(%dma_start3A_174 : memref<128xi32, #tpu.memory_space<vmem>>) semaphore(%arg11 : memref<!tpu.dma_semaphore, #tpu.memory_space<semaphore_mem>>)
      } else {
      }
    }
    %while3A_89 = arith.constant 1 : i32
    scf.for %while3A_91 = %while3A_87 to %while3A_83 step %while3A_89  : i32 {
      %mul3A_92 = arith.muli %while3A_91, %while3A : i32
      %add3A_93 = arith.addi %while3A_80, %mul3A_92 : i32
      %add3A_94 = arith.constant 0 : i32
      %add3A_95 = arith.addi %add3A_93, %add3A_94 : i32
      %mul3A_96 = arith.constant 128 : i32
      %mul3A_97 = arith.muli %add3A_95, %mul3A_96 : i32
      %multiple_of3A = tpu.assume_multiple %mul3A_97, 128 : i32
      %add3A_98 = arith.addi %mul3A_2, %multiple_of3A : i32
      %dma_wait3A = arith.constant 0 : i32
      %dma_wait3A_99 = arith.constant 0 : i32
      %dma_wait3A_100 = tpu.memref_slice %arg7[%dma_wait3A, %dma_wait3A_99] : memref<2x128xi32, #tpu.memory_space<vmem>> -> memref<1x128xi32, #tpu.memory_space<vmem>>
      %dma_wait3A_101 = tpu.memref_squeeze %dma_wait3A_100 : memref<1x128xi32, #tpu.memory_space<vmem>> -> memref<128xi32, #tpu.memory_space<vmem>>
      %dma_wait3A_102 = tpu.memref_slice %arg4[%add3A_98] : memref<320000xi32, #tpu.memory_space<hbm>> -> memref<128xi32, #tpu.memory_space<hbm>>
      %dma_wait3A_103 = arith.constant 0 : i32
      %dma_wait3A_104 = tpu.memref_slice %arg7[%dma_wait3A, %dma_wait3A_103] : memref<2x128xi32, #tpu.memory_space<vmem>> -> memref<1x128xi32, #tpu.memory_space<vmem>>
      %dma_wait3A_105 = tpu.memref_squeeze %dma_wait3A_104 : memref<1x128xi32, #tpu.memory_space<vmem>> -> memref<128xi32, #tpu.memory_space<vmem>>
      %dma_wait3A_106 = tpu.memref_slice %arg4[%add3A_98] : memref<320000xi32, #tpu.memory_space<hbm>> -> memref<128xi32, #tpu.memory_space<hbm>>
      tpu.wait_dma2 semaphore(%arg12 : memref<!tpu.dma_semaphore, #tpu.memory_space<semaphore_mem>>) src(%dma_wait3A_106 : memref<128xi32, #tpu.memory_space<hbm>>) dst(%dma_wait3A_105 : memref<128xi32, #tpu.memory_space<vmem>>)
      %dma_wait3A_107 = arith.constant 0 : i32
      %dma_wait3A_108 = arith.constant 0 : i32
      %dma_wait3A_109 = arith.constant 0 : i32
      %dma_wait3A_110 = tpu.memref_slice %arg8[%dma_wait3A_107, %dma_wait3A_108, %dma_wait3A_109] : memref<2x128x128xf32, #tpu.memory_space<vmem>> -> memref<1x128x128xf32, #tpu.memory_space<vmem>>
      %dma_wait3A_111 = tpu.memref_squeeze %dma_wait3A_110 : memref<1x128x128xf32, #tpu.memory_space<vmem>> -> memref<128x128xf32, #tpu.memory_space<vmem>>
      %dma_wait3A_112 = tpu.memref_slice %arg6[%multiple_of3A] : memref<10240xi32, #tpu.memory_space<vmem>> -> memref<128xi32, #tpu.memory_space<vmem>>
      %dma_wait3A_113 = arith.constant 0 : i32
      %dma_wait3A_114 = arith.constant 0 : i32
      %dma_wait3A_115 = tpu.memref_slice %arg2[%dma_wait3A_113, %dma_wait3A_114] : memref<10000x128xf32, #tpu.memory_space<hbm>> -> memref<10000x128xf32, #tpu.memory_space<hbm>>
      tpu.wait_indirect_dma semaphore(%arg10 : memref<!tpu.dma_semaphore, #tpu.memory_space<semaphore_mem>>) src(%dma_wait3A_115 : memref<10000x128xf32, #tpu.memory_space<hbm>>) dst(%dma_wait3A_111 : memref<128x128xf32, #tpu.memory_space<vmem>>)
      %run_scoped3A_116 = arith.constant 0 : i32
      %run_scoped3A_117 = arith.constant 0 : i32
      "tpu.region"() ({
        %run_scoped3A_156 = tpu.sem_alloc : memref<!tpu.dma_semaphore, #tpu.memory_space<semaphore_mem>>
        %dma_start3A_157 = arith.constant 0 : i32
        %dma_start3A_158 = arith.constant 0 : i32
        %dma_start3A_159 = tpu.memref_slice %arg8[%run_scoped3A_116, %dma_start3A_157, %dma_start3A_158] : memref<2x128x128xf32, #tpu.memory_space<vmem>> -> memref<1x128x128xf32, #tpu.memory_space<vmem>>
        %dma_start3A_160 = tpu.memref_squeeze %dma_start3A_159 : memref<1x128x128xf32, #tpu.memory_space<vmem>> -> memref<128x128xf32, #tpu.memory_space<vmem>>
        %dma_start3A_161 = arith.constant 0 : i32
        %dma_start3A_162 = tpu.memref_slice %arg7[%run_scoped3A_117, %dma_start3A_161] : memref<2x128xi32, #tpu.memory_space<vmem>> -> memref<1x128xi32, #tpu.memory_space<vmem>>
        %dma_start3A_163 = tpu.memref_squeeze %dma_start3A_162 : memref<1x128xi32, #tpu.memory_space<vmem>> -> memref<128xi32, #tpu.memory_space<vmem>>
        %dma_start3A_164 = arith.constant 0 : i32
        %dma_start3A_165 = arith.constant 0 : i32
        %dma_start3A_166 = tpu.memref_slice %arg9[%dma_start3A_164, %dma_start3A_165] : memref<10240x128xf32, #tpu.memory_space<vmem_shared>> -> memref<10240x128xf32, #tpu.memory_space<vmem_shared>>
        tpu.enqueue_indirect_dma source(%dma_start3A_160 : memref<128x128xf32, #tpu.memory_space<vmem>>) target(%dma_start3A_166 : memref<10240x128xf32, #tpu.memory_space<vmem_shared>>) offsets(%dma_start3A_163 : memref<128xi32, #tpu.memory_space<vmem>>) semaphore(%run_scoped3A_156 : memref<!tpu.dma_semaphore, #tpu.memory_space<semaphore_mem>>) {add = true}
        %dma_wait3A_167 = arith.constant 0 : i32
        %dma_wait3A_168 = arith.constant 0 : i32
        %dma_wait3A_169 = tpu.memref_slice %arg8[%run_scoped3A_116, %dma_wait3A_167, %dma_wait3A_168] : memref<2x128x128xf32, #tpu.memory_space<vmem>> -> memref<1x128x128xf32, #tpu.memory_space<vmem>>
        %dma_wait3A_170 = tpu.memref_squeeze %dma_wait3A_169 : memref<1x128x128xf32, #tpu.memory_space<vmem>> -> memref<128x128xf32, #tpu.memory_space<vmem>>
        %dma_wait3A_171 = arith.constant 0 : i32
        %dma_wait3A_172 = tpu.memref_slice %arg7[%run_scoped3A_117, %dma_wait3A_171] : memref<2x128xi32, #tpu.memory_space<vmem>> -> memref<1x128xi32, #tpu.memory_space<vmem>>
        %dma_wait3A_173 = tpu.memref_squeeze %dma_wait3A_172 : memref<1x128xi32, #tpu.memory_space<vmem>> -> memref<128xi32, #tpu.memory_space<vmem>>
        %dma_wait3A_174 = arith.constant 0 : i32
        %dma_wait3A_175 = arith.constant 0 : i32
        %dma_wait3A_176 = tpu.memref_slice %arg9[%dma_wait3A_174, %dma_wait3A_175] : memref<10240x128xf32, #tpu.memory_space<vmem_shared>> -> memref<10240x128xf32, #tpu.memory_space<vmem_shared>>
        tpu.wait_indirect_dma semaphore(%run_scoped3A_156 : memref<!tpu.dma_semaphore, #tpu.memory_space<semaphore_mem>>) src(%dma_wait3A_170 : memref<128x128xf32, #tpu.memory_space<vmem>>) dst(%dma_wait3A_176 : memref<10240x128xf32, #tpu.memory_space<vmem_shared>>)
        tpu.yield
      }) : () -> ()
      %add3A_118 = arith.constant 2 : i32
      %add3A_119 = arith.addi %add3A_95, %add3A_118 : i32
      %lt3A_120 = arith.cmpi slt, %add3A_119, %select_n3A : i32
      %convert_element_type3A_121 = arith.extui %lt3A_120 : i1 to i32
      %cond3A_122 = arith.constant 0 : i32
      %cond3A_123 = arith.cmpi ne, %convert_element_type3A_121, %cond3A_122 : i32
      scf.if %cond3A_123 {
        %mul3A_156 = arith.constant 128 : i32
        %mul3A_157 = arith.muli %add3A_119, %mul3A_156 : i32
        %multiple_of3A_158 = tpu.assume_multiple %mul3A_157, 128 : i32
        %add3A_159 = arith.addi %mul3A_2, %multiple_of3A_158 : i32
        %dma_start3A_160 = arith.constant 0 : i32
        %dma_start3A_161 = arith.constant 0 : i32
        %dma_start3A_162 = tpu.memref_slice %arg7[%dma_start3A_160, %dma_start3A_161] : memref<2x128xi32, #tpu.memory_space<vmem>> -> memref<1x128xi32, #tpu.memory_space<vmem>>
        %dma_start3A_163 = tpu.memref_squeeze %dma_start3A_162 : memref<1x128xi32, #tpu.memory_space<vmem>> -> memref<128xi32, #tpu.memory_space<vmem>>
        %dma_start3A_164 = tpu.memref_slice %arg4[%add3A_159] : memref<320000xi32, #tpu.memory_space<hbm>> -> memref<128xi32, #tpu.memory_space<hbm>>
        %dma_start3A_165 = arith.constant 0 : i32
        %dma_start3A_166 = tpu.memref_slice %arg7[%dma_start3A_160, %dma_start3A_165] : memref<2x128xi32, #tpu.memory_space<vmem>> -> memref<1x128xi32, #tpu.memory_space<vmem>>
        %dma_start3A_167 = tpu.memref_squeeze %dma_start3A_166 : memref<1x128xi32, #tpu.memory_space<vmem>> -> memref<128xi32, #tpu.memory_space<vmem>>
        %dma_start3A_168 = tpu.memref_slice %arg4[%add3A_159] : memref<320000xi32, #tpu.memory_space<hbm>> -> memref<128xi32, #tpu.memory_space<hbm>>
        tpu.enqueue_dma source(%dma_start3A_168 : memref<128xi32, #tpu.memory_space<hbm>>) target(%dma_start3A_167 : memref<128xi32, #tpu.memory_space<vmem>>) target_semaphore(%arg12 : memref<!tpu.dma_semaphore, #tpu.memory_space<semaphore_mem>>)
        %dma_start3A_169 = arith.constant 0 : i32
        %dma_start3A_170 = arith.constant 0 : i32
        %dma_start3A_171 = arith.constant 0 : i32
        %dma_start3A_172 = tpu.memref_slice %arg8[%dma_start3A_169, %dma_start3A_170, %dma_start3A_171] : memref<2x128x128xf32, #tpu.memory_space<vmem>> -> memref<1x128x128xf32, #tpu.memory_space<vmem>>
        %dma_start3A_173 = tpu.memref_squeeze %dma_start3A_172 : memref<1x128x128xf32, #tpu.memory_space<vmem>> -> memref<128x128xf32, #tpu.memory_space<vmem>>
        %dma_start3A_174 = tpu.memref_slice %arg6[%multiple_of3A_158] : memref<10240xi32, #tpu.memory_space<vmem>> -> memref<128xi32, #tpu.memory_space<vmem>>
        %dma_start3A_175 = arith.constant 0 : i32
        %dma_start3A_176 = arith.constant 0 : i32
        %dma_start3A_177 = tpu.memref_slice %arg2[%dma_start3A_175, %dma_start3A_176] : memref<10000x128xf32, #tpu.memory_space<hbm>> -> memref<10000x128xf32, #tpu.memory_space<hbm>>
        tpu.enqueue_indirect_dma source(%dma_start3A_177 : memref<10000x128xf32, #tpu.memory_space<hbm>>) target(%dma_start3A_173 : memref<128x128xf32, #tpu.memory_space<vmem>>) offsets(%dma_start3A_174 : memref<128xi32, #tpu.memory_space<vmem>>) semaphore(%arg10 : memref<!tpu.dma_semaphore, #tpu.memory_space<semaphore_mem>>)
      } else {
      }
      %add3A_124 = arith.constant 1 : i32
      %add3A_125 = arith.addi %add3A_93, %add3A_124 : i32
      %mul3A_126 = arith.constant 128 : i32
      %mul3A_127 = arith.muli %add3A_125, %mul3A_126 : i32
      %multiple_of3A_128 = tpu.assume_multiple %mul3A_127, 128 : i32
      %add3A_129 = arith.addi %mul3A_2, %multiple_of3A_128 : i32
      %dma_wait3A_130 = arith.constant 1 : i32
      %dma_wait3A_131 = arith.constant 0 : i32
      %dma_wait3A_132 = tpu.memref_slice %arg7[%dma_wait3A_130, %dma_wait3A_131] : memref<2x128xi32, #tpu.memory_space<vmem>> -> memref<1x128xi32, #tpu.memory_space<vmem>>
      %dma_wait3A_133 = tpu.memref_squeeze %dma_wait3A_132 : memref<1x128xi32, #tpu.memory_space<vmem>> -> memref<128xi32, #tpu.memory_space<vmem>>
      %dma_wait3A_134 = tpu.memref_slice %arg4[%add3A_129] : memref<320000xi32, #tpu.memory_space<hbm>> -> memref<128xi32, #tpu.memory_space<hbm>>
      %dma_wait3A_135 = arith.constant 0 : i32
      %dma_wait3A_136 = tpu.memref_slice %arg7[%dma_wait3A_130, %dma_wait3A_135] : memref<2x128xi32, #tpu.memory_space<vmem>> -> memref<1x128xi32, #tpu.memory_space<vmem>>
      %dma_wait3A_137 = tpu.memref_squeeze %dma_wait3A_136 : memref<1x128xi32, #tpu.memory_space<vmem>> -> memref<128xi32, #tpu.memory_space<vmem>>
      %dma_wait3A_138 = tpu.memref_slice %arg4[%add3A_129] : memref<320000xi32, #tpu.memory_space<hbm>> -> memref<128xi32, #tpu.memory_space<hbm>>
      tpu.wait_dma2 semaphore(%arg13 : memref<!tpu.dma_semaphore, #tpu.memory_space<semaphore_mem>>) src(%dma_wait3A_138 : memref<128xi32, #tpu.memory_space<hbm>>) dst(%dma_wait3A_137 : memref<128xi32, #tpu.memory_space<vmem>>)
      %dma_wait3A_139 = arith.constant 1 : i32
      %dma_wait3A_140 = arith.constant 0 : i32
      %dma_wait3A_141 = arith.constant 0 : i32
      %dma_wait3A_142 = tpu.memref_slice %arg8[%dma_wait3A_139, %dma_wait3A_140, %dma_wait3A_141] : memref<2x128x128xf32, #tpu.memory_space<vmem>> -> memref<1x128x128xf32, #tpu.memory_space<vmem>>
      %dma_wait3A_143 = tpu.memref_squeeze %dma_wait3A_142 : memref<1x128x128xf32, #tpu.memory_space<vmem>> -> memref<128x128xf32, #tpu.memory_space<vmem>>
      %dma_wait3A_144 = tpu.memref_slice %arg6[%multiple_of3A_128] : memref<10240xi32, #tpu.memory_space<vmem>> -> memref<128xi32, #tpu.memory_space<vmem>>
      %dma_wait3A_145 = arith.constant 0 : i32
      %dma_wait3A_146 = arith.constant 0 : i32
      %dma_wait3A_147 = tpu.memref_slice %arg2[%dma_wait3A_145, %dma_wait3A_146] : memref<10000x128xf32, #tpu.memory_space<hbm>> -> memref<10000x128xf32, #tpu.memory_space<hbm>>
      tpu.wait_indirect_dma semaphore(%arg11 : memref<!tpu.dma_semaphore, #tpu.memory_space<semaphore_mem>>) src(%dma_wait3A_147 : memref<10000x128xf32, #tpu.memory_space<hbm>>) dst(%dma_wait3A_143 : memref<128x128xf32, #tpu.memory_space<vmem>>)
      %run_scoped3A_148 = arith.constant 1 : i32
      %run_scoped3A_149 = arith.constant 1 : i32
      "tpu.region"() ({
        %run_scoped3A_156 = tpu.sem_alloc : memref<!tpu.dma_semaphore, #tpu.memory_space<semaphore_mem>>
        %dma_start3A_157 = arith.constant 0 : i32
        %dma_start3A_158 = arith.constant 0 : i32
        %dma_start3A_159 = tpu.memref_slice %arg8[%run_scoped3A_148, %dma_start3A_157, %dma_start3A_158] : memref<2x128x128xf32, #tpu.memory_space<vmem>> -> memref<1x128x128xf32, #tpu.memory_space<vmem>>
        %dma_start3A_160 = tpu.memref_squeeze %dma_start3A_159 : memref<1x128x128xf32, #tpu.memory_space<vmem>> -> memref<128x128xf32, #tpu.memory_space<vmem>>
        %dma_start3A_161 = arith.constant 0 : i32
        %dma_start3A_162 = tpu.memref_slice %arg7[%run_scoped3A_149, %dma_start3A_161] : memref<2x128xi32, #tpu.memory_space<vmem>> -> memref<1x128xi32, #tpu.memory_space<vmem>>
        %dma_start3A_163 = tpu.memref_squeeze %dma_start3A_162 : memref<1x128xi32, #tpu.memory_space<vmem>> -> memref<128xi32, #tpu.memory_space<vmem>>
        %dma_start3A_164 = arith.constant 0 : i32
        %dma_start3A_165 = arith.constant 0 : i32
        %dma_start3A_166 = tpu.memref_slice %arg9[%dma_start3A_164, %dma_start3A_165] : memref<10240x128xf32, #tpu.memory_space<vmem_shared>> -> memref<10240x128xf32, #tpu.memory_space<vmem_shared>>
        tpu.enqueue_indirect_dma source(%dma_start3A_160 : memref<128x128xf32, #tpu.memory_space<vmem>>) target(%dma_start3A_166 : memref<10240x128xf32, #tpu.memory_space<vmem_shared>>) offsets(%dma_start3A_163 : memref<128xi32, #tpu.memory_space<vmem>>) semaphore(%run_scoped3A_156 : memref<!tpu.dma_semaphore, #tpu.memory_space<semaphore_mem>>) {add = true}
        %dma_wait3A_167 = arith.constant 0 : i32
        %dma_wait3A_168 = arith.constant 0 : i32
        %dma_wait3A_169 = tpu.memref_slice %arg8[%run_scoped3A_148, %dma_wait3A_167, %dma_wait3A_168] : memref<2x128x128xf32, #tpu.memory_space<vmem>> -> memref<1x128x128xf32, #tpu.memory_space<vmem>>
        %dma_wait3A_170 = tpu.memref_squeeze %dma_wait3A_169 : memref<1x128x128xf32, #tpu.memory_space<vmem>> -> memref<128x128xf32, #tpu.memory_space<vmem>>
        %dma_wait3A_171 = arith.constant 0 : i32
        %dma_wait3A_172 = tpu.memref_slice %arg7[%run_scoped3A_149, %dma_wait3A_171] : memref<2x128xi32, #tpu.memory_space<vmem>> -> memref<1x128xi32, #tpu.memory_space<vmem>>
        %dma_wait3A_173 = tpu.memref_squeeze %dma_wait3A_172 : memref<1x128xi32, #tpu.memory_space<vmem>> -> memref<128xi32, #tpu.memory_space<vmem>>
        %dma_wait3A_174 = arith.constant 0 : i32
        %dma_wait3A_175 = arith.constant 0 : i32
        %dma_wait3A_176 = tpu.memref_slice %arg9[%dma_wait3A_174, %dma_wait3A_175] : memref<10240x128xf32, #tpu.memory_space<vmem_shared>> -> memref<10240x128xf32, #tpu.memory_space<vmem_shared>>
        tpu.wait_indirect_dma semaphore(%run_scoped3A_156 : memref<!tpu.dma_semaphore, #tpu.memory_space<semaphore_mem>>) src(%dma_wait3A_170 : memref<128x128xf32, #tpu.memory_space<vmem>>) dst(%dma_wait3A_176 : memref<10240x128xf32, #tpu.memory_space<vmem_shared>>)
        tpu.yield
      }) : () -> ()
      %add3A_150 = arith.constant 2 : i32
      %add3A_151 = arith.addi %add3A_125, %add3A_150 : i32
      %lt3A_152 = arith.cmpi slt, %add3A_151, %select_n3A : i32
      %convert_element_type3A_153 = arith.extui %lt3A_152 : i1 to i32
      %cond3A_154 = arith.constant 0 : i32
      %cond3A_155 = arith.cmpi ne, %convert_element_type3A_153, %cond3A_154 : i32
      scf.if %cond3A_155 {
        %mul3A_156 = arith.constant 128 : i32
        %mul3A_157 = arith.muli %add3A_151, %mul3A_156 : i32
        %multiple_of3A_158 = tpu.assume_multiple %mul3A_157, 128 : i32
        %add3A_159 = arith.addi %mul3A_2, %multiple_of3A_158 : i32
        %dma_start3A_160 = arith.constant 1 : i32
        %dma_start3A_161 = arith.constant 0 : i32
        %dma_start3A_162 = tpu.memref_slice %arg7[%dma_start3A_160, %dma_start3A_161] : memref<2x128xi32, #tpu.memory_space<vmem>> -> memref<1x128xi32, #tpu.memory_space<vmem>>
        %dma_start3A_163 = tpu.memref_squeeze %dma_start3A_162 : memref<1x128xi32, #tpu.memory_space<vmem>> -> memref<128xi32, #tpu.memory_space<vmem>>
        %dma_start3A_164 = tpu.memref_slice %arg4[%add3A_159] : memref<320000xi32, #tpu.memory_space<hbm>> -> memref<128xi32, #tpu.memory_space<hbm>>
        %dma_start3A_165 = arith.constant 0 : i32
        %dma_start3A_166 = tpu.memref_slice %arg7[%dma_start3A_160, %dma_start3A_165] : memref<2x128xi32, #tpu.memory_space<vmem>> -> memref<1x128xi32, #tpu.memory_space<vmem>>
        %dma_start3A_167 = tpu.memref_squeeze %dma_start3A_166 : memref<1x128xi32, #tpu.memory_space<vmem>> -> memref<128xi32, #tpu.memory_space<vmem>>
        %dma_start3A_168 = tpu.memref_slice %arg4[%add3A_159] : memref<320000xi32, #tpu.memory_space<hbm>> -> memref<128xi32, #tpu.memory_space<hbm>>
        tpu.enqueue_dma source(%dma_start3A_168 : memref<128xi32, #tpu.memory_space<hbm>>) target(%dma_start3A_167 : memref<128xi32, #tpu.memory_space<vmem>>) target_semaphore(%arg13 : memref<!tpu.dma_semaphore, #tpu.memory_space<semaphore_mem>>)
        %dma_start3A_169 = arith.constant 1 : i32
        %dma_start3A_170 = arith.constant 0 : i32
        %dma_start3A_171 = arith.constant 0 : i32
        %dma_start3A_172 = tpu.memref_slice %arg8[%dma_start3A_169, %dma_start3A_170, %dma_start3A_171] : memref<2x128x128xf32, #tpu.memory_space<vmem>> -> memref<1x128x128xf32, #tpu.memory_space<vmem>>
        %dma_start3A_173 = tpu.memref_squeeze %dma_start3A_172 : memref<1x128x128xf32, #tpu.memory_space<vmem>> -> memref<128x128xf32, #tpu.memory_space<vmem>>
        %dma_start3A_174 = tpu.memref_slice %arg6[%multiple_of3A_158] : memref<10240xi32, #tpu.memory_space<vmem>> -> memref<128xi32, #tpu.memory_space<vmem>>
        %dma_start3A_175 = arith.constant 0 : i32
        %dma_start3A_176 = arith.constant 0 : i32
        %dma_start3A_177 = tpu.memref_slice %arg2[%dma_start3A_175, %dma_start3A_176] : memref<10000x128xf32, #tpu.memory_space<hbm>> -> memref<10000x128xf32, #tpu.memory_space<hbm>>
        tpu.enqueue_indirect_dma source(%dma_start3A_177 : memref<10000x128xf32, #tpu.memory_space<hbm>>) target(%dma_start3A_173 : memref<128x128xf32, #tpu.memory_space<vmem>>) offsets(%dma_start3A_174 : memref<128xi32, #tpu.memory_space<vmem>>) semaphore(%arg11 : memref<!tpu.dma_semaphore, #tpu.memory_space<semaphore_mem>>)
      } else {
      }
    }
    %barrier3A_90 = arith.constant 0 : index
    tpu.barrier barrier_id(%barrier3A_90)
    "tpu.region"() ({
      %run_scoped3A_91 = tpu.sem_alloc : memref<!tpu.dma_semaphore, #tpu.memory_space<semaphore_mem>>
      %dma_start3A_92 = arith.constant 0 : i32
      %dma_start3A_93 = tpu.memref_slice %arg5[%arg0, %mul3A_18, %dma_start3A_92] : memref<2x10240x128xf32, #tpu.memory_space<hbm>> -> memref<1x640x128xf32, #tpu.memory_space<hbm>>
      %dma_start3A_94 = tpu.memref_squeeze %dma_start3A_93 : memref<1x640x128xf32, #tpu.memory_space<hbm>> -> memref<640x128xf32, #tpu.memory_space<hbm>>
      %dma_start3A_95 = arith.constant 0 : i32
      %dma_start3A_96 = tpu.memref_slice %arg9[%mul3A_18, %dma_start3A_95] : memref<10240x128xf32, #tpu.memory_space<vmem_shared>> -> memref<640x128xf32, #tpu.memory_space<vmem_shared>>
      tpu.enqueue_dma source(%dma_start3A_96 : memref<640x128xf32, #tpu.memory_space<vmem_shared>>) target(%dma_start3A_94 : memref<640x128xf32, #tpu.memory_space<hbm>>) target_semaphore(%run_scoped3A_91 : memref<!tpu.dma_semaphore, #tpu.memory_space<semaphore_mem>>)
      %dma_wait3A = arith.constant 0 : i32
      %dma_wait3A_97 = tpu.memref_slice %arg5[%arg0, %mul3A_18, %dma_wait3A] : memref<2x10240x128xf32, #tpu.memory_space<hbm>> -> memref<1x640x128xf32, #tpu.memory_space<hbm>>
      %dma_wait3A_98 = tpu.memref_squeeze %dma_wait3A_97 : memref<1x640x128xf32, #tpu.memory_space<hbm>> -> memref<640x128xf32, #tpu.memory_space<hbm>>
      %dma_wait3A_99 = arith.constant 0 : i32
      %dma_wait3A_100 = tpu.memref_slice %arg9[%mul3A_18, %dma_wait3A_99] : memref<10240x128xf32, #tpu.memory_space<vmem_shared>> -> memref<640x128xf32, #tpu.memory_space<vmem_shared>>
      tpu.wait_dma2 semaphore(%run_scoped3A_91 : memref<!tpu.dma_semaphore, #tpu.memory_space<semaphore_mem>>) src(%dma_wait3A_100 : memref<640x128xf32, #tpu.memory_space<vmem_shared>>) dst(%dma_wait3A_98 : memref<640x128xf32, #tpu.memory_space<hbm>>)
      tpu.yield
    }) : () -> ()
    return
  }
}

module attributes {stable_mosaic.version = 14 : i64} {
  func.func @_dense1_body(%arg0: i32, %arg1: memref<2x1000x128xf32, #tpu.memory_space<vmem>>, %arg2: memref<2x1000x128xf32, #tpu.memory_space<vmem>>, %arg3: memref<1000x128xf32, #tpu.memory_space<vmem>>, %arg4: memref<128x128xf32, #tpu.memory_space<vmem>>, %arg5: memref<1x128xf32, #tpu.memory_space<vmem>>, %arg6: memref<128x128xf32, #tpu.memory_space<vmem>>, %arg7: memref<1000x128xf32, #tpu.memory_space<vmem>>) attributes {dimension_semantics = [#tpu.dimension_semantics<arbitrary>], iteration_bounds = array<i64: 10>, scalar_prefetch = 0 : i64, scratch_operands = 0 : i64, tpu.core_type = #tpu.core_type<tc>, window_params = [{transform_indices = @transform_0, window_bounds = array<i64: 2, 1000, 128>}, {transform_indices = @transform_1, window_bounds = array<i64: 2, 1000, 128>}, {transform_indices = @transform_2, window_bounds = array<i64: 1000, 128>}, {pipeline_mode = #tpu.pipeline_mode<synchronous>, transform_indices = @transform_3, window_bounds = array<i64: 128, 128>}, {pipeline_mode = #tpu.pipeline_mode<synchronous>, transform_indices = @transform_4, window_bounds = array<i64: 1, 128>}, {pipeline_mode = #tpu.pipeline_mode<synchronous>, transform_indices = @transform_5, window_bounds = array<i64: 128, 128>}, {transform_indices = @transform_6, window_bounds = array<i64: 1000, 128>}]} {
    %get3A = arith.constant 0 : index
    %get3A_0 = arith.constant 0 : index
    %get3A_1 = arith.constant 0 : index
    %get3A_2 = vector.load %arg2[%get3A, %get3A_0, %get3A_1] : memref<2x1000x128xf32, #tpu.memory_space<vmem>>, vector<1x1000x128xf32>
    %get3A_3 = vector.shape_cast %get3A_2 : vector<1x1000x128xf32> to vector<1000x128xf32>
    %get3A_4 = arith.constant 1 : index
    %get3A_5 = arith.constant 0 : index
    %get3A_6 = arith.constant 0 : index
    %get3A_7 = vector.load %arg2[%get3A_4, %get3A_5, %get3A_6] : memref<2x1000x128xf32, #tpu.memory_space<vmem>>, vector<1x1000x128xf32>
    %get3A_8 = vector.shape_cast %get3A_7 : vector<1x1000x128xf32> to vector<1000x128xf32>
    %add3A = arith.addf %get3A_3, %get3A_8 : vector<1000x128xf32>
    %get3A_9 = arith.constant 0 : index
    %get3A_10 = arith.constant 0 : index
    %get3A_11 = arith.constant 0 : index
    %get3A_12 = vector.load %arg1[%get3A_9, %get3A_10, %get3A_11] : memref<2x1000x128xf32, #tpu.memory_space<vmem>>, vector<1x1000x128xf32>
    %get3A_13 = vector.shape_cast %get3A_12 : vector<1x1000x128xf32> to vector<1000x128xf32>
    %get3A_14 = arith.constant 1 : index
    %get3A_15 = arith.constant 0 : index
    %get3A_16 = arith.constant 0 : index
    %get3A_17 = vector.load %arg1[%get3A_14, %get3A_15, %get3A_16] : memref<2x1000x128xf32, #tpu.memory_space<vmem>>, vector<1x1000x128xf32>
    %get3A_18 = vector.shape_cast %get3A_17 : vector<1x1000x128xf32> to vector<1000x128xf32>
    %add3A_19 = arith.addf %get3A_13, %get3A_18 : vector<1000x128xf32>
    %max3A = arith.constant 1.000000e+00 : f32
    %max3A_20 = vector.broadcast %max3A : f32 to vector<1000x128xf32>
    %max3A_21 = arith.maximumf %add3A, %max3A_20 : vector<1000x128xf32>
    %div3A = arith.divf %add3A_19, %max3A_21 : vector<1000x128xf32>
    %get3A_22 = arith.constant 0 : index
    %get3A_23 = arith.constant 0 : index
    %get3A_24 = vector.load %arg4[%get3A_22, %get3A_23] : memref<128x128xf32, #tpu.memory_space<vmem>>, vector<128x128xf32>
    %dot_general3A = arith.constant dense<0.000000e+00> : vector<1000x128xf32>
    %dot_general3A_25 = tpu.matmul %div3A, %get3A_24, %dot_general3A {dimension_numbers = #tpu.dot_dimension_numbers<[1], [0], [0], [1], [0, 0, 1, 1], [], []>, transpose_lhs_hint = false} : vector<1000x128xf32>, vector<128x128xf32>, vector<1000x128xf32> -> vector<1000x128xf32>
    %get3A_26 = arith.constant 0 : index
    %get3A_27 = arith.constant 0 : index
    %get3A_28 = vector.load %arg3[%get3A_26, %get3A_27] : memref<1000x128xf32, #tpu.memory_space<vmem>>, vector<1000x128xf32>
    %get3A_29 = arith.constant 0 : index
    %get3A_30 = arith.constant 0 : index
    %get3A_31 = vector.load %arg6[%get3A_29, %get3A_30] : memref<128x128xf32, #tpu.memory_space<vmem>>, vector<128x128xf32>
    %dot_general3A_32 = arith.constant dense<0.000000e+00> : vector<1000x128xf32>
    %dot_general3A_33 = tpu.matmul %get3A_28, %get3A_31, %dot_general3A_32 {dimension_numbers = #tpu.dot_dimension_numbers<[1], [0], [0], [1], [0, 0, 1, 1], [], []>, transpose_lhs_hint = false} : vector<1000x128xf32>, vector<128x128xf32>, vector<1000x128xf32> -> vector<1000x128xf32>
    %add3A_34 = arith.addf %dot_general3A_25, %dot_general3A_33 : vector<1000x128xf32>
    %get3A_35 = arith.constant 0 : index
    %get3A_36 = arith.constant 0 : index
    %get3A_37 = vector.load %arg5[%get3A_35, %get3A_36] : memref<1x128xf32, #tpu.memory_space<vmem>>, vector<1x128xf32>
    %add3A_38 = vector.broadcast %get3A_37 : vector<1x128xf32> to vector<1000x128xf32>
    %add3A_39 = arith.addf %add3A_34, %add3A_38 : vector<1000x128xf32>
    %mul3A = arith.mulf %add3A_39, %add3A_39 : vector<1000x128xf32>
    %reduce_sum3A = arith.constant dense<0.000000e+00> : vector<1000xf32>
    %reduce_sum3A_40 = vector.multi_reduction <add>, %mul3A, %reduce_sum3A [1] : vector<1000x128xf32> to vector<1000xf32>
    %broadcast_in_dim3A = vector.shape_cast %reduce_sum3A_40 : vector<1000xf32> to vector<1000x1xf32>
    %sqrt3A = math.sqrt %broadcast_in_dim3A : vector<1000x1xf32>
    %max3A_41 = arith.constant 9.99999996E-13 : f32
    %max3A_42 = vector.broadcast %max3A_41 : f32 to vector<1000x1xf32>
    %max3A_43 = arith.maximumf %sqrt3A, %max3A_42 : vector<1000x1xf32>
    %div3A_44 = vector.broadcast %max3A_43 : vector<1000x1xf32> to vector<1000x128xf32>
    %div3A_45 = arith.divf %add3A_39, %div3A_44 : vector<1000x128xf32>
    %max3A_46 = arith.constant 0.000000e+00 : f32
    %max3A_47 = vector.broadcast %max3A_46 : f32 to vector<1000x128xf32>
    %max3A_48 = arith.maximumf %div3A_45, %max3A_47 : vector<1000x128xf32>
    %swap3A = arith.constant 0 : index
    %swap3A_49 = arith.constant 0 : index
    %swap3A_50 = vector.load %arg7[%swap3A, %swap3A_49] : memref<1000x128xf32, #tpu.memory_space<vmem>>, vector<1000x128xf32>
    tpu.vector_store %arg7[%swap3A, %swap3A_49], %max3A_48 {strides = array<i32>} : memref<1000x128xf32, #tpu.memory_space<vmem>>, vector<1000x128xf32>,
    return
  }
  func.func @transform_0(%arg0: i32) -> (i32, i32, i32) {
    %c0_i32 = arith.constant 0 : i32
    %c0_i32_0 = arith.constant 0 : i32
    %c0_i32_1 = arith.constant 0 : i32
    return %c0_i32, %arg0, %c0_i32_0 : i32, i32, i32
  }
  func.func @transform_1(%arg0: i32) -> (i32, i32, i32) {
    %c0_i32 = arith.constant 0 : i32
    %c0_i32_0 = arith.constant 0 : i32
    %c0_i32_1 = arith.constant 0 : i32
    return %c0_i32, %arg0, %c0_i32_0 : i32, i32, i32
  }
  func.func @transform_2(%arg0: i32) -> (i32, i32) {
    %c0_i32 = arith.constant 0 : i32
    %c0_i32_0 = arith.constant 0 : i32
    return %arg0, %c0_i32 : i32, i32
  }
  func.func @transform_3(%arg0: i32) -> (i32, i32) {
    %c0_i32 = arith.constant 0 : i32
    %c0_i32_0 = arith.constant 0 : i32
    %c0_i32_1 = arith.constant 0 : i32
    return %c0_i32, %c0_i32_0 : i32, i32
  }
  func.func @transform_4(%arg0: i32) -> (i32, i32) {
    %c0_i32 = arith.constant 0 : i32
    %c0_i32_0 = arith.constant 0 : i32
    %c0_i32_1 = arith.constant 0 : i32
    return %c0_i32, %c0_i32_0 : i32, i32
  }
  func.func @transform_5(%arg0: i32) -> (i32, i32) {
    %c0_i32 = arith.constant 0 : i32
    %c0_i32_0 = arith.constant 0 : i32
    %c0_i32_1 = arith.constant 0 : i32
    return %c0_i32, %c0_i32_0 : i32, i32
  }
  func.func @transform_6(%arg0: i32) -> (i32, i32) {
    %c0_i32 = arith.constant 0 : i32
    %c0_i32_0 = arith.constant 0 : i32
    return %arg0, %c0_i32 : i32, i32
  }
}

module attributes {stable_mosaic.version = 14 : i64} {
  func.func @_dense2_body(%arg0: i32, %arg1: memref<2x1000x128xf32, #tpu.memory_space<vmem>>, %arg2: memref<2x1000x128xf32, #tpu.memory_space<vmem>>, %arg3: memref<1000x128xf32, #tpu.memory_space<vmem>>, %arg4: memref<128x128xf32, #tpu.memory_space<vmem>>, %arg5: memref<1x128xf32, #tpu.memory_space<vmem>>, %arg6: memref<128x128xf32, #tpu.memory_space<vmem>>, %arg7: memref<128x128xf32, #tpu.memory_space<vmem>>, %arg8: memref<1x128xf32, #tpu.memory_space<vmem>>, %arg9: memref<1000x128xf32, #tpu.memory_space<vmem>>) attributes {dimension_semantics = [#tpu.dimension_semantics<arbitrary>], iteration_bounds = array<i64: 10>, scalar_prefetch = 0 : i64, scratch_operands = 0 : i64, tpu.core_type = #tpu.core_type<tc>, window_params = [{transform_indices = @transform_0, window_bounds = array<i64: 2, 1000, 128>}, {transform_indices = @transform_1, window_bounds = array<i64: 2, 1000, 128>}, {transform_indices = @transform_2, window_bounds = array<i64: 1000, 128>}, {pipeline_mode = #tpu.pipeline_mode<synchronous>, transform_indices = @transform_3, window_bounds = array<i64: 128, 128>}, {pipeline_mode = #tpu.pipeline_mode<synchronous>, transform_indices = @transform_4, window_bounds = array<i64: 1, 128>}, {pipeline_mode = #tpu.pipeline_mode<synchronous>, transform_indices = @transform_5, window_bounds = array<i64: 128, 128>}, {pipeline_mode = #tpu.pipeline_mode<synchronous>, transform_indices = @transform_6, window_bounds = array<i64: 128, 128>}, {pipeline_mode = #tpu.pipeline_mode<synchronous>, transform_indices = @transform_7, window_bounds = array<i64: 1, 128>}, {transform_indices = @transform_8, window_bounds = array<i64: 1000, 128>}]} {
    %get3A = arith.constant 0 : index
    %get3A_0 = arith.constant 0 : index
    %get3A_1 = arith.constant 0 : index
    %get3A_2 = vector.load %arg2[%get3A, %get3A_0, %get3A_1] : memref<2x1000x128xf32, #tpu.memory_space<vmem>>, vector<1x1000x128xf32>
    %get3A_3 = vector.shape_cast %get3A_2 : vector<1x1000x128xf32> to vector<1000x128xf32>
    %get3A_4 = arith.constant 1 : index
    %get3A_5 = arith.constant 0 : index
    %get3A_6 = arith.constant 0 : index
    %get3A_7 = vector.load %arg2[%get3A_4, %get3A_5, %get3A_6] : memref<2x1000x128xf32, #tpu.memory_space<vmem>>, vector<1x1000x128xf32>
    %get3A_8 = vector.shape_cast %get3A_7 : vector<1x1000x128xf32> to vector<1000x128xf32>
    %add3A = arith.addf %get3A_3, %get3A_8 : vector<1000x128xf32>
    %get3A_9 = arith.constant 0 : index
    %get3A_10 = arith.constant 0 : index
    %get3A_11 = arith.constant 0 : index
    %get3A_12 = vector.load %arg1[%get3A_9, %get3A_10, %get3A_11] : memref<2x1000x128xf32, #tpu.memory_space<vmem>>, vector<1x1000x128xf32>
    %get3A_13 = vector.shape_cast %get3A_12 : vector<1x1000x128xf32> to vector<1000x128xf32>
    %get3A_14 = arith.constant 1 : index
    %get3A_15 = arith.constant 0 : index
    %get3A_16 = arith.constant 0 : index
    %get3A_17 = vector.load %arg1[%get3A_14, %get3A_15, %get3A_16] : memref<2x1000x128xf32, #tpu.memory_space<vmem>>, vector<1x1000x128xf32>
    %get3A_18 = vector.shape_cast %get3A_17 : vector<1x1000x128xf32> to vector<1000x128xf32>
    %add3A_19 = arith.addf %get3A_13, %get3A_18 : vector<1000x128xf32>
    %max3A = arith.constant 1.000000e+00 : f32
    %max3A_20 = vector.broadcast %max3A : f32 to vector<1000x128xf32>
    %max3A_21 = arith.maximumf %add3A, %max3A_20 : vector<1000x128xf32>
    %div3A = arith.divf %add3A_19, %max3A_21 : vector<1000x128xf32>
    %get3A_22 = arith.constant 0 : index
    %get3A_23 = arith.constant 0 : index
    %get3A_24 = vector.load %arg4[%get3A_22, %get3A_23] : memref<128x128xf32, #tpu.memory_space<vmem>>, vector<128x128xf32>
    %dot_general3A = arith.constant dense<0.000000e+00> : vector<1000x128xf32>
    %dot_general3A_25 = tpu.matmul %div3A, %get3A_24, %dot_general3A {dimension_numbers = #tpu.dot_dimension_numbers<[1], [0], [0], [1], [0, 0, 1, 1], [], []>, transpose_lhs_hint = false} : vector<1000x128xf32>, vector<128x128xf32>, vector<1000x128xf32> -> vector<1000x128xf32>
    %get3A_26 = arith.constant 0 : index
    %get3A_27 = arith.constant 0 : index
    %get3A_28 = vector.load %arg3[%get3A_26, %get3A_27] : memref<1000x128xf32, #tpu.memory_space<vmem>>, vector<1000x128xf32>
    %get3A_29 = arith.constant 0 : index
    %get3A_30 = arith.constant 0 : index
    %get3A_31 = vector.load %arg6[%get3A_29, %get3A_30] : memref<128x128xf32, #tpu.memory_space<vmem>>, vector<128x128xf32>
    %dot_general3A_32 = arith.constant dense<0.000000e+00> : vector<1000x128xf32>
    %dot_general3A_33 = tpu.matmul %get3A_28, %get3A_31, %dot_general3A_32 {dimension_numbers = #tpu.dot_dimension_numbers<[1], [0], [0], [1], [0, 0, 1, 1], [], []>, transpose_lhs_hint = false} : vector<1000x128xf32>, vector<128x128xf32>, vector<1000x128xf32> -> vector<1000x128xf32>
    %add3A_34 = arith.addf %dot_general3A_25, %dot_general3A_33 : vector<1000x128xf32>
    %get3A_35 = arith.constant 0 : index
    %get3A_36 = arith.constant 0 : index
    %get3A_37 = vector.load %arg5[%get3A_35, %get3A_36] : memref<1x128xf32, #tpu.memory_space<vmem>>, vector<1x128xf32>
    %add3A_38 = vector.broadcast %get3A_37 : vector<1x128xf32> to vector<1000x128xf32>
    %add3A_39 = arith.addf %add3A_34, %add3A_38 : vector<1000x128xf32>
    %mul3A = arith.mulf %add3A_39, %add3A_39 : vector<1000x128xf32>
    %reduce_sum3A = arith.constant dense<0.000000e+00> : vector<1000xf32>
    %reduce_sum3A_40 = vector.multi_reduction <add>, %mul3A, %reduce_sum3A [1] : vector<1000x128xf32> to vector<1000xf32>
    %broadcast_in_dim3A = vector.shape_cast %reduce_sum3A_40 : vector<1000xf32> to vector<1000x1xf32>
    %sqrt3A = math.sqrt %broadcast_in_dim3A : vector<1000x1xf32>
    %max3A_41 = arith.constant 9.99999996E-13 : f32
    %max3A_42 = vector.broadcast %max3A_41 : f32 to vector<1000x1xf32>
    %max3A_43 = arith.maximumf %sqrt3A, %max3A_42 : vector<1000x1xf32>
    %div3A_44 = vector.broadcast %max3A_43 : vector<1000x1xf32> to vector<1000x128xf32>
    %div3A_45 = arith.divf %add3A_39, %div3A_44 : vector<1000x128xf32>
    %get3A_46 = arith.constant 0 : index
    %get3A_47 = arith.constant 0 : index
    %get3A_48 = vector.load %arg7[%get3A_46, %get3A_47] : memref<128x128xf32, #tpu.memory_space<vmem>>, vector<128x128xf32>
    %dot_general3A_49 = arith.constant dense<0.000000e+00> : vector<1000x128xf32>
    %dot_general3A_50 = tpu.matmul %div3A_45, %get3A_48, %dot_general3A_49 {dimension_numbers = #tpu.dot_dimension_numbers<[1], [0], [0], [1], [0, 0, 1, 1], [], []>, transpose_lhs_hint = false} : vector<1000x128xf32>, vector<128x128xf32>, vector<1000x128xf32> -> vector<1000x128xf32>
    %get3A_51 = arith.constant 0 : index
    %get3A_52 = arith.constant 0 : index
    %get3A_53 = vector.load %arg8[%get3A_51, %get3A_52] : memref<1x128xf32, #tpu.memory_space<vmem>>, vector<1x128xf32>
    %add3A_54 = vector.broadcast %get3A_53 : vector<1x128xf32> to vector<1000x128xf32>
    %add3A_55 = arith.addf %dot_general3A_50, %add3A_54 : vector<1000x128xf32>
    %reduce_max3A = arith.constant dense<0xFF800000> : vector<1000xf32>
    %reduce_max3A_56 = vector.multi_reduction <maximumf>, %add3A_55, %reduce_max3A [1] : vector<1000x128xf32> to vector<1000xf32>
    %broadcast_in_dim3A_57 = vector.shape_cast %reduce_max3A_56 : vector<1000xf32> to vector<1000x1xf32>
    %sub3A = vector.broadcast %broadcast_in_dim3A_57 : vector<1000x1xf32> to vector<1000x128xf32>
    %sub3A_58 = arith.subf %add3A_55, %sub3A : vector<1000x128xf32>
    %exp3A = math.exp %sub3A_58 : vector<1000x128xf32>
    %reduce_sum3A_59 = arith.constant dense<0.000000e+00> : vector<1000xf32>
    %reduce_sum3A_60 = vector.multi_reduction <add>, %exp3A, %reduce_sum3A_59 [1] : vector<1000x128xf32> to vector<1000xf32>
    %broadcast_in_dim3A_61 = vector.shape_cast %reduce_sum3A_60 : vector<1000xf32> to vector<1000x1xf32>
    %div3A_62 = vector.broadcast %broadcast_in_dim3A_61 : vector<1000x1xf32> to vector<1000x128xf32>
    %div3A_63 = arith.divf %exp3A, %div3A_62 : vector<1000x128xf32>
    %swap3A = arith.constant 0 : index
    %swap3A_64 = arith.constant 0 : index
    %swap3A_65 = vector.load %arg9[%swap3A, %swap3A_64] : memref<1000x128xf32, #tpu.memory_space<vmem>>, vector<1000x128xf32>
    tpu.vector_store %arg9[%swap3A, %swap3A_64], %div3A_63 {strides = array<i32>} : memref<1000x128xf32, #tpu.memory_space<vmem>>, vector<1000x128xf32>,
    return
  }
  func.func @transform_0(%arg0: i32) -> (i32, i32, i32) {
    %c0_i32 = arith.constant 0 : i32
    %c0_i32_0 = arith.constant 0 : i32
    %c0_i32_1 = arith.constant 0 : i32
    return %c0_i32, %arg0, %c0_i32_0 : i32, i32, i32
  }
  func.func @transform_1(%arg0: i32) -> (i32, i32, i32) {
    %c0_i32 = arith.constant 0 : i32
    %c0_i32_0 = arith.constant 0 : i32
    %c0_i32_1 = arith.constant 0 : i32
    return %c0_i32, %arg0, %c0_i32_0 : i32, i32, i32
  }
  func.func @transform_2(%arg0: i32) -> (i32, i32) {
    %c0_i32 = arith.constant 0 : i32
    %c0_i32_0 = arith.constant 0 : i32
    return %arg0, %c0_i32 : i32, i32
  }
  func.func @transform_3(%arg0: i32) -> (i32, i32) {
    %c0_i32 = arith.constant 0 : i32
    %c0_i32_0 = arith.constant 0 : i32
    %c0_i32_1 = arith.constant 0 : i32
    return %c0_i32, %c0_i32_0 : i32, i32
  }
  func.func @transform_4(%arg0: i32) -> (i32, i32) {
    %c0_i32 = arith.constant 0 : i32
    %c0_i32_0 = arith.constant 0 : i32
    %c0_i32_1 = arith.constant 0 : i32
    return %c0_i32, %c0_i32_0 : i32, i32
  }
  func.func @transform_5(%arg0: i32) -> (i32, i32) {
    %c0_i32 = arith.constant 0 : i32
    %c0_i32_0 = arith.constant 0 : i32
    %c0_i32_1 = arith.constant 0 : i32
    return %c0_i32, %c0_i32_0 : i32, i32
  }
  func.func @transform_6(%arg0: i32) -> (i32, i32) {
    %c0_i32 = arith.constant 0 : i32
    %c0_i32_0 = arith.constant 0 : i32
    %c0_i32_1 = arith.constant 0 : i32
    return %c0_i32, %c0_i32_0 : i32, i32
  }
  func.func @transform_7(%arg0: i32) -> (i32, i32) {
    %c0_i32 = arith.constant 0 : i32
    %c0_i32_0 = arith.constant 0 : i32
    %c0_i32_1 = arith.constant 0 : i32
    return %c0_i32, %c0_i32_0 : i32, i32
  }
  func.func @transform_8(%arg0: i32) -> (i32, i32) {
    %c0_i32 = arith.constant 0 : i32
    %c0_i32_0 = arith.constant 0 : i32
    return %arg0, %c0_i32 : i32, i32
  }
}

</mosaic_0001>

<sc_bundles>
// kernel: kernel.10.cloned.1.call-start
scs
__scs_entry_jumppad:
0x0: {  	(pc) =	sbr.rel $0x88, $3  }
0x1: {  	(tag) =	ssettag $0x0;
	lr =	simm.s32 $0x1  }
0x2: {  	[smem:$0x3F97] =	sst lr;
	_ =	strace $0xD0000000  }
0x3: {  	_ = 	snop  }
0x4: {  	_ = 	snop  }
0x5: {  	_ = 	snop  }
0x6: {  	_ = 	snop  }
0x7: {  	_ = 	snop  }
__scs_overlays_trampoline_lowered:
0x8: {  	[smem:$0x3FA6] =	sst s0  }
0x9: {  	[smem:$0x3FA7] =	sst s1  }
0xa: {  	[smem:$0x3FA8] =	sst s2  }
0xb: {  	[smem:$0x3FA9] =	sst s3  }
0xc: {  	[smem:$0x3FAA] =	sst s4  }
0xd: {  	[smem:$0x3FAB] =	sst s5  }
0xe: {  	[smem:$0x3FAC] =	sst s6  }
0xf: {  	[smem:$0x3FAD] =	sst s7  }
0x10: {  	[smem:$0x3FAE] =	sst s8  }
0x11: {  	[smem:$0x3FAF] =	sst s9;
	s0 =	simm.s32 @!p0 $0x0  }
0x12: {  	s1 =	sld [smem:$0x3F95];
	s0 =	simm.s32 @p0 $0x1  }
0x13: {  	[smem:$0x3FB0] =	sst s0;
	s0 =	simm.s32 @!p1 $0x0  }
0x14: {  	s2 =	sld [smem:$0x3F94];
	s0 =	simm.s32 @p1 $0x1  }
0x15: {  	[smem:$0x3FB1] =	sst s0;
	s0 =	simm.s32 @!p2 $0x0  }
0x16: {  	s3 =	sld [smem:$0x3FDB];
	s0 =	simm.s32 @p2 $0x1  }
0x17: {  	s4 =	simm.s32 $0x1BF5;
	[smem:$0x3FB3] =	sst s0  }
0x18: {  	s0 =	sld [smem:$0x3F96];
	_ =	swait.ge [sflag:s4], $0x0  }
0x19: {  	s7 =	sld [smem:$0x3F97]  }
0x1a: {  	s8 =	sadd.s32 $0xFFFFE003, lr  }
0x1b: {  	s9 =	sadd.s32 $0xFFFFFEF7, lr;
	s5 =	simm.s32 $0xFFFFFFFF;
	p2 =	slt.u32 s8, $0xFFFFF086  }
0x1c: {  	p1 =	slt.u32 s9, $0xF7A;
	s5 =	simm.s32 @!p2 $0x0  }
0x1d: {  	s5 =	simm.s32 @p1 $0x1;
	p0 =	seq.s32 s7, s2  }
0x1e: {  	s7 =	smul.u32 @!p0 $0xF7A, s2;
	p2 =	seq.s32 @!p0 s5, $0x0  }
0x1f: {  	s9 =	smul.u32 $0xF7A, s1;
	s8 =	simm.s32 @!p0 $0x1BF5;
	p2 =	por !p2, p0  }
0x20: {  	[sflag:s8] =	ssyncset.s32 @!p0 $0xFFFFF086;
	s6 =	sadd.s32 @!p0 s3, s7;
	s7 =	simm.s32 @!p0 $0x108  }
0x21: {  	s3 =	sadd.s32 s3, s9;
	s6 =	sadd.s32 @!p0 $0x88, s6;
	s7 =	simm.s32 @p2 $0x1082  }
0x22: {  	[simem:s7], [sflag:s8] =	dma.local @!p0 [hbm:s6], $0xF7A  }
0x23: {  	s9 =	sor.u32 $0xD0000000, s2;
	s6 =	simm.s32 $0x108;
	_ =	swait.ge @!p0 [sflag:s8], $0x0  }
0x24: {  	s3 =	sadd.s32 $0x88, s3;
	s6 =	simm.s32 @!p1 $0x1082;
	[sflag:s4] =	ssyncset.s32 $0xFFFFF086  }
0x25: {  	[simem:s6], [sflag:s4] =	dma.local [hbm:s3], $0xF7A  }
0x26: {  	[smem:$0x3F97] =	sst s1;
	(tag) =	ssettag s2;
	_ =	strace s9  }
0x27: {  	s1 =	sld [smem:$0x3FA7]  }
0x28: {  	s2 =	sld [smem:$0x3FA8]  }
0x29: {  	s4 =	sld [smem:$0x3FAA]  }
0x2a: {  	p0 =	seq.s32 s5, $0x0;
	s5 =	sld [smem:$0x3FAB]  }
0x2b: {  	s6 =	sld [smem:$0x3FAC]  }
0x2c: {  	s7 =	sld [smem:$0x3FAD]  }
0x2d: {  	s3 =	simm.s32 $0x108;
	s8 =	sld [smem:$0x3FAE]  }
0x2e: {  	s3 =	simm.s32 @!p0 $0x1082;
	s9 =	sld [smem:$0x3FAF]  }
0x2f: {  	lr =	sadd.s32 s0, s3;
	s0 =	sld [smem:$0x3FA6]  }
0x30: {  	s3 =	sld [smem:$0x3FA9]  }
0x31: {  	[smem:$0x3FB2] =	sst s10  }
0x32: {  	s10 =	sld [smem:$0x3FB0];
	_ =	sdelay $0x3  }
0x33: {  	p0 =	seq.s32 s10, $0x1;
	s10 =	sld [smem:$0x3FB2];
	_ =	sdelay $0x3  }
0x34: {  	[smem:$0x3FB2] =	sst s10  }
0x35: {  	s10 =	sld [smem:$0x3FB1];
	_ =	sdelay $0x3  }
0x36: {  	p1 =	seq.s32 s10, $0x1;
	s10 =	sld [smem:$0x3FB2];
	_ =	sdelay $0x3  }
0x37: {  	[smem:$0x3FB2] =	sst s10  }
0x38: {  	s10 =	sld [smem:$0x3FB3]  }
0x39: {  	_ = 	snop;
	(pc) =	sbr.ind lr, $3  }
0x3a: {  	_ = 	snop  }
0x3b: {  	_ = 	snop  }
0x3c: {  	p2 =	seq.s32 s10, $0x1;
	s10 =	sld [smem:$0x3FB2]  }
0x3d: {  	_ =	shalt  }
0x3e: {  	_ =	shalt  }
0x3f: {  	_ =	shalt  }
0x40: {  	_ =	shalt  }
0x41: {  	_ =	shalt  }
0x42: {  	_ =	shalt  }
0x43: {  	_ =	shalt  }
0x44: {  	_ =	shalt  }
0x45: {  	_ =	shalt  }
0x46: {  	_ =	shalt  }
0x47: {  	_ =	shalt  }
0x48: {  	_ =	shalt  }
0x49: {  	_ =	shalt  }
0x4a: {  	_ =	shalt  }
0x4b: {  	_ =	shalt  }
0x4c: {  	_ =	shalt  }
0x4d: {  	_ =	shalt  }
0x4e: {  	_ =	shalt  }
0x4f: {  	_ =	shalt  }
0x50: {  	_ =	shalt  }
0x51: {  	_ =	shalt  }
0x52: {  	_ =	shalt  }
0x53: {  	_ =	shalt  }
0x54: {  	_ =	shalt  }
0x55: {  	_ =	shalt  }
0x56: {  	_ =	shalt  }
0x57: {  	_ =	shalt  }
0x58: {  	_ =	shalt  }
0x59: {  	_ =	shalt  }
0x5a: {  	_ =	shalt  }
0x5b: {  	_ =	shalt  }
0x5c: {  	_ =	shalt  }
0x5d: {  	_ =	shalt  }
0x5e: {  	_ =	shalt  }
0x5f: {  	_ =	shalt  }
0x60: {  	_ =	shalt  }
0x61: {  	_ =	shalt  }
0x62: {  	_ =	shalt  }
0x63: {  	_ =	shalt  }
0x64: {  	_ =	shalt  }
0x65: {  	_ =	shalt  }
0x66: {  	_ =	shalt  }
0x67: {  	_ =	shalt  }
0x68: {  	_ =	shalt  }
0x69: {  	_ =	shalt  }
0x6a: {  	_ =	shalt  }
0x6b: {  	_ =	shalt  }
0x6c: {  	_ =	shalt  }
0x6d: {  	_ =	shalt  }
0x6e: {  	_ =	shalt  }
0x6f: {  	_ =	shalt  }
0x70: {  	_ =	shalt  }
0x71: {  	_ =	shalt  }
0x72: {  	_ =	shalt  }
0x73: {  	_ =	shalt  }
0x74: {  	_ =	shalt  }
0x75: {  	_ =	shalt  }
0x76: {  	_ =	shalt  }
0x77: {  	_ =	shalt  }
0x78: {  	_ =	shalt  }
0x79: {  	_ =	shalt  }
0x7a: {  	_ =	shalt  }
0x7b: {  	_ =	shalt  }
0x7c: {  	_ =	shalt  }
0x7d: {  	_ =	shalt  }
0x7e: {  	_ =	shalt  }
0x7f: {  	_ =	shalt  }
0x80: {  	_ =	shalt  }
0x81: {  	_ =	shalt  }
0x82: {  	_ =	shalt  }
0x83: {  	_ =	shalt  }
0x84: {  	_ =	shalt  }
0x85: {  	_ =	shalt  }
0x86: {  	_ =	shalt  }
0x87: {  	_ =	shalt  }
.Lfunc_end0:
.L_simem_size_0:
called_computation.1_lowered:
.L_overlay_start_0:
0x88: {  	s2 =	sld [smem:$0x3FD9]  }
0x89: {  	s3 =	sld [smem:$0x3FFE];
	_ =	sdelay $0x1  }
0x8a: {  	s1 =	srdreg.scid  }
0x8b: {  	s0 =	sand.u32 $0x1, s1  }
0x8c: {  	s17 =	sshll.u32 s0, $0xA;
	s2 =	sadd.s32 s3, s2  }
0x8d: {  	s2 =	sadd.s32 s2, s17  }
0x8e: {  	[smem:$0x3FBE] =	sst s2  }
0x8f: {  	_ = 	snop  }
0x90: {  	s18 =	sld [smem:$0x3FD0];
	(tm) =	ssettm $0x1  }
0x91: {  	s19 =	sld [smem:$0x3FFB];
	_ =	sdelay $0x3  }
0x92: {  	_ =	strace s19  }
0x93: {  	s2 =	sld [smem:$0x3FFC];
	_ =	sdelay $0x3  }
0x94: {  	_ =	strace s2  }
0x95: {  	s2 =	sld [smem:$0x3FFD];
	_ =	sdelay $0x3  }
0x96: {  	_ =	strace s2  }
0x97: {  	_ =	strace $0x8FFFFFFF  }
0x98: {  	s20 =	sld [smem:$0x3FDB];
	_ =	sdelay $0x1  }
0x99: {  	s4 =	simm.s32 $_scs_section_size  }
0x9a: {  	s5 =	simm.s32 $_size__tile_overlayer_lowered;
	s6 =	simm.s32 $_tile_overlayer_lowered  }
0x9b: {  	s7 =	simm.s32 $0x1BFF;
	s21 =	sshll.u32 s6, $0x1;
	s4 =	sadd.s32 s4, s20  }
0x9c: {  	s22 =	simm.s32 $0x0;
	s5 =	sshll.u32 s5, $0x1;
	s6 =	sadd.s32 s21, s4  }
0x9d: {  	[timem:s22], [sflag:s7] =	dma.local [hbm:s6], s5  }
0x9e: {  	_ =	swait.ge [sflag:s7], s5  }
0x9f: {  	s5 =	ssub.s32 $0x0, s5;
	[sflag:s7] =	ssyncset.done $0x0  }
0xa0: {  	[sflag:s7] =	ssyncadd.s32 s5;
	_ =	sdelay $0x1  }
0xa1: {  	s23 =	simm.s32 $0x1B8B  }
0xa2: {  	_ =	swait.ge [sflag:s23], $0x1  }
0xa3: {  	[sflag:s23] =	ssyncset.done $0x0  }
0xa4: {  	[sflag:s23] =	ssyncadd.s32 $0xFFFFFFFF  }
0xa5: {  	s5 =	sld [smem:$0x0]  }
0xa6: {  	s6 =	sand.u32 $0xFFFFFFFE, s1  }
0xa7: {  	p0 =	sne.s32 s1, s6  }
0xa8: {  	s6 =	sshll.u32 @p0 s6, $0xE  }
0xa9: {  	s6 =	sadd.s32 @p0 $0x11B8D, s6;
	s7 =	sshll.u32 @p0 s5, $0x11  }
0xaa: {  	s6 =	sor.u32 @p0 s7, s6  }
0xab: {  	[sflag:s6] =	ssyncadd.remote.s32 @p0 $0x1;
	_ =	sdelay $0x1  }
0xac: {  	s6 =	simm.s32 @p0 $0x1B8D  }
0xad: {  	_ =	swait.eq @p0 [sflag:s6], $0x1  }
0xae: {  	[sflag:s6] =	ssyncadd.s32 @p0 $0xFFFFFFFF  }
0xaf: {  	s7 =	sshll.u32 @!p0 s1, $0xE  }
0xb0: {  	s7 =	sor.u32 @!p0 $0x4000, s7;
	s6 =	simm.s32 @!p0 $0x1B8D  }
0xb1: {  	s5 =	sshll.u32 @!p0 s5, $0x11;
	s7 =	sadd.s32 @!p0 $0x11B8D, s7;
	_ =	swait.eq @!p0 [sflag:s6], $0x1  }
0xb2: {  	s5 =	sor.u32 @!p0 s5, s7;
	[sflag:s6] =	ssyncadd.s32 @!p0 $0xFFFFFFFF  }
0xb3: {  	s25 =	simm.s32 $0x1B8E;
	s24 =	sld [smem:$0x3FFE];
	[sflag:s5] =	ssyncadd.remote.s32 @!p0 $0x1  }
0xb4: {  	s26 =	simm.s32 $execute0_lowered;
	[smem:$0x3FD2] =	sst s25  }
0xb5: {  	s6 =	sshll.u32 s26, $0x1;
	_ =	strace $0x80000049;
	[dreg:$0x1] =	wrdreg $0xFFFFFFFF  }
0xb6: {  	s28 =	simm.s32 $_size_execute0_lowered;
	s4 =	sadd.s32 s4, s6;
	[dreg:$0x0] =	wrdreg $0x0  }
0xb7: {  	s6 =	sshll.u32 s28, $0x1;
	[dreg:$0x2] =	wrdreg s4  }
0xb8: {  	[dreg:$0x3] =	wrdreg s6  }
0xb9: {  	[dreg:$0x4] =	wrdreg $0xC0  }
0xba: {  	_ =	task [dreg:s22], $0x5FFFF  }
0xbb: {  	[dreg:$0x1] =	wrdreg $0xFFFFFFFF  }
0xbc: {  	[dreg:$0x0] =	wrdreg $0x60  }
0xbd: {  	[dreg:$0x2] =	wrdreg s18  }
0xbe: {  	[dreg:$0x3] =	wrdreg s24  }
0xbf: {  	[dreg:$0x4] =	wrdreg $0x41000  }
0xc0: {  	[dreg:$0x5] =	wrdreg $0xA  }
0xc1: {  	_ =	task.clear_ibuf [dreg:s22], $0x6FFFF;
	_ =	strace $0x90000049  }
0xc2: {  	s29 =	simm.s32 $0xA;
	_ =	strace $0x8000004B  }
0xc3: {  	_ =	swait.ge [sflag:s29], $0x1  }
0xc4: {  	[sflag:s29] =	ssyncadd.s32 $0xFFFFFFFF  }
0xc5: {  	_ =	strace $0x9000004B  }
0xc6: {  	_ =	sfence  }
0xc7: {  	s30 =	sld [smem:$0x0];
	_ =	sdelay $0x2  }
0xc8: {  	s31 =	sshll.u32 s1, $0xD;
	s1 =	sshrl.u32 s1, $0x2  }
0xc9: {  	s4 =	sand.u32 $0x4000, s31;
	s1 =	sadd.s32 s1, s30  }
0xca: {  	s0 =	sor.u32 s4, s0;
	s1 =	sshll.u32 s1, $0x11  }
0xcb: {  	s0 =	sor.u32 s1, s0  }
0xcc: {  	s0 =	sadd.s32 $0x8F2B, s0  }
0xcd: {  	[sflag:s0] =	ssyncadd.remote.s32 $0x1  }
0xce: {  	_ =	sfence.sel $0xFFFF  }
0xcf: {  	[dreg:$0x0] =	wrdreg $0xFFFFFFFF;
	(pc) =	sbr.abs _section_cstart, $3  }
0xd0: {  	[dreg:$0x1] =	wrdreg $0xFFFFFFFF  }
0xd1: {  	_ =	task.clear_ibuf [dreg:s22], $0x2FFFF;
	_ =	strace $0x9FFFFFFF  }
0xd2: {  	(tm) =	ssettm $0x7FFFFFFF  }
0xd3: {  	_ =	shalt  }
tec
execute0_lowered:
.L_overlay_start_1:
0x0: {  	(tag) =	ssettag $0x1  }
0x1: {  	s18 =	rddreg [dreg:$0x0]  }
0x2: {  	s4 =	rddreg [dreg:$0x1]  }
0x3: {  	s1 =	rddreg [dreg:$0x2];
	s2 =	srdreg.scid  }
0x4: {  	s0 =	rddreg [dreg:$0x3];
	s3 =	simm.s32 $0x0;
	s5 =	sand.u32 $0x1, s2  }
0x5: {  	s21 =	simm.s32 $0x3;
	s2 =	stileid.u32;
	s6 =	smul.u32 $0x140000, s5  }
0x6: {  	s22 =	simm.s32 $0x1;
	s23 =	simm.s32 $0x2;
	s7 =	smul.u32 $0x14000, s2  }
0x7: {  	s24 =	simm.s32 $0x0;
	[smem:$0x7FF] =	sst s3;
	s26 =	smul.u32 $0x50000, s2  }
0x8: {  	_ =	strace $0x8000004A;
	s8 =	sshll.u32 s5, $0x4;
	s28 =	smul.u32 $0x28000, s5  }
0x9: {  	s25 =	ssub.s32 $0x2, s5;
	s30 =	smul.u32 $0x2800, s2;
	s8 =	sor.u32 s2, s8  }
0xa: {  	s9 =	sshrl.u32 s25, $0x1;
	s6 =	sadd.s32 s7, s6;
	s10 =	smul.u32 $0x2800, s8  }
0xb: {  	s13 =	ssub.s32 s25, s9;
	p0 =	seq.s32 s8, $0x1F;
	s16 =	sadd.s32 s30, s28  }
0xc: {  	s6 =	sshrl.u32 s6, $0x3;
	s14 =	sor.u32 $0x280, s16;
	s13 =	smax.u32 s13, $0x1  }
0xd: {  	s31 =	sor.u32 $0x200, s16;
	s19 =	sor.u32 $0x100, s16;
	s16 =	sor.u32 $0x180, s16  }
0xe: {  	s12 =	sadd.s32 s6, s4;
	s4 =	simm.s32 $0x14;
	s29 =	sshrl.u32 s10, $0x3  }
0xf: {  	s6 =	sshrl.u32 s26, $0x2;
	s14 =	sshrl.u32 s14, $0x3;
	s19 =	sshrl.u32 s19, $0x3  }
0x10: {  	s20 =	sshrl.u32 s16, $0x3;
	s4 =	simm.s32 @!p0 $0x50;
	s5 =	sadd.s32 s18, s29  }
0x11: {  	s6 =	sadd.s32 s6, s1;
	s12 =	sadd.s32 $0x5BC00, s12;
	s17 =	sadd.s32 s14, s18  }
0x12: {  	s7 =	sadd.s32 $0x10, s5;
	s8 =	sadd.s32 $0x4000, s6;
	s15 =	sshll.u32 s4, $0x4  }
0x13: {  	s14 =	sadd.s32 $0xFFFFFFE0, s15;
	s15 =	sadd.s32 $0xFFFFFFE0, s17;
	s17 =	sshrl.u32 s31, $0x3  }
0x14: {  	s9 =	sadd.s32 $0x8000, s6;
	s10 =	sadd.s32 $0xC000, s6;
	s17 =	sadd.s32 s17, s18  }
0x15: {  	s11 =	sadd.s32 $0x10000, s6;
	s16 =	sadd.s32 $0xFFFFFFE0, s17;
	s17 =	sadd.s32 s19, s18  }
0x16: {  	v0 =	vimm.f32 $0.0e+00;
	v1 =	vimm.f32 $1.000000000e+00;
	s18 =	sadd.s32 s20, s18;
	s19 =	simm.s32 $0x80;
	s20 =	simm.s32 $0x100  }
.LBB2_1:
0x17: {  	[tilespmem:s3], [sflag:$0x1] =	stream.linear.gather [hbm4b:s5+s3], $0x80, $0x38;
	[tilespmem:$0x18100] =	vst v63  }
0x18: {  	s25 =	simm.s32 $0x0;
	s26 =	simm.s32 $0x200  }
0x19: {  	[tilespmem:s19], [sflag:$0x2] =	stream.linear.gather [hbm4b:s7+s3], $0x80, $0x38;
	[tilespmem:$0x18100] =	vst v63  }
.LBB2_2:
0x1a: {  	p0 =	sne.s32 s26, $0xFE00;
	[tilespmem:s25+$0x170] =	vst v0  }
0x1b: {  	[tilespmem:s25+$0x100] =	vst v0  }
0x1c: {  	[tilespmem:s25+$0x110] =	vst v0  }
.Ltmp0:
0x1d: {  	[tilespmem:s25+$0x120] =	vst v0;
	(pc) =	sbr.rel @p0 .LBB2_2-.Ltmp0, $4  }
0x1e: {  	[tilespmem:s25+$0x130] =	vst v0  }
0x1f: {  	[tilespmem:s25+$0x140] =	vst v0  }
0x20: {  	[tilespmem:s25+$0x150] =	vst v0  }
0x21: {  	[tilespmem:s25+$0x160] =	vst v0;
	s25 =	sshra.s32 s26, $0x2;
	s26 =	sadd.s32 $0x200, s26  }
0x22: {  	[tilespmem:s25+$0x170] =	vst v0  }
0x23: {  	[tilespmem:s25+$0x100] =	vst v0  }
0x24: {  	[tilespmem:s25+$0x110] =	vst v0  }
0x25: {  	[tilespmem:s25+$0x120] =	vst v0  }
0x26: {  	[tilespmem:s25+$0x130] =	vst v0  }
0x27: {  	[tilespmem:s25+$0x140] =	vst v0  }
0x28: {  	[tilespmem:s25+$0x150] =	vst v0  }
0x29: {  	[tilespmem:s25+$0x160] =	vst v0  }
0x2a: {  	[spmem:s6] =	stream.linear.scatter [tilespmem:s20], [sflag:$0x3], $0x4000, $0x38;
	[tilespmem:$0x18100] =	vst v63  }
0x2b: {  	_ =	swait.ge [sflag:s21], $0x4000  }
0x2c: {  	[sflag:s21] =	ssyncset.done $0x0  }
0x2d: {  	[sflag:s21] =	ssyncadd.s32 $0xFFFFC000  }
0x2e: {  	[spmem:s8] =	stream.linear.scatter [tilespmem:s20], [sflag:$0x3], $0x4000, $0x38;
	[tilespmem:$0x18100] =	vst v63  }
0x2f: {  	_ =	swait.ge [sflag:s21], $0x4000  }
0x30: {  	[sflag:s21] =	ssyncset.done $0x0  }
0x31: {  	[sflag:s21] =	ssyncadd.s32 $0xFFFFC000  }
0x32: {  	[spmem:s9] =	stream.linear.scatter [tilespmem:s20], [sflag:$0x3], $0x4000, $0x38;
	[tilespmem:$0x18100] =	vst v63  }
0x33: {  	_ =	swait.ge [sflag:s21], $0x4000  }
0x34: {  	[sflag:s21] =	ssyncset.done $0x0  }
0x35: {  	[sflag:s21] =	ssyncadd.s32 $0xFFFFC000  }
0x36: {  	[spmem:s10] =	stream.linear.scatter [tilespmem:s20], [sflag:$0x3], $0x4000, $0x38;
	[tilespmem:$0x18100] =	vst v63  }
0x37: {  	_ =	swait.ge [sflag:s21], $0x4000  }
0x38: {  	[sflag:s21] =	ssyncset.done $0x0  }
0x39: {  	[sflag:s21] =	ssyncadd.s32 $0xFFFFC000  }
0x3a: {  	[spmem:s11] =	stream.linear.scatter [tilespmem:s20], [sflag:$0x3], $0x4000, $0x38;
	[tilespmem:$0x18100] =	vst v63  }
0x3b: {  	_ =	swait.ge [sflag:s21], $0x4000  }
0x3c: {  	[sflag:s21] =	ssyncset.done $0x0  }
0x3d: {  	s25 =	simm.s32 $0x0;
	s26 =	simm.s32 $0x200;
	[sflag:s21] =	ssyncadd.s32 $0xFFFFC000  }
.LBB2_4:
0x3e: {  	p0 =	sne.s32 s26, $0xFE00;
	[tilespmem:s25+$0x170] =	vst v1  }
0x3f: {  	[tilespmem:s25+$0x100] =	vst v1  }
0x40: {  	[tilespmem:s25+$0x110] =	vst v1  }
.Ltmp1:
0x41: {  	[tilespmem:s25+$0x120] =	vst v1;
	(pc) =	sbr.rel @p0 .LBB2_4-.Ltmp1, $4  }
0x42: {  	[tilespmem:s25+$0x130] =	vst v1  }
0x43: {  	[tilespmem:s25+$0x140] =	vst v1  }
0x44: {  	[tilespmem:s25+$0x150] =	vst v1  }
0x45: {  	[tilespmem:s25+$0x160] =	vst v1;
	s25 =	sshra.s32 s26, $0x2;
	s26 =	sadd.s32 $0x200, s26  }
0x46: {  	[tilespmem:s25+$0x170] =	vst v1  }
0x47: {  	[tilespmem:s25+$0x100] =	vst v1  }
0x48: {  	[tilespmem:s25+$0x110] =	vst v1  }
0x49: {  	[tilespmem:s25+$0x120] =	vst v1  }
0x4a: {  	[tilespmem:s25+$0x130] =	vst v1  }
0x4b: {  	[tilespmem:s25+$0x140] =	vst v1  }
0x4c: {  	[tilespmem:s25+$0x150] =	vst v1  }
0x4d: {  	[tilespmem:s25+$0x160] =	vst v1  }
0x4e: {  	[bflag:$0x0] =	sbarrier.arrive $0xFFFF  }
0x4f: {  	_ =	swait.ge [sflag:s22], $0x80  }
0x50: {  	[sflag:s22] =	ssyncset.done $0x0  }
0x51: {  	[sflag:s22] =	ssyncadd.s32 $0xFFFFFF80  }
0x52: {  	[spmem:s1] =	stream.indirect.scatter.add.f32 [tilespmem:s20], [sflag:$0x3], $0x80, s3, s19, $0xb8;
	[tilespmem:$0x18100] =	vst v63  }
0x53: {  	_ =	swait.ge [sflag:s21], $0x4000  }
0x54: {  	p0 =	sle.u32 s4, $0x2;
	[sflag:s21] =	ssyncset.done $0x0  }
0x55: {  	s25 =	sadd.s32 @!p0 $0x0, s17;
	s26 =	simm.s32 @!p0 $0x0;
	[sflag:s21] =	ssyncadd.s32 $0xFFFFC000  }
0x56: {  	[tilespmem:s26], [sflag:$0x1] =	stream.linear.gather @!p0 [hbm4b:s25+s26], $0x80, $0x38;
	[tilespmem:$0x18100] =	vst v63  }
0x57: {  	p0 =	sne.s32 s14, $0x20;
	_ =	swait.ge [sflag:s23], $0x80  }
.Ltmp2:
0x58: {  	[sflag:s23] =	ssyncset.done $0x0;
	(pc) =	sbr.rel @!p0 .LBB2_7-.Ltmp2, $4  }
0x59: {  	p1 =	sle.u32 s4, $0x3;
	[sflag:s23] =	ssyncadd.s32 $0xFFFFFF80  }
0x5a: {  	[spmem:s1] =	stream.indirect.scatter.add.f32 [tilespmem:s20], [sflag:$0x3], $0x80, s19, s19, $0xb8;
	[tilespmem:$0x18100] =	vst v63  }
0x5b: {  	s28 =	sadd.s32 @!p1 $0x0, s18;
	s29 =	simm.s32 @!p1 $0x0;
	_ =	swait.ge [sflag:s21], $0x4000  }
0x5c: {  	s25 =	simm.s32 $0x20;
	s26 =	simm.s32 $0x5;
	[sflag:s21] =	ssyncset.done $0x0  }
.LBB2_6:
0x5d: {  	[sflag:s21] =	ssyncadd.s32 $0xFFFFC000  }
0x5e: {  	s30 =	simm.s32 @!p1 $0x80;
	s31 =	smov.u32 s25;
	s25 =	sadd.s32 $0x20, s25  }
0x5f: {  	[tilespmem:s30], [sflag:$0x2] =	stream.linear.gather @!p1 [hbm4b:s28+s29], $0x80, $0x38;
	[tilespmem:$0x18100] =	vst v63  }
0x60: {  	p0 =	sne.s32 s14, s25;
	_ =	swait.ge [sflag:s22], $0x80  }
0x61: {  	[sflag:s22] =	ssyncset.done $0x0  }
0x62: {  	s28 =	sadd.s32 $0xFFFFFFFF, s26;
	[sflag:s22] =	ssyncadd.s32 $0xFFFFFF80  }
0x63: {  	[spmem:s1] =	stream.indirect.scatter.add.f32 [tilespmem:s20], [sflag:$0x3], $0x80, s3, s19, $0xb8;
	[tilespmem:$0x18100] =	vst v63  }
0x64: {  	p1 =	sge.u32 s28, s4;
	_ =	swait.ge [sflag:s21], $0x4000  }
0x65: {  	s28 =	sadd.s32 @!p1 s31, s17;
	s29 =	simm.s32 @!p1 $0x0;
	[sflag:s21] =	ssyncset.done $0x0  }
0x66: {  	[sflag:s21] =	ssyncadd.s32 $0xFFFFC000  }
0x67: {  	[tilespmem:s29], [sflag:$0x1] =	stream.linear.gather @!p1 [hbm4b:s28+s29], $0x80, $0x38;
	[tilespmem:$0x18100] =	vst v63  }
0x68: {  	_ =	swait.ge [sflag:s23], $0x80  }
.Ltmp3:
0x69: {  	[sflag:s23] =	ssyncset.done $0x0;
	(pc) =	sbr.rel @p0 .LBB2_6-.Ltmp3, $4  }
0x6a: {  	[sflag:s23] =	ssyncadd.s32 $0xFFFFFF80  }
0x6b: {  	[spmem:s1] =	stream.indirect.scatter.add.f32 [tilespmem:s20], [sflag:$0x3], $0x80, s19, s19, $0xb8;
	[tilespmem:$0x18100] =	vst v63  }
0x6c: {  	p1 =	sge.u32 s26, s4;
	s26 =	sadd.s32 $0x2, s26;
	_ =	swait.ge [sflag:s21], $0x4000  }
0x6d: {  	s28 =	sadd.s32 @!p1 s31, s18;
	s29 =	simm.s32 @!p1 $0x0;
	[sflag:s21] =	ssyncset.done $0x0  }
.LBB2_7:
0x6e: {  	[sflag:s21] =	ssyncadd.s32 $0xFFFFC000;
	s30 =	simm.s32 @!p1 $0x80  }
0x6f: {  	[tilespmem:s30], [sflag:$0x2] =	stream.linear.gather @!p1 [hbm4b:s28+s29], $0x80, $0x38;
	[tilespmem:$0x18100] =	vst v63  }
0x70: {  	_ =	swait.ge [sflag:s22], $0x80  }
0x71: {  	[sflag:s22] =	ssyncset.done $0x0  }
0x72: {  	[sflag:s22] =	ssyncadd.s32 $0xFFFFFF80  }
0x73: {  	[spmem:s1] =	stream.indirect.scatter.add.f32 [tilespmem:s20], [sflag:$0x3], $0x80, s3, s19, $0xb8;
	[tilespmem:$0x18100] =	vst v63  }
0x74: {  	s29 =	sadd.s32 $0xFFFFFFFF, s26;
	_ =	swait.ge [sflag:s21], $0x4000  }
0x75: {  	p0 =	sge.u32 s29, s4;
	[sflag:s21] =	ssyncset.done $0x0  }
0x76: {  	s28 =	sadd.s32 @!p0 s25, s16;
	s29 =	simm.s32 @!p0 $0x0;
	[sflag:s21] =	ssyncadd.s32 $0xFFFFC000  }
0x77: {  	[tilespmem:s29], [sflag:$0x1] =	stream.linear.gather @!p0 [hbm4b:s28+s29], $0x80, $0x38;
	[tilespmem:$0x18100] =	vst v63  }
0x78: {  	_ =	swait.ge [sflag:s23], $0x80  }
0x79: {  	[sflag:s23] =	ssyncset.done $0x0  }
0x7a: {  	[sflag:s23] =	ssyncadd.s32 $0xFFFFFF80  }
0x7b: {  	[spmem:s1] =	stream.indirect.scatter.add.f32 [tilespmem:s20], [sflag:$0x3], $0x80, s19, s19, $0xb8;
	[tilespmem:$0x18100] =	vst v63  }
0x7c: {  	p0 =	sge.u32 s26, s4;
	_ =	swait.ge [sflag:s21], $0x4000  }
0x7d: {  	s24 =	sadd.s32 $0x1, s24;
	s25 =	sadd.s32 @!p0 s25, s15;
	[sflag:s21] =	ssyncset.done $0x0  }
0x7e: {  	s26 =	simm.s32 @!p0 $0x0;
	s28 =	simm.s32 @!p0 $0x80;
	[sflag:s21] =	ssyncadd.s32 $0xFFFFC000  }
0x7f: {  	[tilespmem:s28], [sflag:$0x2] =	stream.linear.gather @!p0 [hbm4b:s25+s26], $0x80, $0x38;
	[tilespmem:$0x18100] =	vst v63  }
0x80: {  	s31 =	sshrl.u32 s6, $0x3;
	s30 =	sshll.u32 s2, $0x6;
	p0 =	sne.s32 s24, s13  }
.Ltmp4:
0x81: {  	s25 =	sor.u32 $0x1C03, s30;
	[bflag:$0x0] =	sbarrier.arrive $0xFFFF;
	(pc) =	sbr.rel @p0 .LBB2_1-.Ltmp4, $4  }
0x82: {  	[hbm:s12], [sflag:s25] =	dma.local [spmem:s31], $0x2800  }
0x83: {  	_ =	swait.ge [sflag:s21], $0x2800  }
0x84: {  	[sflag:s21] =	ssyncset.done $0x0  }
0x85: {  	[sflag:s21] =	ssyncadd.s32 $0xFFFFD800  }
0x86: {  	_ =	sfence.sel $0x180000  }
0x87: {  	[bflag:$0x0] =	sbarrier.arrive $0xFFFF  }
0x88: {  	p0 =	sne.s32 s2, $0x0;
	_ =	strace $0x9000004A  }
0x89: {  	s0 =	sadd.s32 @!p0 $0x100000, s0;
	[bflag:$0x2] =	sbarrier.arrive $0xFFFF  }
0x8a: {  	[sflag:s0] =	ssyncadd.tile.s32 @!p0 $0x1;
	_ =	shalt  }
.Lfunc_end2:
_tile_overlayer_lowered:
.L_overlay_start_2:
0x8b: {  	(tag) =	ssettag $0x2  }
0x8c: {  	s0 =	rddreg [dreg:$0x0];
	s2 =	stileid.u32  }
0x8d: {  	s1 =	rddreg [dreg:$0x1];
	p0 =	sne.s32 s2, $0x0  }
0x8e: {  	s3 =	rddreg [dreg:$0x2];
	[bflag:$0x3] =	sbarrier.arrive $0xFFFF;
	s2 =	simm.s32 @!p0 $0x1C03  }
0x8f: {  	[timem:s3], [sflag:s2] =	dma.local @!p0 [hbm:s0], s1  }
0x90: {  	s0 =	simm.s32 @!p0 $0x3  }
0x91: {  	_ =	swait.ge @!p0 [sflag:s0], s1  }
0x92: {  	s1 =	ssub.s32 @!p0 $0x0, s1;
	[sflag:s0] =	ssyncset.done @!p0 $0x0  }
0x93: {  	[sflag:s0] =	ssyncadd.s32 @!p0 s1  }
0x94: {  	[bflag:$0x3] =	sbarrier.arrive $0xFFFF  }
0x95: {  	_ =	shalt  }

// kernel: kernel.13.cloned.1.call-start
scs
__scs_entry_jumppad:
0x0: {  	(pc) =	sbr.rel $0x88, $3  }
0x1: {  	(tag) =	ssettag $0x0;
	lr =	simm.s32 $0x1  }
0x2: {  	[smem:$0x3F97] =	sst lr;
	_ =	strace $0xD0000000  }
0x3: {  	_ = 	snop  }
0x4: {  	_ = 	snop  }
0x5: {  	_ = 	snop  }
0x6: {  	_ = 	snop  }
0x7: {  	_ = 	snop  }
__scs_overlays_trampoline_lowered:
0x8: {  	[smem:$0x3FA6] =	sst s0  }
0x9: {  	[smem:$0x3FA7] =	sst s1  }
0xa: {  	[smem:$0x3FA8] =	sst s2  }
0xb: {  	[smem:$0x3FA9] =	sst s3  }
0xc: {  	[smem:$0x3FAA] =	sst s4  }
0xd: {  	[smem:$0x3FAB] =	sst s5  }
0xe: {  	[smem:$0x3FAC] =	sst s6  }
0xf: {  	[smem:$0x3FAD] =	sst s7  }
0x10: {  	[smem:$0x3FAE] =	sst s8  }
0x11: {  	[smem:$0x3FAF] =	sst s9;
	s0 =	simm.s32 @!p0 $0x0  }
0x12: {  	s1 =	sld [smem:$0x3F95];
	s0 =	simm.s32 @p0 $0x1  }
0x13: {  	[smem:$0x3FB0] =	sst s0;
	s0 =	simm.s32 @!p1 $0x0  }
0x14: {  	s2 =	sld [smem:$0x3F94];
	s0 =	simm.s32 @p1 $0x1  }
0x15: {  	[smem:$0x3FB1] =	sst s0;
	s0 =	simm.s32 @!p2 $0x0  }
0x16: {  	s3 =	sld [smem:$0x3FDB];
	s0 =	simm.s32 @p2 $0x1  }
0x17: {  	s4 =	simm.s32 $0x1BF5;
	[smem:$0x3FB3] =	sst s0  }
0x18: {  	s0 =	sld [smem:$0x3F96];
	_ =	swait.ge [sflag:s4], $0x0  }
0x19: {  	s7 =	sld [smem:$0x3F97]  }
0x1a: {  	s8 =	sadd.s32 $0xFFFFE003, lr  }
0x1b: {  	s9 =	sadd.s32 $0xFFFFFEF7, lr;
	s5 =	simm.s32 $0xFFFFFFFF;
	p2 =	slt.u32 s8, $0xFFFFF086  }
0x1c: {  	p1 =	slt.u32 s9, $0xF7A;
	s5 =	simm.s32 @!p2 $0x0  }
0x1d: {  	s5 =	simm.s32 @p1 $0x1;
	p0 =	seq.s32 s7, s2  }
0x1e: {  	s7 =	smul.u32 @!p0 $0xF7A, s2;
	p2 =	seq.s32 @!p0 s5, $0x0  }
0x1f: {  	s9 =	smul.u32 $0xF7A, s1;
	s8 =	simm.s32 @!p0 $0x1BF5;
	p2 =	por !p2, p0  }
0x20: {  	[sflag:s8] =	ssyncset.s32 @!p0 $0xFFFFF086;
	s6 =	sadd.s32 @!p0 s3, s7;
	s7 =	simm.s32 @!p0 $0x108  }
0x21: {  	s3 =	sadd.s32 s3, s9;
	s6 =	sadd.s32 @!p0 $0x88, s6;
	s7 =	simm.s32 @p2 $0x1082  }
0x22: {  	[simem:s7], [sflag:s8] =	dma.local @!p0 [hbm:s6], $0xF7A  }
0x23: {  	s9 =	sor.u32 $0xD0000000, s2;
	s6 =	simm.s32 $0x108;
	_ =	swait.ge @!p0 [sflag:s8], $0x0  }
0x24: {  	s3 =	sadd.s32 $0x88, s3;
	s6 =	simm.s32 @!p1 $0x1082;
	[sflag:s4] =	ssyncset.s32 $0xFFFFF086  }
0x25: {  	[simem:s6], [sflag:s4] =	dma.local [hbm:s3], $0xF7A  }
0x26: {  	[smem:$0x3F97] =	sst s1;
	(tag) =	ssettag s2;
	_ =	strace s9  }
0x27: {  	s1 =	sld [smem:$0x3FA7]  }
0x28: {  	s2 =	sld [smem:$0x3FA8]  }
0x29: {  	s4 =	sld [smem:$0x3FAA]  }
0x2a: {  	p0 =	seq.s32 s5, $0x0;
	s5 =	sld [smem:$0x3FAB]  }
0x2b: {  	s6 =	sld [smem:$0x3FAC]  }
0x2c: {  	s7 =	sld [smem:$0x3FAD]  }
0x2d: {  	s3 =	simm.s32 $0x108;
	s8 =	sld [smem:$0x3FAE]  }
0x2e: {  	s3 =	simm.s32 @!p0 $0x1082;
	s9 =	sld [smem:$0x3FAF]  }
0x2f: {  	lr =	sadd.s32 s0, s3;
	s0 =	sld [smem:$0x3FA6]  }
0x30: {  	s3 =	sld [smem:$0x3FA9]  }
0x31: {  	[smem:$0x3FB2] =	sst s10  }
0x32: {  	s10 =	sld [smem:$0x3FB0];
	_ =	sdelay $0x3  }
0x33: {  	p0 =	seq.s32 s10, $0x1;
	s10 =	sld [smem:$0x3FB2];
	_ =	sdelay $0x3  }
0x34: {  	[smem:$0x3FB2] =	sst s10  }
0x35: {  	s10 =	sld [smem:$0x3FB1];
	_ =	sdelay $0x3  }
0x36: {  	p1 =	seq.s32 s10, $0x1;
	s10 =	sld [smem:$0x3FB2];
	_ =	sdelay $0x3  }
0x37: {  	[smem:$0x3FB2] =	sst s10  }
0x38: {  	s10 =	sld [smem:$0x3FB3]  }
0x39: {  	_ = 	snop;
	(pc) =	sbr.ind lr, $3  }
0x3a: {  	_ = 	snop  }
0x3b: {  	_ = 	snop  }
0x3c: {  	p2 =	seq.s32 s10, $0x1;
	s10 =	sld [smem:$0x3FB2]  }
0x3d: {  	_ =	shalt  }
0x3e: {  	_ =	shalt  }
0x3f: {  	_ =	shalt  }
0x40: {  	_ =	shalt  }
0x41: {  	_ =	shalt  }
0x42: {  	_ =	shalt  }
0x43: {  	_ =	shalt  }
0x44: {  	_ =	shalt  }
0x45: {  	_ =	shalt  }
0x46: {  	_ =	shalt  }
0x47: {  	_ =	shalt  }
0x48: {  	_ =	shalt  }
0x49: {  	_ =	shalt  }
0x4a: {  	_ =	shalt  }
0x4b: {  	_ =	shalt  }
0x4c: {  	_ =	shalt  }
0x4d: {  	_ =	shalt  }
0x4e: {  	_ =	shalt  }
0x4f: {  	_ =	shalt  }
0x50: {  	_ =	shalt  }
0x51: {  	_ =	shalt  }
0x52: {  	_ =	shalt  }
0x53: {  	_ =	shalt  }
0x54: {  	_ =	shalt  }
0x55: {  	_ =	shalt  }
0x56: {  	_ =	shalt  }
0x57: {  	_ =	shalt  }
0x58: {  	_ =	shalt  }
0x59: {  	_ =	shalt  }
0x5a: {  	_ =	shalt  }
0x5b: {  	_ =	shalt  }
0x5c: {  	_ =	shalt  }
0x5d: {  	_ =	shalt  }
0x5e: {  	_ =	shalt  }
0x5f: {  	_ =	shalt  }
0x60: {  	_ =	shalt  }
0x61: {  	_ =	shalt  }
0x62: {  	_ =	shalt  }
0x63: {  	_ =	shalt  }
0x64: {  	_ =	shalt  }
0x65: {  	_ =	shalt  }
0x66: {  	_ =	shalt  }
0x67: {  	_ =	shalt  }
0x68: {  	_ =	shalt  }
0x69: {  	_ =	shalt  }
0x6a: {  	_ =	shalt  }
0x6b: {  	_ =	shalt  }
0x6c: {  	_ =	shalt  }
0x6d: {  	_ =	shalt  }
0x6e: {  	_ =	shalt  }
0x6f: {  	_ =	shalt  }
0x70: {  	_ =	shalt  }
0x71: {  	_ =	shalt  }
0x72: {  	_ =	shalt  }
0x73: {  	_ =	shalt  }
0x74: {  	_ =	shalt  }
0x75: {  	_ =	shalt  }
0x76: {  	_ =	shalt  }
0x77: {  	_ =	shalt  }
0x78: {  	_ =	shalt  }
0x79: {  	_ =	shalt  }
0x7a: {  	_ =	shalt  }
0x7b: {  	_ =	shalt  }
0x7c: {  	_ =	shalt  }
0x7d: {  	_ =	shalt  }
0x7e: {  	_ =	shalt  }
0x7f: {  	_ =	shalt  }
0x80: {  	_ =	shalt  }
0x81: {  	_ =	shalt  }
0x82: {  	_ =	shalt  }
0x83: {  	_ =	shalt  }
0x84: {  	_ =	shalt  }
0x85: {  	_ =	shalt  }
0x86: {  	_ =	shalt  }
0x87: {  	_ =	shalt  }
.Lfunc_end0:
.L_simem_size_0:
called_computation.2_lowered:
.L_overlay_start_0:
0x88: {  	s2 =	sld [smem:$0x3FD9]  }
0x89: {  	s3 =	sld [smem:$0x3FFE];
	_ =	sdelay $0x1  }
0x8a: {  	s1 =	srdreg.scid  }
0x8b: {  	s0 =	sand.u32 $0x1, s1  }
0x8c: {  	s17 =	sshll.u32 s0, $0xA;
	s2 =	sadd.s32 s3, s2  }
0x8d: {  	s2 =	sadd.s32 s2, s17  }
0x8e: {  	[smem:$0x3FBE] =	sst s2  }
0x8f: {  	_ = 	snop  }
0x90: {  	s2 =	sld [smem:$0x3FD0];
	(tm) =	ssettm $0x1  }
0x91: {  	s18 =	sld [smem:$0x3FFB];
	_ =	sdelay $0x3  }
0x92: {  	_ =	strace s18  }
0x93: {  	s3 =	sld [smem:$0x3FFC];
	_ =	sdelay $0x3  }
0x94: {  	_ =	strace s3  }
0x95: {  	s3 =	sld [smem:$0x3FFD];
	_ =	sdelay $0x3  }
0x96: {  	_ =	strace s3  }
0x97: {  	_ =	strace $0x8FFFFFFF  }
0x98: {  	s19 =	sld [smem:$0x3FDB];
	_ =	sdelay $0x1  }
0x99: {  	s4 =	simm.s32 $_scs_section_size  }
0x9a: {  	s5 =	simm.s32 $_size__tile_overlayer_lowered;
	s6 =	simm.s32 $_tile_overlayer_lowered  }
0x9b: {  	s22 =	simm.s32 $0x1BFF;
	s21 =	sshll.u32 s6, $0x1;
	s3 =	sadd.s32 s4, s19  }
0x9c: {  	s7 =	simm.s32 $0x0;
	s20 =	sshll.u32 s5, $0x1;
	s5 =	sadd.s32 s21, s3  }
0x9d: {  	[timem:s7], [sflag:s22] =	dma.local [hbm:s5], s20  }
0x9e: {  	_ =	swait.ge [sflag:s22], s20  }
0x9f: {  	s4 =	ssub.s32 $0x0, s20;
	[sflag:s22] =	ssyncset.done $0x0  }
0xa0: {  	[sflag:s22] =	ssyncadd.s32 s4;
	_ =	sdelay $0x1  }
0xa1: {  	s23 =	simm.s32 $0x1B8B  }
0xa2: {  	_ =	swait.ge [sflag:s23], $0x1  }
0xa3: {  	[sflag:s23] =	ssyncset.done $0x0  }
0xa4: {  	s25 =	simm.s32 $0x1B8E;
	s24 =	sld [smem:$0x3FFE];
	[sflag:s23] =	ssyncadd.s32 $0xFFFFFFFF  }
0xa5: {  	s26 =	simm.s32 $execute0_lowered;
	[smem:$0x3FD2] =	sst s25  }
0xa6: {  	s5 =	sshll.u32 s26, $0x1;
	_ =	strace $0x8000004C;
	[dreg:$0x1] =	wrdreg $0xFFFFFFFF  }
0xa7: {  	s28 =	simm.s32 $_size_execute0_lowered;
	s3 =	sadd.s32 s3, s5;
	[dreg:$0x0] =	wrdreg $0x0  }
0xa8: {  	s5 =	sshll.u32 s28, $0x1;
	[dreg:$0x2] =	wrdreg s3  }
0xa9: {  	[dreg:$0x3] =	wrdreg s5  }
0xaa: {  	[dreg:$0x4] =	wrdreg $0xC0  }
0xab: {  	_ =	task [dreg:s7], $0x5FFFF  }
0xac: {  	[dreg:$0x1] =	wrdreg $0xFFFFFFFF  }
0xad: {  	[dreg:$0x0] =	wrdreg $0x60  }
0xae: {  	[dreg:$0x2] =	wrdreg s24  }
0xaf: {  	[dreg:$0x3] =	wrdreg s2  }
0xb0: {  	[dreg:$0x4] =	wrdreg $0xA9000  }
0xb1: {  	[dreg:$0x5] =	wrdreg $0x9  }
0xb2: {  	_ =	task.clear_ibuf [dreg:s7], $0x6FFFF;
	_ =	strace $0x9000004C  }
0xb3: {  	s29 =	simm.s32 $0x9;
	_ =	strace $0x8000004E  }
0xb4: {  	_ =	swait.ge [sflag:s29], $0x1  }
0xb5: {  	[sflag:s29] =	ssyncadd.s32 $0xFFFFFFFF  }
0xb6: {  	_ =	strace $0x9000004E  }
0xb7: {  	_ =	sfence  }
0xb8: {  	s30 =	sld [smem:$0x0];
	_ =	sdelay $0x2  }
0xb9: {  	s31 =	sshll.u32 s1, $0xD;
	s1 =	sshrl.u32 s1, $0x2  }
0xba: {  	s3 =	sand.u32 $0x4000, s31;
	s1 =	sadd.s32 s1, s30  }
0xbb: {  	s0 =	sor.u32 s3, s0;
	s1 =	sshll.u32 s1, $0x11  }
0xbc: {  	s0 =	sor.u32 s1, s0  }
0xbd: {  	s0 =	sadd.s32 $0x8F2B, s0  }
0xbe: {  	[sflag:s0] =	ssyncadd.remote.s32 $0x1  }
0xbf: {  	_ =	sfence.sel $0xFFFF  }
0xc0: {  	[dreg:$0x0] =	wrdreg $0xFFFFFFFF;
	(pc) =	sbr.abs _section_cstart, $3  }
0xc1: {  	[dreg:$0x1] =	wrdreg $0xFFFFFFFF  }
0xc2: {  	_ =	task.clear_ibuf [dreg:s7], $0x2FFFF;
	_ =	strace $0x9FFFFFFF  }
0xc3: {  	(tm) =	ssettm $0x7FFFFFFF  }
tec
execute0_lowered:
.L_overlay_start_1:
0x0: {  	(tag) =	ssettag $0x1  }
0x1: {  	s0 =	srdreg.scid  }
0x2: {  	s1 =	rddreg [dreg:$0x0];
	s13 =	stileid.u32  }
0x3: {  	s6 =	rddreg [dreg:$0x1];
	s3 =	simm.s32 $0x0;
	s28 =	simm.s32 $0x3  }
0x4: {  	s29 =	simm.s32 $0x1;
	s30 =	simm.s32 $0x4;
	s9 =	smul.u32 $0x14000, s13  }
0x5: {  	s31 =	simm.s32 $0x2;
	s0 =	sand.u32 $0x1, s0;
	s12 =	smul.u32 $0x50000, s13  }
0x6: {  	[smem:$0x7FF] =	sst s3;
	s4 =	sadd.s32 $0xBC00, s1;
	s8 =	smul.u32 $0x140000, s0  }
0x7: {  	s2 =	sshll.u32 s0, $0x4;
	s26 =	ssub.s32 $0x2, s0;
	s0 =	smul.u32 $0x28000, s0  }
0x8: {  	s5 =	sor.u32 s13, s2;
	s2 =	rddreg [dreg:$0x2];
	_ =	strace $0x8000004D  }
0x9: {  	s11 =	sshrl.u32 s26, $0x1;
	s7 =	smul.u32 $0x2800, s5;
	s8 =	sadd.s32 s9, s8  }
0xa: {  	p0 =	seq.s32 s5, $0x1F;
	s5 =	simm.s32 $0x14;
	s9 =	ssub.s32 s26, s11  }
0xb: {  	s11 =	sshrl.u32 s12, $0x2;
	s12 =	smul.u32 $0x2800, s13;
	s8 =	sshrl.u32 s8, $0x3  }
0xc: {  	s5 =	simm.s32 @!p0 $0x50;
	s21 =	smax.u32 s9, $0x1;
	s7 =	sshrl.u32 s7, $0x3  }
0xd: {  	s15 =	sadd.s32 s8, s1;
	s8 =	sadd.s32 s11, s2;
	s0 =	sadd.s32 s12, s0  }
0xe: {  	[dreg:$0xd] =	wrdreg s21;
	s22 =	sshll.u32 s5, $0x4;
	s21 =	simm.s32 $0x2900  }
0xf: {  	s10 =	sadd.s32 s7, s1;
	s1 =	sadd.s32 $0xB900, s1;
	s13 =	sadd.s32 $0x4000, s8  }
0x10: {  	s14 =	sadd.s32 $0x8000, s8;
	s16 =	sadd.s32 $0xC000, s8;
	[dreg:$0x6] =	wrdreg s1  }
0x11: {  	s17 =	sadd.s32 $0x10000, s8;
	s19 =	sadd.s32 $0xABC00, s15;
	[dreg:$0x7] =	wrdreg s13  }
0x12: {  	s20 =	sor.u32 $0x280, s0;
	s23 =	sor.u32 $0x200, s0;
	[dreg:$0x8] =	wrdreg s14  }
0x13: {  	s25 =	sor.u32 $0x100, s0;
	s0 =	sor.u32 $0x180, s0;
	[dreg:$0x9] =	wrdreg s16  }
0x14: {  	s10 =	sadd.s32 $0x1E00, s10;
	[dreg:$0xa] =	wrdreg s17;
	s13 =	sadd.s32 s6, s7  }
0x15: {  	[dreg:$0xc] =	wrdreg s19;
	s1 =	sshrl.u32 s20, $0x3;
	s17 =	sadd.s32 $0xFFFFFFE0, s22  }
0x16: {  	s24 =	sshrl.u32 s23, $0x3;
	s7 =	sshrl.u32 s25, $0x3;
	s0 =	sshrl.u32 s0, $0x3  }
0x17: {  	s22 =	simm.s32 $0x5;
	s23 =	simm.s32 $0x2800;
	s25 =	simm.s32 $0x2880  }
0x18: {  	[dreg:$0x5] =	wrdreg s10;
	s18 =	sadd.s32 $0x10, s13;
	s1 =	sadd.s32 s1, s6  }
0x19: {  	s26 =	sadd.s32 s7, s6;
	s20 =	sadd.s32 s0, s6;
	[dreg:$0xb] =	wrdreg s18  }
0x1a: {  	s18 =	sadd.s32 $0xFFFFFFE0, s1;
	s1 =	sadd.s32 s24, s6;
	[dreg:$0x4] =	wrdreg s26  }
0x1b: {  	v0 =	vimm.f32 $0.0e+00;
	s24 =	simm.s32 $0x80;
	s26 =	simm.s32 $0x6900;
	s19 =	sadd.s32 $0xFFFFFFE0, s1  }
.LBB2_1:
0x1c: {  	s0 =	simm.s32 @p0 $0x0;
	s1 =	rddreg [dreg:$0x6]  }
0x1d: {  	[tilespmem:s0], [sflag:$0x5] =	stream.linear.gather @p0 [hbm4b:s1+s0], $0xA00, $0x38;
	[tilespmem:$0x1E900] =	vst v63  }
0x1e: {  	s0 =	simm.s32 @p0 $0x5  }
0x1f: {  	_ =	swait.ge @p0 [sflag:s0], $0xA00  }
0x20: {  	[sflag:s0] =	ssyncset.done @p0 $0x0  }
0x21: {  	s1 =	rddreg [dreg:$0x5];
	[sflag:s0] =	ssyncadd.s32 @p0 $0xFFFFF600;
	s0 =	simm.s32 @!p0 $0x0  }
0x22: {  	[tilespmem:s0], [sflag:$0x5] =	stream.linear.gather @!p0 [hbm4b:s1+s0], $0x2800, $0x38;
	[tilespmem:$0x1E900] =	vst v63  }
0x23: {  	s0 =	simm.s32 @!p0 $0x5  }
0x24: {  	_ =	swait.ge @!p0 [sflag:s0], $0x2800  }
0x25: {  	[sflag:s0] =	ssyncset.done @!p0 $0x0  }
0x26: {  	s1 =	simm.s32 $0x200;
	[sflag:s0] =	ssyncadd.s32 @!p0 $0xFFFFD800;
	s0 =	simm.s32 $0x0  }
.LBB2_2:
0x27: {  	p1 =	sne.s32 s1, $0xFE00;
	[tilespmem:s0+$0x2970] =	vst v0  }
0x28: {  	[tilespmem:s0+$0x2900] =	vst v0  }
0x29: {  	[tilespmem:s0+$0x2910] =	vst v0  }
.Ltmp0:
0x2a: {  	[tilespmem:s0+$0x2920] =	vst v0;
	(pc) =	sbr.rel @p1 .LBB2_2-.Ltmp0, $4  }
0x2b: {  	[tilespmem:s0+$0x2930] =	vst v0  }
0x2c: {  	[tilespmem:s0+$0x2940] =	vst v0  }
0x2d: {  	[tilespmem:s0+$0x2950] =	vst v0  }
0x2e: {  	[tilespmem:s0+$0x2960] =	vst v0;
	s0 =	sshra.s32 s1, $0x2;
	s1 =	sadd.s32 $0x200, s1  }
0x2f: {  	[tilespmem:s0+$0x2970] =	vst v0  }
0x30: {  	[tilespmem:s0+$0x2900] =	vst v0  }
0x31: {  	[tilespmem:s0+$0x2910] =	vst v0  }
0x32: {  	[tilespmem:s0+$0x2920] =	vst v0  }
0x33: {  	[tilespmem:s0+$0x2930] =	vst v0  }
0x34: {  	[tilespmem:s0+$0x2940] =	vst v0  }
0x35: {  	[tilespmem:s0+$0x2950] =	vst v0  }
0x36: {  	[tilespmem:s0+$0x2960] =	vst v0  }
0x37: {  	[spmem:s8] =	stream.linear.scatter [tilespmem:s21], [sflag:$0x5], $0x4000, $0x38;
	[tilespmem:$0x1E900] =	vst v63  }
0x38: {  	_ =	swait.ge [sflag:s22], $0x4000  }
0x39: {  	[sflag:s22] =	ssyncset.done $0x0  }
0x3a: {  	s11 =	rddreg [dreg:$0x7];
	[sflag:s22] =	ssyncadd.s32 $0xFFFFC000  }
0x3b: {  	[spmem:s11] =	stream.linear.scatter [tilespmem:s21], [sflag:$0x5], $0x4000, $0x38;
	[tilespmem:$0x1E900] =	vst v63  }
0x3c: {  	_ =	swait.ge [sflag:s22], $0x4000  }
0x3d: {  	[sflag:s22] =	ssyncset.done $0x0  }
0x3e: {  	s12 =	rddreg [dreg:$0x8];
	[sflag:s22] =	ssyncadd.s32 $0xFFFFC000  }
0x3f: {  	[spmem:s12] =	stream.linear.scatter [tilespmem:s21], [sflag:$0x5], $0x4000, $0x38;
	[tilespmem:$0x1E900] =	vst v63  }
0x40: {  	_ =	swait.ge [sflag:s22], $0x4000  }
0x41: {  	[sflag:s22] =	ssyncset.done $0x0  }
0x42: {  	s14 =	rddreg [dreg:$0x9];
	[sflag:s22] =	ssyncadd.s32 $0xFFFFC000  }
0x43: {  	[spmem:s14] =	stream.linear.scatter [tilespmem:s21], [sflag:$0x5], $0x4000, $0x38;
	[tilespmem:$0x1E900] =	vst v63  }
0x44: {  	_ =	swait.ge [sflag:s22], $0x4000  }
0x45: {  	[sflag:s22] =	ssyncset.done $0x0  }
0x46: {  	s15 =	rddreg [dreg:$0xa];
	[sflag:s22] =	ssyncadd.s32 $0xFFFFC000  }
0x47: {  	[spmem:s15] =	stream.linear.scatter [tilespmem:s21], [sflag:$0x5], $0x4000, $0x38;
	[tilespmem:$0x1E900] =	vst v63  }
0x48: {  	_ =	swait.ge [sflag:s22], $0x4000  }
0x49: {  	[sflag:s22] =	ssyncset.done $0x0  }
0x4a: {  	s16 =	simm.s32 $0x0;
	[sflag:s22] =	ssyncadd.s32 $0xFFFFC000  }
0x4b: {  	[tilespmem:s23], [sflag:$0x3] =	stream.linear.gather [hbm4b:s13+s16], $0x80, $0x38;
	[tilespmem:$0x1E900] =	vst v63  }
0x4c: {  	_ = 	snop  }
0x4d: {  	[tilespmem:s21], [sflag:$0x1] =	stream.indirect.gather [hbm4b:s4+s24], $0x80, s16, s24, $0xb8;
	[tilespmem:$0x1E900] =	vst v63  }
0x4e: {  	s1 =	rddreg [dreg:$0xb]  }
0x4f: {  	[tilespmem:s25], [sflag:$0x4] =	stream.linear.gather [hbm4b:s1+s16], $0x80, $0x38;
	[tilespmem:$0x1E900] =	vst v63  }
0x50: {  	_ = 	snop  }
0x51: {  	[tilespmem:s26], [sflag:$0x2] =	stream.indirect.gather [hbm4b:s4+s24], $0x80, s24, s24, $0xb8;
	[tilespmem:$0x1E900] =	vst v63  }
0x52: {  	[bflag:$0x0] =	sbarrier.arrive $0xFFFF  }
0x53: {  	_ =	swait.ge [sflag:s28], $0x80  }
0x54: {  	[sflag:s28] =	ssyncset.done $0x0  }
0x55: {  	[sflag:s28] =	ssyncadd.s32 $0xFFFFFF80  }
0x56: {  	_ =	swait.ge [sflag:s29], $0x4000  }
0x57: {  	[sflag:s29] =	ssyncset.done $0x0  }
0x58: {  	[sflag:s29] =	ssyncadd.s32 $0xFFFFC000  }
0x59: {  	[spmem:s2] =	stream.indirect.scatter.add.f32 [tilespmem:s21], [sflag:$0x5], $0x80, s23, s24, $0xb8;
	[tilespmem:$0x1E900] =	vst v63  }
0x5a: {  	p1 =	sle.u32 s5, $0x2;
	_ =	swait.ge [sflag:s22], $0x4000  }
0x5b: {  	s6 =	simm.s32 @!p1 $0x2800;
	s0 =	rddreg [dreg:$0x4];
	[sflag:s22] =	ssyncset.done $0x0  }
0x5c: {  	s1 =	simm.s32 @!p1 $0x0;
	[sflag:s22] =	ssyncadd.s32 $0xFFFFC000;
	s0 =	sadd.s32 @!p1 $0x0, s0  }
0x5d: {  	[tilespmem:s6], [sflag:$0x3] =	stream.linear.gather @!p1 [hbm4b:s0+s1], $0x80, $0x38;
	[tilespmem:$0x1E900] =	vst v63  }
0x5e: {  	s0 =	simm.s32 @!p1 $0x2900;
	s1 =	simm.s32 @!p1 $0x100;
	s6 =	simm.s32 @!p1 $0x80  }
0x5f: {  	[tilespmem:s0], [sflag:$0x1] =	stream.indirect.gather @!p1 [hbm4b:s4+s6], $0x80, s1, s6, $0xb8;
	[tilespmem:$0x1E900] =	vst v63  }
0x60: {  	_ =	swait.ge [sflag:s30], $0x80  }
0x61: {  	[sflag:s30] =	ssyncset.done $0x0  }
0x62: {  	[sflag:s30] =	ssyncadd.s32 $0xFFFFFF80  }
0x63: {  	_ =	swait.ge [sflag:s31], $0x4000  }
0x64: {  	p2 =	sle.u32 s5, $0x3;
	[sflag:s31] =	ssyncset.done $0x0  }
0x65: {  	s9 =	simm.s32 $0x180;
	p1 =	sne.s32 s17, $0x20;
	[sflag:s31] =	ssyncadd.s32 $0xFFFFC000  }
0x66: {  	[spmem:s2] =	stream.indirect.scatter.add.f32 [tilespmem:s26], [sflag:$0x5], $0x80, s25, s24, $0xb8;
	[tilespmem:$0x1E900] =	vst v63  }
.Ltmp1:
0x67: {  	s7 =	simm.s32 @!p2 $0x2880;
	_ =	swait.ge [sflag:s22], $0x4000;
	(pc) =	sbr.rel @!p1 .LBB2_5-.Ltmp1, $4  }
0x68: {  	s11 =	simm.s32 @!p2 $0x6900;
	s1 =	simm.s32 $0x180;
	[sflag:s22] =	ssyncset.done $0x0  }
0x69: {  	s0 =	sadd.s32 @!p2 $0x0, s20;
	s6 =	simm.s32 @!p2 $0x0;
	[sflag:s22] =	ssyncadd.s32 $0xFFFFC000  }
0x6a: {  	[tilespmem:s7], [sflag:$0x4] =	stream.linear.gather @!p2 [hbm4b:s0+s6], $0x80, $0x38;
	[tilespmem:$0x1E900] =	vst v63  }
0x6b: {  	s0 =	simm.s32 $0x20;
	s6 =	simm.s32 $0x5;
	s7 =	simm.s32 $0x180  }
.LBB2_4:
0x6c: {  	s12 =	simm.s32 @!p2 $0x80  }
0x6d: {  	[tilespmem:s11], [sflag:$0x2] =	stream.indirect.gather @!p2 [hbm4b:s4+s12], $0x80, s9, s12, $0xb8;
	[tilespmem:$0x1E900] =	vst v63  }
0x6e: {  	_ =	swait.ge [sflag:s28], $0x80  }
0x6f: {  	[sflag:s28] =	ssyncset.done $0x0  }
0x70: {  	[sflag:s28] =	ssyncadd.s32 $0xFFFFFF80  }
0x71: {  	_ =	swait.ge [sflag:s29], $0x4000  }
0x72: {  	s7 =	smov.u32 s1;
	[sflag:s29] =	ssyncset.done $0x0  }
0x73: {  	s1 =	sadd.s32 $0x100, s1;
	s16 =	sadd.s32 $0xFFFFFFFF, s6;
	[sflag:s29] =	ssyncadd.s32 $0xFFFFC000  }
0x74: {  	[spmem:s2] =	stream.indirect.scatter.add.f32 [tilespmem:s21], [sflag:$0x5], $0x80, s23, s24, $0xb8;
	[tilespmem:$0x1E900] =	vst v63  }
0x75: {  	s10 =	smov.u32 s0;
	p2 =	sge.u32 s16, s5;
	_ =	swait.ge [sflag:s22], $0x4000  }
0x76: {  	s14 =	simm.s32 @!p2 $0x0;
	s11 =	rddreg [dreg:$0x4];
	[sflag:s22] =	ssyncset.done $0x0  }
0x77: {  	s15 =	simm.s32 @!p2 $0x2800;
	[sflag:s22] =	ssyncadd.s32 $0xFFFFC000;
	s11 =	sadd.s32 @!p2 s10, s11  }
0x78: {  	[tilespmem:s15], [sflag:$0x3] =	stream.linear.gather @!p2 [hbm4b:s11+s14], $0x80, $0x38;
	[tilespmem:$0x1E900] =	vst v63  }
0x79: {  	s12 =	simm.s32 @!p2 $0x2900;
	s16 =	sadd.s32 @!p2 $0xFFFFFF80, s1;
	s11 =	simm.s32 @!p2 $0x80  }
0x7a: {  	[tilespmem:s12], [sflag:$0x1] =	stream.indirect.gather @!p2 [hbm4b:s4+s11], $0x80, s16, s11, $0xb8;
	[tilespmem:$0x1E900] =	vst v63  }
0x7b: {  	_ =	swait.ge [sflag:s30], $0x80  }
0x7c: {  	[sflag:s30] =	ssyncset.done $0x0  }
0x7d: {  	[sflag:s30] =	ssyncadd.s32 $0xFFFFFF80  }
0x7e: {  	_ =	swait.ge [sflag:s31], $0x4000  }
0x7f: {  	s0 =	sadd.s32 $0x20, s0;
	[sflag:s31] =	ssyncset.done $0x0  }
0x80: {  	p1 =	sne.s32 s17, s0;
	[sflag:s31] =	ssyncadd.s32 $0xFFFFC000  }
0x81: {  	[spmem:s2] =	stream.indirect.scatter.add.f32 [tilespmem:s26], [sflag:$0x5], $0x80, s25, s24, $0xb8;
	[tilespmem:$0x1E900] =	vst v63  }
.Ltmp2:
0x82: {  	s9 =	smov.u32 s1;
	(pc) =	sbr.rel @p1 .LBB2_4-.Ltmp2, $4  }
0x83: {  	p2 =	sge.u32 s6, s5;
	s6 =	sadd.s32 $0x2, s6;
	_ =	swait.ge [sflag:s22], $0x4000  }
0x84: {  	s10 =	sadd.s32 @!p2 s10, s20;
	s11 =	simm.s32 @!p2 $0x6900;
	[sflag:s22] =	ssyncset.done $0x0  }
0x85: {  	s12 =	simm.s32 @!p2 $0x0;
	s14 =	simm.s32 @!p2 $0x2880;
	[sflag:s22] =	ssyncadd.s32 $0xFFFFC000  }
0x86: {  	[tilespmem:s14], [sflag:$0x4] =	stream.linear.gather @!p2 [hbm4b:s10+s12], $0x80, $0x38;
	[tilespmem:$0x1E900] =	vst v63  }
.LBB2_5:
0x87: {  	s10 =	simm.s32 @!p2 $0x80  }
0x88: {  	[tilespmem:s11], [sflag:$0x2] =	stream.indirect.gather @!p2 [hbm4b:s4+s10], $0x80, s9, s10, $0xb8;
	[tilespmem:$0x1E900] =	vst v63  }
0x89: {  	_ =	swait.ge [sflag:s28], $0x80  }
0x8a: {  	[sflag:s28] =	ssyncset.done $0x0  }
0x8b: {  	[sflag:s28] =	ssyncadd.s32 $0xFFFFFF80  }
0x8c: {  	_ =	swait.ge [sflag:s29], $0x4000  }
0x8d: {  	[sflag:s29] =	ssyncset.done $0x0  }
0x8e: {  	s11 =	sadd.s32 $0xFFFFFFFF, s6;
	[sflag:s29] =	ssyncadd.s32 $0xFFFFC000  }
0x8f: {  	[spmem:s2] =	stream.indirect.scatter.add.f32 [tilespmem:s21], [sflag:$0x5], $0x80, s23, s24, $0xb8;
	[tilespmem:$0x1E900] =	vst v63  }
0x90: {  	p1 =	sge.u32 s11, s5;
	_ =	swait.ge [sflag:s22], $0x4000  }
0x91: {  	s9 =	sadd.s32 @!p1 s0, s19;
	[sflag:s22] =	ssyncset.done $0x0  }
0x92: {  	s10 =	simm.s32 @!p1 $0x0;
	s11 =	simm.s32 @!p1 $0x2800;
	[sflag:s22] =	ssyncadd.s32 $0xFFFFC000  }
0x93: {  	[tilespmem:s11], [sflag:$0x3] =	stream.linear.gather @!p1 [hbm4b:s9+s10], $0x80, $0x38;
	[tilespmem:$0x1E900] =	vst v63  }
0x94: {  	s7 =	sadd.s32 @!p1 $0x80, s7;
	s9 =	simm.s32 @!p1 $0x80;
	s10 =	simm.s32 @!p1 $0x2900  }
0x95: {  	[tilespmem:s10], [sflag:$0x1] =	stream.indirect.gather @!p1 [hbm4b:s4+s9], $0x80, s7, s9, $0xb8;
	[tilespmem:$0x1E900] =	vst v63  }
0x96: {  	_ =	swait.ge [sflag:s30], $0x80  }
0x97: {  	[sflag:s30] =	ssyncset.done $0x0  }
0x98: {  	[sflag:s30] =	ssyncadd.s32 $0xFFFFFF80  }
0x99: {  	_ =	swait.ge [sflag:s31], $0x4000  }
0x9a: {  	[sflag:s31] =	ssyncset.done $0x0  }
0x9b: {  	[sflag:s31] =	ssyncadd.s32 $0xFFFFC000  }
0x9c: {  	[spmem:s2] =	stream.indirect.scatter.add.f32 [tilespmem:s26], [sflag:$0x5], $0x80, s25, s24, $0xb8;
	[tilespmem:$0x1E900] =	vst v63  }
0x9d: {  	p1 =	sge.u32 s6, s5;
	_ =	swait.ge [sflag:s22], $0x4000  }
0x9e: {  	s12 =	stileid.u32;
	s0 =	sadd.s32 @!p1 s0, s18;
	[sflag:s22] =	ssyncset.done $0x0  }
0x9f: {  	s6 =	simm.s32 @!p1 $0x0;
	s7 =	simm.s32 @!p1 $0x2880;
	[sflag:s22] =	ssyncadd.s32 $0xFFFFC000  }
0xa0: {  	[tilespmem:s7], [sflag:$0x4] =	stream.linear.gather @!p1 [hbm4b:s0+s6], $0x80, $0x38;
	[tilespmem:$0x1E900] =	vst v63  }
0xa1: {  	s0 =	sadd.s32 $0x100, s1;
	s1 =	simm.s32 @!p1 $0x80;
	s6 =	simm.s32 @!p1 $0x6900  }
0xa2: {  	[tilespmem:s6], [sflag:$0x2] =	stream.indirect.gather @!p1 [hbm4b:s4+s1], $0x80, s0, s1, $0xb8;
	[tilespmem:$0x1E900] =	vst v63  }
0xa3: {  	s0 =	sshll.u32 s12, $0x6;
	[bflag:$0x0] =	sbarrier.arrive $0xFFFF  }
0xa4: {  	s14 =	sshrl.u32 s8, $0x3;
	s0 =	sor.u32 $0x1C05, s0;
	s15 =	rddreg [dreg:$0xc]  }
0xa5: {  	[hbm:s15], [sflag:s0] =	dma.local [spmem:s14], $0x2800  }
0xa6: {  	_ =	swait.ge [sflag:s22], $0x2800  }
0xa7: {  	s3 =	sadd.s32 $0x1, s3;
	s16 =	rddreg [dreg:$0xd]  }
0xa8: {  	p1 =	sne.s32 s3, s16  }
.Ltmp3:
0xa9: {  	_ = 	snop;
	(pc) =	sbr.rel @p1 .LBB2_1-.Ltmp3, $3  }
0xaa: {  	_ =	sdelay $0x1  }
0xab: {  	[sflag:s22] =	ssyncset.done $0x0  }
0xac: {  	[sflag:s22] =	ssyncadd.s32 $0xFFFFD800  }
0xad: {  	_ =	sfence.sel $0x180000  }
0xae: {  	[bflag:$0x0] =	sbarrier.arrive $0xFFFF  }
0xaf: {  	_ =	strace $0x9000004D  }
0xb0: {  	s0 =	stileid.u32;
	[bflag:$0x2] =	sbarrier.arrive $0xFFFF  }
0xb1: {  	p0 =	sne.s32 s0, $0x0;
	s0 =	rddreg [dreg:$0x3]  }
0xb2: {  	s0 =	sadd.s32 @!p0 $0x100000, s0  }
0xb3: {  	[sflag:s0] =	ssyncadd.tile.s32 @!p0 $0x1;
	_ =	shalt  }
.Lfunc_end2:
_tile_overlayer_lowered:
.L_overlay_start_2:
0xb4: {  	(tag) =	ssettag $0x2  }
0xb5: {  	s0 =	rddreg [dreg:$0x0];
	s2 =	stileid.u32  }
0xb6: {  	s1 =	rddreg [dreg:$0x1];
	p0 =	sne.s32 s2, $0x0  }
0xb7: {  	s3 =	rddreg [dreg:$0x2];
	[bflag:$0x3] =	sbarrier.arrive $0xFFFF;
	s2 =	simm.s32 @!p0 $0x1C05  }
0xb8: {  	[timem:s3], [sflag:s2] =	dma.local @!p0 [hbm:s0], s1  }
0xb9: {  	s0 =	simm.s32 @!p0 $0x5  }
0xba: {  	_ =	swait.ge @!p0 [sflag:s0], s1  }
0xbb: {  	s1 =	ssub.s32 @!p0 $0x0, s1;
	[sflag:s0] =	ssyncset.done @!p0 $0x0  }
0xbc: {  	[sflag:s0] =	ssyncadd.s32 @!p0 s1  }
0xbd: {  	[bflag:$0x3] =	sbarrier.arrive $0xFFFF  }
0xbe: {  	_ =	shalt  }

// kernel: kernel.7.cloned.1.call-start
scs
__scs_entry_jumppad:
0x0: {  	(pc) =	sbr.rel $0x88, $3  }
0x1: {  	(tag) =	ssettag $0x0;
	lr =	simm.s32 $0x1  }
0x2: {  	[smem:$0x3F97] =	sst lr;
	_ =	strace $0xD0000000  }
0x3: {  	_ = 	snop  }
0x4: {  	_ = 	snop  }
0x5: {  	_ = 	snop  }
0x6: {  	_ = 	snop  }
0x7: {  	_ = 	snop  }
__scs_overlays_trampoline_lowered:
0x8: {  	[smem:$0x3FA6] =	sst s0  }
0x9: {  	[smem:$0x3FA7] =	sst s1  }
0xa: {  	[smem:$0x3FA8] =	sst s2  }
0xb: {  	[smem:$0x3FA9] =	sst s3  }
0xc: {  	[smem:$0x3FAA] =	sst s4  }
0xd: {  	[smem:$0x3FAB] =	sst s5  }
0xe: {  	[smem:$0x3FAC] =	sst s6  }
0xf: {  	[smem:$0x3FAD] =	sst s7  }
0x10: {  	[smem:$0x3FAE] =	sst s8  }
0x11: {  	[smem:$0x3FAF] =	sst s9;
	s0 =	simm.s32 @!p0 $0x0  }
0x12: {  	s1 =	sld [smem:$0x3F95];
	s0 =	simm.s32 @p0 $0x1  }
0x13: {  	[smem:$0x3FB0] =	sst s0;
	s0 =	simm.s32 @!p1 $0x0  }
0x14: {  	s2 =	sld [smem:$0x3F94];
	s0 =	simm.s32 @p1 $0x1  }
0x15: {  	[smem:$0x3FB1] =	sst s0;
	s0 =	simm.s32 @!p2 $0x0  }
0x16: {  	s3 =	sld [smem:$0x3FDB];
	s0 =	simm.s32 @p2 $0x1  }
0x17: {  	s4 =	simm.s32 $0x1BF5;
	[smem:$0x3FB3] =	sst s0  }
0x18: {  	s0 =	sld [smem:$0x3F96];
	_ =	swait.ge [sflag:s4], $0x0  }
0x19: {  	s7 =	sld [smem:$0x3F97]  }
0x1a: {  	s8 =	sadd.s32 $0xFFFFE003, lr  }
0x1b: {  	s9 =	sadd.s32 $0xFFFFFEF7, lr;
	s5 =	simm.s32 $0xFFFFFFFF;
	p2 =	slt.u32 s8, $0xFFFFF086  }
0x1c: {  	p1 =	slt.u32 s9, $0xF7A;
	s5 =	simm.s32 @!p2 $0x0  }
0x1d: {  	s5 =	simm.s32 @p1 $0x1;
	p0 =	seq.s32 s7, s2  }
0x1e: {  	s7 =	smul.u32 @!p0 $0xF7A, s2;
	p2 =	seq.s32 @!p0 s5, $0x0  }
0x1f: {  	s9 =	smul.u32 $0xF7A, s1;
	s8 =	simm.s32 @!p0 $0x1BF5;
	p2 =	por !p2, p0  }
0x20: {  	[sflag:s8] =	ssyncset.s32 @!p0 $0xFFFFF086;
	s6 =	sadd.s32 @!p0 s3, s7;
	s7 =	simm.s32 @!p0 $0x108  }
0x21: {  	s3 =	sadd.s32 s3, s9;
	s6 =	sadd.s32 @!p0 $0x88, s6;
	s7 =	simm.s32 @p2 $0x1082  }
0x22: {  	[simem:s7], [sflag:s8] =	dma.local @!p0 [hbm:s6], $0xF7A  }
0x23: {  	s9 =	sor.u32 $0xD0000000, s2;
	s6 =	simm.s32 $0x108;
	_ =	swait.ge @!p0 [sflag:s8], $0x0  }
0x24: {  	s3 =	sadd.s32 $0x88, s3;
	s6 =	simm.s32 @!p1 $0x1082;
	[sflag:s4] =	ssyncset.s32 $0xFFFFF086  }
0x25: {  	[simem:s6], [sflag:s4] =	dma.local [hbm:s3], $0xF7A  }
0x26: {  	[smem:$0x3F97] =	sst s1;
	(tag) =	ssettag s2;
	_ =	strace s9  }
0x27: {  	s1 =	sld [smem:$0x3FA7]  }
0x28: {  	s2 =	sld [smem:$0x3FA8]  }
0x29: {  	s4 =	sld [smem:$0x3FAA]  }
0x2a: {  	p0 =	seq.s32 s5, $0x0;
	s5 =	sld [smem:$0x3FAB]  }
0x2b: {  	s6 =	sld [smem:$0x3FAC]  }
0x2c: {  	s7 =	sld [smem:$0x3FAD]  }
0x2d: {  	s3 =	simm.s32 $0x108;
	s8 =	sld [smem:$0x3FAE]  }
0x2e: {  	s3 =	simm.s32 @!p0 $0x1082;
	s9 =	sld [smem:$0x3FAF]  }
0x2f: {  	lr =	sadd.s32 s0, s3;
	s0 =	sld [smem:$0x3FA6]  }
0x30: {  	s3 =	sld [smem:$0x3FA9]  }
0x31: {  	[smem:$0x3FB2] =	sst s10  }
0x32: {  	s10 =	sld [smem:$0x3FB0];
	_ =	sdelay $0x3  }
0x33: {  	p0 =	seq.s32 s10, $0x1;
	s10 =	sld [smem:$0x3FB2];
	_ =	sdelay $0x3  }
0x34: {  	[smem:$0x3FB2] =	sst s10  }
0x35: {  	s10 =	sld [smem:$0x3FB1];
	_ =	sdelay $0x3  }
0x36: {  	p1 =	seq.s32 s10, $0x1;
	s10 =	sld [smem:$0x3FB2];
	_ =	sdelay $0x3  }
0x37: {  	[smem:$0x3FB2] =	sst s10  }
0x38: {  	s10 =	sld [smem:$0x3FB3]  }
0x39: {  	_ = 	snop;
	(pc) =	sbr.ind lr, $3  }
0x3a: {  	_ = 	snop  }
0x3b: {  	_ = 	snop  }
0x3c: {  	p2 =	seq.s32 s10, $0x1;
	s10 =	sld [smem:$0x3FB2]  }
0x3d: {  	_ =	shalt  }
0x3e: {  	_ =	shalt  }
0x3f: {  	_ =	shalt  }
0x40: {  	_ =	shalt  }
0x41: {  	_ =	shalt  }
0x42: {  	_ =	shalt  }
0x43: {  	_ =	shalt  }
0x44: {  	_ =	shalt  }
0x45: {  	_ =	shalt  }
0x46: {  	_ =	shalt  }
0x47: {  	_ =	shalt  }
0x48: {  	_ =	shalt  }
0x49: {  	_ =	shalt  }
0x4a: {  	_ =	shalt  }
0x4b: {  	_ =	shalt  }
0x4c: {  	_ =	shalt  }
0x4d: {  	_ =	shalt  }
0x4e: {  	_ =	shalt  }
0x4f: {  	_ =	shalt  }
0x50: {  	_ =	shalt  }
0x51: {  	_ =	shalt  }
0x52: {  	_ =	shalt  }
0x53: {  	_ =	shalt  }
0x54: {  	_ =	shalt  }
0x55: {  	_ =	shalt  }
0x56: {  	_ =	shalt  }
0x57: {  	_ =	shalt  }
0x58: {  	_ =	shalt  }
0x59: {  	_ =	shalt  }
0x5a: {  	_ =	shalt  }
0x5b: {  	_ =	shalt  }
0x5c: {  	_ =	shalt  }
0x5d: {  	_ =	shalt  }
0x5e: {  	_ =	shalt  }
0x5f: {  	_ =	shalt  }
0x60: {  	_ =	shalt  }
0x61: {  	_ =	shalt  }
0x62: {  	_ =	shalt  }
0x63: {  	_ =	shalt  }
0x64: {  	_ =	shalt  }
0x65: {  	_ =	shalt  }
0x66: {  	_ =	shalt  }
0x67: {  	_ =	shalt  }
0x68: {  	_ =	shalt  }
0x69: {  	_ =	shalt  }
0x6a: {  	_ =	shalt  }
0x6b: {  	_ =	shalt  }
0x6c: {  	_ =	shalt  }
0x6d: {  	_ =	shalt  }
0x6e: {  	_ =	shalt  }
0x6f: {  	_ =	shalt  }
0x70: {  	_ =	shalt  }
0x71: {  	_ =	shalt  }
0x72: {  	_ =	shalt  }
0x73: {  	_ =	shalt  }
0x74: {  	_ =	shalt  }
0x75: {  	_ =	shalt  }
0x76: {  	_ =	shalt  }
0x77: {  	_ =	shalt  }
0x78: {  	_ =	shalt  }
0x79: {  	_ =	shalt  }
0x7a: {  	_ =	shalt  }
0x7b: {  	_ =	shalt  }
0x7c: {  	_ =	shalt  }
0x7d: {  	_ =	shalt  }
0x7e: {  	_ =	shalt  }
0x7f: {  	_ =	shalt  }
0x80: {  	_ =	shalt  }
0x81: {  	_ =	shalt  }
0x82: {  	_ =	shalt  }
0x83: {  	_ =	shalt  }
0x84: {  	_ =	shalt  }
0x85: {  	_ =	shalt  }
0x86: {  	_ =	shalt  }
0x87: {  	_ =	shalt  }
.Lfunc_end0:
.L_simem_size_0:
called_computation_lowered:
.L_overlay_start_0:
0x88: {  	s2 =	sld [smem:$0x3FD9]  }
0x89: {  	s3 =	sld [smem:$0x3FFE];
	_ =	sdelay $0x1  }
0x8a: {  	s1 =	srdreg.scid  }
0x8b: {  	s0 =	sand.u32 $0x1, s1  }
0x8c: {  	s17 =	sshll.u32 s0, $0xA;
	s2 =	sadd.s32 s3, s2  }
0x8d: {  	s2 =	sadd.s32 s2, s17  }
0x8e: {  	[smem:$0x3FBE] =	sst s2  }
0x8f: {  	_ = 	snop  }
0x90: {  	s2 =	sld [smem:$0x3FC9]  }
0x91: {  	s18 =	sld [smem:$0x3FD0];
	(tm) =	ssettm $0x1  }
0x92: {  	s4 =	sld [smem:$0x3FFB];
	_ =	sdelay $0x3  }
0x93: {  	_ =	strace s4  }
0x94: {  	s4 =	sld [smem:$0x3FFC];
	_ =	sdelay $0x3  }
0x95: {  	_ =	strace s4  }
0x96: {  	s4 =	sld [smem:$0x3FFD];
	_ =	sdelay $0x3  }
0x97: {  	_ =	strace s4  }
0x98: {  	_ =	strace $0x8FFFFFFF  }
0x99: {  	s19 =	sld [smem:$0x3FDB];
	_ =	sdelay $0x1  }
0x9a: {  	s5 =	simm.s32 $_scs_section_size  }
0x9b: {  	s6 =	simm.s32 $_size__tile_overlayer_lowered;
	s7 =	simm.s32 $_tile_overlayer_lowered  }
0x9c: {  	s22 =	simm.s32 $0x1BFF;
	s21 =	sshll.u32 s7, $0x1;
	s4 =	sadd.s32 s5, s19  }
0x9d: {  	s8 =	simm.s32 $0x0;
	s20 =	sshll.u32 s6, $0x1;
	s6 =	sadd.s32 s21, s4  }
0x9e: {  	[timem:s8], [sflag:s22] =	dma.local [hbm:s6], s20  }
0x9f: {  	_ =	swait.ge [sflag:s22], s20  }
0xa0: {  	s5 =	ssub.s32 $0x0, s20;
	[sflag:s22] =	ssyncset.done $0x0  }
0xa1: {  	[sflag:s22] =	ssyncadd.s32 s5;
	_ =	sdelay $0x1  }
0xa2: {  	s23 =	simm.s32 $0x1B8B  }
0xa3: {  	_ =	swait.ge [sflag:s23], $0x1  }
0xa4: {  	[sflag:s23] =	ssyncset.done $0x0  }
0xa5: {  	s25 =	simm.s32 $0x1B8E;
	s24 =	sld [smem:$0x3FFE];
	[sflag:s23] =	ssyncadd.s32 $0xFFFFFFFF  }
0xa6: {  	s26 =	simm.s32 $execute0_lowered;
	[smem:$0x3FD2] =	sst s25  }
0xa7: {  	s6 =	sshll.u32 s26, $0x1;
	_ =	strace $0x80000046;
	[dreg:$0x1] =	wrdreg $0xFFFFFFFF  }
0xa8: {  	s28 =	simm.s32 $_size_execute0_lowered;
	s4 =	sadd.s32 s4, s6;
	[dreg:$0x0] =	wrdreg $0x0  }
0xa9: {  	s6 =	sshll.u32 s28, $0x1;
	[dreg:$0x2] =	wrdreg s4  }
0xaa: {  	[dreg:$0x3] =	wrdreg s6  }
0xab: {  	[dreg:$0x4] =	wrdreg $0xC0  }
0xac: {  	_ =	task [dreg:s8], $0x5FFFF  }
0xad: {  	[dreg:$0x1] =	wrdreg $0xFFFFFFFF  }
0xae: {  	[dreg:$0x0] =	wrdreg $0x60  }
0xaf: {  	[dreg:$0x2] =	wrdreg s2  }
0xb0: {  	[dreg:$0x3] =	wrdreg s24  }
0xb1: {  	[dreg:$0x4] =	wrdreg s18  }
0xb2: {  	[dreg:$0x5] =	wrdreg $0xA9000  }
0xb3: {  	[dreg:$0x6] =	wrdreg $0x9  }
0xb4: {  	_ =	task.clear_ibuf [dreg:s8], $0x7FFFF;
	_ =	strace $0x90000046  }
0xb5: {  	s29 =	simm.s32 $0x9;
	_ =	strace $0x80000048  }
0xb6: {  	_ =	swait.ge [sflag:s29], $0x1  }
0xb7: {  	[sflag:s29] =	ssyncadd.s32 $0xFFFFFFFF  }
0xb8: {  	_ =	strace $0x90000048  }
0xb9: {  	_ =	sfence  }
0xba: {  	s30 =	sld [smem:$0x0];
	_ =	sdelay $0x2  }
0xbb: {  	s31 =	sshll.u32 s1, $0xD;
	s1 =	sshrl.u32 s1, $0x2  }
0xbc: {  	s3 =	sand.u32 $0x4000, s31;
	s1 =	sadd.s32 s1, s30  }
0xbd: {  	s0 =	sor.u32 s3, s0;
	s1 =	sshll.u32 s1, $0x11  }
0xbe: {  	s0 =	sor.u32 s1, s0  }
0xbf: {  	s0 =	sadd.s32 $0x8F2B, s0  }
0xc0: {  	[sflag:s0] =	ssyncadd.remote.s32 $0x1  }
0xc1: {  	_ =	sfence.sel $0xFFFF  }
0xc2: {  	[dreg:$0x0] =	wrdreg $0xFFFFFFFF;
	(pc) =	sbr.abs _section_cstart, $3  }
0xc3: {  	[dreg:$0x1] =	wrdreg $0xFFFFFFFF  }
0xc4: {  	_ =	task.clear_ibuf [dreg:s8], $0x2FFFF;
	_ =	strace $0x9FFFFFFF  }
0xc5: {  	(tm) =	ssettm $0x7FFFFFFF  }
tec
execute0_lowered:
.L_overlay_start_1:
0x0: {  	(tag) =	ssettag $0x1  }
0x1: {  	s1 =	rddreg [dreg:$0x0]  }
0x2: {  	s0 =	srdreg.scid;
	s2 =	rddreg [dreg:$0x1]  }
0x3: {  	s13 =	stileid.u32;
	s6 =	rddreg [dreg:$0x2];
	s4 =	simm.s32 $0x0  }
0x4: {  	s28 =	simm.s32 $0x3;
	s29 =	simm.s32 $0x1;
	s9 =	smul.u32 $0x14000, s13  }
0x5: {  	s30 =	simm.s32 $0x4;
	s0 =	sand.u32 $0x1, s0;
	s12 =	smul.u32 $0x50000, s13  }
0x6: {  	s31 =	simm.s32 $0x2;
	[smem:$0x7FF] =	sst s4;
	s8 =	smul.u32 $0x140000, s0  }
0x7: {  	s3 =	sshll.u32 s0, $0x4;
	s26 =	ssub.s32 $0x2, s0;
	s0 =	smul.u32 $0x28000, s0  }
0x8: {  	s5 =	sor.u32 s13, s3;
	s3 =	rddreg [dreg:$0x3];
	_ =	strace $0x80000047  }
0x9: {  	s11 =	sshrl.u32 s26, $0x1;
	s7 =	smul.u32 $0x2800, s5;
	s8 =	sadd.s32 s9, s8  }
0xa: {  	p0 =	seq.s32 s5, $0x1F;
	s5 =	simm.s32 $0x14;
	s9 =	ssub.s32 s26, s11  }
0xb: {  	s11 =	sshrl.u32 s12, $0x2;
	s12 =	smul.u32 $0x2800, s13;
	s8 =	sshrl.u32 s8, $0x3  }
0xc: {  	s5 =	simm.s32 @!p0 $0x50;
	s21 =	smax.u32 s9, $0x1;
	s7 =	sshrl.u32 s7, $0x3  }
0xd: {  	s15 =	sadd.s32 s8, s2;
	s8 =	sadd.s32 s11, s3;
	s0 =	sadd.s32 s12, s0  }
0xe: {  	[dreg:$0xe] =	wrdreg s21;
	s22 =	sshll.u32 s5, $0x4;
	s21 =	simm.s32 $0x2900  }
0xf: {  	s10 =	sadd.s32 s7, s2;
	s2 =	sadd.s32 $0xB900, s2;
	s13 =	sadd.s32 $0x4000, s8  }
0x10: {  	s14 =	sadd.s32 $0x8000, s8;
	s16 =	sadd.s32 $0xC000, s8;
	[dreg:$0x7] =	wrdreg s2  }
0x11: {  	s17 =	sadd.s32 $0x10000, s8;
	s19 =	sadd.s32 $0xBC00, s15;
	[dreg:$0x8] =	wrdreg s13  }
0x12: {  	s20 =	sor.u32 $0x280, s0;
	s23 =	sor.u32 $0x200, s0;
	[dreg:$0x9] =	wrdreg s14  }
0x13: {  	s25 =	sor.u32 $0x100, s0;
	s0 =	sor.u32 $0x180, s0;
	[dreg:$0xa] =	wrdreg s16  }
0x14: {  	s10 =	sadd.s32 $0x1E00, s10;
	[dreg:$0xb] =	wrdreg s17;
	s13 =	sadd.s32 s6, s7  }
0x15: {  	[dreg:$0xd] =	wrdreg s19;
	s2 =	sshrl.u32 s20, $0x3;
	s17 =	sadd.s32 $0xFFFFFFE0, s22  }
0x16: {  	s24 =	sshrl.u32 s23, $0x3;
	s7 =	sshrl.u32 s25, $0x3;
	s0 =	sshrl.u32 s0, $0x3  }
0x17: {  	s22 =	simm.s32 $0x5;
	s23 =	simm.s32 $0x2800;
	s25 =	simm.s32 $0x2880  }
0x18: {  	[dreg:$0x6] =	wrdreg s10;
	s18 =	sadd.s32 $0x10, s13;
	s2 =	sadd.s32 s2, s6  }
0x19: {  	s26 =	sadd.s32 s7, s6;
	s20 =	sadd.s32 s0, s6;
	[dreg:$0xc] =	wrdreg s18  }
0x1a: {  	s18 =	sadd.s32 $0xFFFFFFE0, s2;
	s2 =	sadd.s32 s24, s6;
	[dreg:$0x5] =	wrdreg s26  }
0x1b: {  	v0 =	vimm.f32 $0.0e+00;
	s24 =	simm.s32 $0x80;
	s26 =	simm.s32 $0x6900;
	s19 =	sadd.s32 $0xFFFFFFE0, s2  }
.LBB2_1:
0x1c: {  	s0 =	simm.s32 @p0 $0x0;
	s2 =	rddreg [dreg:$0x7]  }
0x1d: {  	[tilespmem:s0], [sflag:$0x5] =	stream.linear.gather @p0 [hbm4b:s2+s0], $0xA00, $0x38;
	[tilespmem:$0x1E900] =	vst v63  }
0x1e: {  	s0 =	simm.s32 @p0 $0x5  }
0x1f: {  	_ =	swait.ge @p0 [sflag:s0], $0xA00  }
0x20: {  	[sflag:s0] =	ssyncset.done @p0 $0x0  }
0x21: {  	s2 =	rddreg [dreg:$0x6];
	[sflag:s0] =	ssyncadd.s32 @p0 $0xFFFFF600;
	s0 =	simm.s32 @!p0 $0x0  }
0x22: {  	[tilespmem:s0], [sflag:$0x5] =	stream.linear.gather @!p0 [hbm4b:s2+s0], $0x2800, $0x38;
	[tilespmem:$0x1E900] =	vst v63  }
0x23: {  	s0 =	simm.s32 @!p0 $0x5  }
0x24: {  	_ =	swait.ge @!p0 [sflag:s0], $0x2800  }
0x25: {  	[sflag:s0] =	ssyncset.done @!p0 $0x0  }
0x26: {  	s2 =	simm.s32 $0x200;
	[sflag:s0] =	ssyncadd.s32 @!p0 $0xFFFFD800;
	s0 =	simm.s32 $0x0  }
.LBB2_2:
0x27: {  	p1 =	sne.s32 s2, $0xFE00;
	[tilespmem:s0+$0x2970] =	vst v0  }
0x28: {  	[tilespmem:s0+$0x2900] =	vst v0  }
0x29: {  	[tilespmem:s0+$0x2910] =	vst v0  }
.Ltmp0:
0x2a: {  	[tilespmem:s0+$0x2920] =	vst v0;
	(pc) =	sbr.rel @p1 .LBB2_2-.Ltmp0, $4  }
0x2b: {  	[tilespmem:s0+$0x2930] =	vst v0  }
0x2c: {  	[tilespmem:s0+$0x2940] =	vst v0  }
0x2d: {  	[tilespmem:s0+$0x2950] =	vst v0  }
0x2e: {  	[tilespmem:s0+$0x2960] =	vst v0;
	s0 =	sshra.s32 s2, $0x2;
	s2 =	sadd.s32 $0x200, s2  }
0x2f: {  	[tilespmem:s0+$0x2970] =	vst v0  }
0x30: {  	[tilespmem:s0+$0x2900] =	vst v0  }
0x31: {  	[tilespmem:s0+$0x2910] =	vst v0  }
0x32: {  	[tilespmem:s0+$0x2920] =	vst v0  }
0x33: {  	[tilespmem:s0+$0x2930] =	vst v0  }
0x34: {  	[tilespmem:s0+$0x2940] =	vst v0  }
0x35: {  	[tilespmem:s0+$0x2950] =	vst v0  }
0x36: {  	[tilespmem:s0+$0x2960] =	vst v0  }
0x37: {  	[spmem:s8] =	stream.linear.scatter [tilespmem:s21], [sflag:$0x5], $0x4000, $0x38;
	[tilespmem:$0x1E900] =	vst v63  }
0x38: {  	_ =	swait.ge [sflag:s22], $0x4000  }
0x39: {  	[sflag:s22] =	ssyncset.done $0x0  }
0x3a: {  	s11 =	rddreg [dreg:$0x8];
	[sflag:s22] =	ssyncadd.s32 $0xFFFFC000  }
0x3b: {  	[spmem:s11] =	stream.linear.scatter [tilespmem:s21], [sflag:$0x5], $0x4000, $0x38;
	[tilespmem:$0x1E900] =	vst v63  }
0x3c: {  	_ =	swait.ge [sflag:s22], $0x4000  }
0x3d: {  	[sflag:s22] =	ssyncset.done $0x0  }
0x3e: {  	s12 =	rddreg [dreg:$0x9];
	[sflag:s22] =	ssyncadd.s32 $0xFFFFC000  }
0x3f: {  	[spmem:s12] =	stream.linear.scatter [tilespmem:s21], [sflag:$0x5], $0x4000, $0x38;
	[tilespmem:$0x1E900] =	vst v63  }
0x40: {  	_ =	swait.ge [sflag:s22], $0x4000  }
0x41: {  	[sflag:s22] =	ssyncset.done $0x0  }
0x42: {  	s14 =	rddreg [dreg:$0xa];
	[sflag:s22] =	ssyncadd.s32 $0xFFFFC000  }
0x43: {  	[spmem:s14] =	stream.linear.scatter [tilespmem:s21], [sflag:$0x5], $0x4000, $0x38;
	[tilespmem:$0x1E900] =	vst v63  }
0x44: {  	_ =	swait.ge [sflag:s22], $0x4000  }
0x45: {  	[sflag:s22] =	ssyncset.done $0x0  }
0x46: {  	s15 =	rddreg [dreg:$0xb];
	[sflag:s22] =	ssyncadd.s32 $0xFFFFC000  }
0x47: {  	[spmem:s15] =	stream.linear.scatter [tilespmem:s21], [sflag:$0x5], $0x4000, $0x38;
	[tilespmem:$0x1E900] =	vst v63  }
0x48: {  	_ =	swait.ge [sflag:s22], $0x4000  }
0x49: {  	[sflag:s22] =	ssyncset.done $0x0  }
0x4a: {  	s16 =	simm.s32 $0x0;
	[sflag:s22] =	ssyncadd.s32 $0xFFFFC000  }
0x4b: {  	[tilespmem:s23], [sflag:$0x3] =	stream.linear.gather [hbm4b:s13+s16], $0x80, $0x38;
	[tilespmem:$0x1E900] =	vst v63  }
0x4c: {  	_ = 	snop  }
0x4d: {  	[tilespmem:s21], [sflag:$0x1] =	stream.indirect.gather [hbm4b:s1+s24], $0x80, s16, s24, $0xb8;
	[tilespmem:$0x1E900] =	vst v63  }
0x4e: {  	s2 =	rddreg [dreg:$0xc]  }
0x4f: {  	[tilespmem:s25], [sflag:$0x4] =	stream.linear.gather [hbm4b:s2+s16], $0x80, $0x38;
	[tilespmem:$0x1E900] =	vst v63  }
0x50: {  	_ = 	snop  }
0x51: {  	[tilespmem:s26], [sflag:$0x2] =	stream.indirect.gather [hbm4b:s1+s24], $0x80, s24, s24, $0xb8;
	[tilespmem:$0x1E900] =	vst v63  }
0x52: {  	[bflag:$0x0] =	sbarrier.arrive $0xFFFF  }
0x53: {  	_ =	swait.ge [sflag:s28], $0x80  }
0x54: {  	[sflag:s28] =	ssyncset.done $0x0  }
0x55: {  	[sflag:s28] =	ssyncadd.s32 $0xFFFFFF80  }
0x56: {  	_ =	swait.ge [sflag:s29], $0x4000  }
0x57: {  	[sflag:s29] =	ssyncset.done $0x0  }
0x58: {  	[sflag:s29] =	ssyncadd.s32 $0xFFFFC000  }
0x59: {  	[spmem:s3] =	stream.indirect.scatter.add.f32 [tilespmem:s21], [sflag:$0x5], $0x80, s23, s24, $0xb8;
	[tilespmem:$0x1E900] =	vst v63  }
0x5a: {  	p1 =	sle.u32 s5, $0x2;
	_ =	swait.ge [sflag:s22], $0x4000  }
0x5b: {  	s6 =	simm.s32 @!p1 $0x2800;
	s0 =	rddreg [dreg:$0x5];
	[sflag:s22] =	ssyncset.done $0x0  }
0x5c: {  	s2 =	simm.s32 @!p1 $0x0;
	[sflag:s22] =	ssyncadd.s32 $0xFFFFC000;
	s0 =	sadd.s32 @!p1 $0x0, s0  }
0x5d: {  	[tilespmem:s6], [sflag:$0x3] =	stream.linear.gather @!p1 [hbm4b:s0+s2], $0x80, $0x38;
	[tilespmem:$0x1E900] =	vst v63  }
0x5e: {  	s0 =	simm.s32 @!p1 $0x2900;
	s2 =	simm.s32 @!p1 $0x100;
	s6 =	simm.s32 @!p1 $0x80  }
0x5f: {  	[tilespmem:s0], [sflag:$0x1] =	stream.indirect.gather @!p1 [hbm4b:s1+s6], $0x80, s2, s6, $0xb8;
	[tilespmem:$0x1E900] =	vst v63  }
0x60: {  	_ =	swait.ge [sflag:s30], $0x80  }
0x61: {  	[sflag:s30] =	ssyncset.done $0x0  }
0x62: {  	[sflag:s30] =	ssyncadd.s32 $0xFFFFFF80  }
0x63: {  	_ =	swait.ge [sflag:s31], $0x4000  }
0x64: {  	p2 =	sle.u32 s5, $0x3;
	[sflag:s31] =	ssyncset.done $0x0  }
0x65: {  	s9 =	simm.s32 $0x180;
	p1 =	sne.s32 s17, $0x20;
	[sflag:s31] =	ssyncadd.s32 $0xFFFFC000  }
0x66: {  	[spmem:s3] =	stream.indirect.scatter.add.f32 [tilespmem:s26], [sflag:$0x5], $0x80, s25, s24, $0xb8;
	[tilespmem:$0x1E900] =	vst v63  }
.Ltmp1:
0x67: {  	s7 =	simm.s32 @!p2 $0x2880;
	_ =	swait.ge [sflag:s22], $0x4000;
	(pc) =	sbr.rel @!p1 .LBB2_5-.Ltmp1, $4  }
0x68: {  	s11 =	simm.s32 @!p2 $0x6900;
	s2 =	simm.s32 $0x180;
	[sflag:s22] =	ssyncset.done $0x0  }
0x69: {  	s0 =	sadd.s32 @!p2 $0x0, s20;
	s6 =	simm.s32 @!p2 $0x0;
	[sflag:s22] =	ssyncadd.s32 $0xFFFFC000  }
0x6a: {  	[tilespmem:s7], [sflag:$0x4] =	stream.linear.gather @!p2 [hbm4b:s0+s6], $0x80, $0x38;
	[tilespmem:$0x1E900] =	vst v63  }
0x6b: {  	s0 =	simm.s32 $0x20;
	s6 =	simm.s32 $0x5;
	s7 =	simm.s32 $0x180  }
.LBB2_4:
0x6c: {  	s12 =	simm.s32 @!p2 $0x80  }
0x6d: {  	[tilespmem:s11], [sflag:$0x2] =	stream.indirect.gather @!p2 [hbm4b:s1+s12], $0x80, s9, s12, $0xb8;
	[tilespmem:$0x1E900] =	vst v63  }
0x6e: {  	_ =	swait.ge [sflag:s28], $0x80  }
0x6f: {  	[sflag:s28] =	ssyncset.done $0x0  }
0x70: {  	[sflag:s28] =	ssyncadd.s32 $0xFFFFFF80  }
0x71: {  	_ =	swait.ge [sflag:s29], $0x4000  }
0x72: {  	s7 =	smov.u32 s2;
	[sflag:s29] =	ssyncset.done $0x0  }
0x73: {  	s2 =	sadd.s32 $0x100, s2;
	s16 =	sadd.s32 $0xFFFFFFFF, s6;
	[sflag:s29] =	ssyncadd.s32 $0xFFFFC000  }
0x74: {  	[spmem:s3] =	stream.indirect.scatter.add.f32 [tilespmem:s21], [sflag:$0x5], $0x80, s23, s24, $0xb8;
	[tilespmem:$0x1E900] =	vst v63  }
0x75: {  	s10 =	smov.u32 s0;
	p2 =	sge.u32 s16, s5;
	_ =	swait.ge [sflag:s22], $0x4000  }
0x76: {  	s14 =	simm.s32 @!p2 $0x0;
	s11 =	rddreg [dreg:$0x5];
	[sflag:s22] =	ssyncset.done $0x0  }
0x77: {  	s15 =	simm.s32 @!p2 $0x2800;
	[sflag:s22] =	ssyncadd.s32 $0xFFFFC000;
	s11 =	sadd.s32 @!p2 s10, s11  }
0x78: {  	[tilespmem:s15], [sflag:$0x3] =	stream.linear.gather @!p2 [hbm4b:s11+s14], $0x80, $0x38;
	[tilespmem:$0x1E900] =	vst v63  }
0x79: {  	s12 =	simm.s32 @!p2 $0x2900;
	s16 =	sadd.s32 @!p2 $0xFFFFFF80, s2;
	s11 =	simm.s32 @!p2 $0x80  }
0x7a: {  	[tilespmem:s12], [sflag:$0x1] =	stream.indirect.gather @!p2 [hbm4b:s1+s11], $0x80, s16, s11, $0xb8;
	[tilespmem:$0x1E900] =	vst v63  }
0x7b: {  	_ =	swait.ge [sflag:s30], $0x80  }
0x7c: {  	[sflag:s30] =	ssyncset.done $0x0  }
0x7d: {  	[sflag:s30] =	ssyncadd.s32 $0xFFFFFF80  }
0x7e: {  	_ =	swait.ge [sflag:s31], $0x4000  }
0x7f: {  	s0 =	sadd.s32 $0x20, s0;
	[sflag:s31] =	ssyncset.done $0x0  }
0x80: {  	p1 =	sne.s32 s17, s0;
	[sflag:s31] =	ssyncadd.s32 $0xFFFFC000  }
0x81: {  	[spmem:s3] =	stream.indirect.scatter.add.f32 [tilespmem:s26], [sflag:$0x5], $0x80, s25, s24, $0xb8;
	[tilespmem:$0x1E900] =	vst v63  }
.Ltmp2:
0x82: {  	s9 =	smov.u32 s2;
	(pc) =	sbr.rel @p1 .LBB2_4-.Ltmp2, $4  }
0x83: {  	p2 =	sge.u32 s6, s5;
	s6 =	sadd.s32 $0x2, s6;
	_ =	swait.ge [sflag:s22], $0x4000  }
0x84: {  	s10 =	sadd.s32 @!p2 s10, s20;
	s11 =	simm.s32 @!p2 $0x6900;
	[sflag:s22] =	ssyncset.done $0x0  }
0x85: {  	s12 =	simm.s32 @!p2 $0x0;
	s14 =	simm.s32 @!p2 $0x2880;
	[sflag:s22] =	ssyncadd.s32 $0xFFFFC000  }
0x86: {  	[tilespmem:s14], [sflag:$0x4] =	stream.linear.gather @!p2 [hbm4b:s10+s12], $0x80, $0x38;
	[tilespmem:$0x1E900] =	vst v63  }
.LBB2_5:
0x87: {  	s10 =	simm.s32 @!p2 $0x80  }
0x88: {  	[tilespmem:s11], [sflag:$0x2] =	stream.indirect.gather @!p2 [hbm4b:s1+s10], $0x80, s9, s10, $0xb8;
	[tilespmem:$0x1E900] =	vst v63  }
0x89: {  	_ =	swait.ge [sflag:s28], $0x80  }
0x8a: {  	[sflag:s28] =	ssyncset.done $0x0  }
0x8b: {  	[sflag:s28] =	ssyncadd.s32 $0xFFFFFF80  }
0x8c: {  	_ =	swait.ge [sflag:s29], $0x4000  }
0x8d: {  	[sflag:s29] =	ssyncset.done $0x0  }
0x8e: {  	s11 =	sadd.s32 $0xFFFFFFFF, s6;
	[sflag:s29] =	ssyncadd.s32 $0xFFFFC000  }
0x8f: {  	[spmem:s3] =	stream.indirect.scatter.add.f32 [tilespmem:s21], [sflag:$0x5], $0x80, s23, s24, $0xb8;
	[tilespmem:$0x1E900] =	vst v63  }
0x90: {  	p1 =	sge.u32 s11, s5;
	_ =	swait.ge [sflag:s22], $0x4000  }
0x91: {  	s9 =	sadd.s32 @!p1 s0, s19;
	[sflag:s22] =	ssyncset.done $0x0  }
0x92: {  	s10 =	simm.s32 @!p1 $0x0;
	s11 =	simm.s32 @!p1 $0x2800;
	[sflag:s22] =	ssyncadd.s32 $0xFFFFC000  }
0x93: {  	[tilespmem:s11], [sflag:$0x3] =	stream.linear.gather @!p1 [hbm4b:s9+s10], $0x80, $0x38;
	[tilespmem:$0x1E900] =	vst v63  }
0x94: {  	s7 =	sadd.s32 @!p1 $0x80, s7;
	s9 =	simm.s32 @!p1 $0x80;
	s10 =	simm.s32 @!p1 $0x2900  }
0x95: {  	[tilespmem:s10], [sflag:$0x1] =	stream.indirect.gather @!p1 [hbm4b:s1+s9], $0x80, s7, s9, $0xb8;
	[tilespmem:$0x1E900] =	vst v63  }
0x96: {  	_ =	swait.ge [sflag:s30], $0x80  }
0x97: {  	[sflag:s30] =	ssyncset.done $0x0  }
0x98: {  	[sflag:s30] =	ssyncadd.s32 $0xFFFFFF80  }
0x99: {  	_ =	swait.ge [sflag:s31], $0x4000  }
0x9a: {  	[sflag:s31] =	ssyncset.done $0x0  }
0x9b: {  	[sflag:s31] =	ssyncadd.s32 $0xFFFFC000  }
0x9c: {  	[spmem:s3] =	stream.indirect.scatter.add.f32 [tilespmem:s26], [sflag:$0x5], $0x80, s25, s24, $0xb8;
	[tilespmem:$0x1E900] =	vst v63  }
0x9d: {  	p1 =	sge.u32 s6, s5;
	_ =	swait.ge [sflag:s22], $0x4000  }
0x9e: {  	s12 =	stileid.u32;
	s0 =	sadd.s32 @!p1 s0, s18;
	[sflag:s22] =	ssyncset.done $0x0  }
0x9f: {  	s6 =	simm.s32 @!p1 $0x0;
	s7 =	simm.s32 @!p1 $0x2880;
	[sflag:s22] =	ssyncadd.s32 $0xFFFFC000  }
0xa0: {  	[tilespmem:s7], [sflag:$0x4] =	stream.linear.gather @!p1 [hbm4b:s0+s6], $0x80, $0x38;
	[tilespmem:$0x1E900] =	vst v63  }
0xa1: {  	s0 =	sadd.s32 $0x100, s2;
	s2 =	simm.s32 @!p1 $0x80;
	s6 =	simm.s32 @!p1 $0x6900  }
0xa2: {  	[tilespmem:s6], [sflag:$0x2] =	stream.indirect.gather @!p1 [hbm4b:s1+s2], $0x80, s0, s2, $0xb8;
	[tilespmem:$0x1E900] =	vst v63  }
0xa3: {  	s0 =	sshll.u32 s12, $0x6;
	[bflag:$0x0] =	sbarrier.arrive $0xFFFF  }
0xa4: {  	s14 =	sshrl.u32 s8, $0x3;
	s0 =	sor.u32 $0x1C05, s0;
	s15 =	rddreg [dreg:$0xd]  }
0xa5: {  	[hbm:s15], [sflag:s0] =	dma.local [spmem:s14], $0x2800  }
0xa6: {  	_ =	swait.ge [sflag:s22], $0x2800  }
0xa7: {  	s4 =	sadd.s32 $0x1, s4;
	s16 =	rddreg [dreg:$0xe]  }
0xa8: {  	p1 =	sne.s32 s4, s16  }
.Ltmp3:
0xa9: {  	_ = 	snop;
	(pc) =	sbr.rel @p1 .LBB2_1-.Ltmp3, $3  }
0xaa: {  	_ =	sdelay $0x1  }
0xab: {  	[sflag:s22] =	ssyncset.done $0x0  }
0xac: {  	[sflag:s22] =	ssyncadd.s32 $0xFFFFD800  }
0xad: {  	_ =	sfence.sel $0x180000  }
0xae: {  	[bflag:$0x0] =	sbarrier.arrive $0xFFFF  }
0xaf: {  	_ =	strace $0x90000047  }
0xb0: {  	s0 =	stileid.u32;
	[bflag:$0x2] =	sbarrier.arrive $0xFFFF  }
0xb1: {  	p0 =	sne.s32 s0, $0x0;
	s0 =	rddreg [dreg:$0x4]  }
0xb2: {  	s0 =	sadd.s32 @!p0 $0x100000, s0  }
0xb3: {  	[sflag:s0] =	ssyncadd.tile.s32 @!p0 $0x1;
	_ =	shalt  }
.Lfunc_end2:
_tile_overlayer_lowered:
.L_overlay_start_2:
0xb4: {  	(tag) =	ssettag $0x2  }
0xb5: {  	s0 =	rddreg [dreg:$0x0];
	s2 =	stileid.u32  }
0xb6: {  	s1 =	rddreg [dreg:$0x1];
	p0 =	sne.s32 s2, $0x0  }
0xb7: {  	s3 =	rddreg [dreg:$0x2];
	[bflag:$0x3] =	sbarrier.arrive $0xFFFF;
	s2 =	simm.s32 @!p0 $0x1C05  }
0xb8: {  	[timem:s3], [sflag:s2] =	dma.local @!p0 [hbm:s0], s1  }
0xb9: {  	s0 =	simm.s32 @!p0 $0x5  }
0xba: {  	_ =	swait.ge @!p0 [sflag:s0], s1  }
0xbb: {  	s1 =	ssub.s32 @!p0 $0x0, s1;
	[sflag:s0] =	ssyncset.done @!p0 $0x0  }
0xbc: {  	[sflag:s0] =	ssyncadd.s32 @!p0 s1  }
0xbd: {  	[bflag:$0x3] =	sbarrier.arrive $0xFFFF  }
0xbe: {  	_ =	shalt  }

</sc_bundles>
